<compile_context>
chip_gen: v7x
topology: tpu7x:2x2x1
jax: 0.10.2.dev20260603
libtpu: 0.0.44.dev20260713+nightly
codegen_flags: <defaults>
</compile_context>

<pallas_src>
import jax
import jax.numpy as jnp
from jax import lax
from jax.experimental import pallas as pl
from jax.experimental.pallas import tpu as pltpu
from jax.experimental.pallas import tpu_sc as plsc

N = 100000
C = 4
NUM_WORKERS = 32
LANES = 16
NODES_PER_W = N // NUM_WORKERS
CHUNK = 3328
ITERS = CHUNK // LANES
N_MAIN = (N // 128) * 128
TAIL = N - N_MAIN
MAX_BASE = N_MAIN - CHUNK

NB = 4
SUBS = (896, 896, 896, 640)
OFFS = (0, 896, 1792, 2688)
I_LO = 16
I_HI3 = 24
UNROLL = 2

_LN2 = 0.6931471805599453
_C0 = 2.2159764891e-07
_C1 = 9.9997024330e-01
_C2 = -4.9933394898e-01
_C3 = 3.2751171370e-01
_C4 = -2.2396689943e-01
_C5 = 1.3198966240e-01
_C6 = -5.3267477734e-02
_C7 = 1.0243828631e-02


def _log_f32(s):
    bits = lax.bitcast_convert_type(s, jnp.int32)
    e = (bits >> 23) - 127
    mbits = (bits & 0x7FFFFF) | 0x3F800000
    m = lax.bitcast_convert_type(mbits, jnp.float32)
    z = m - 1.0
    z2 = z * z
    z4 = z2 * z2
    ln_m = ((_C0 + _C1 * z) + (_C2 + _C3 * z) * z2
            + ((_C4 + _C5 * z) + (_C6 + _C7 * z) * z2) * z4)
    return e.astype(jnp.float32) * _LN2 + ln_m


def _node_losses(pv, mv, lv, sl):
    p0 = pv[0, sl]
    p1 = pv[1, sl]
    p2 = pv[2, sl]
    p3 = pv[3, sl]
    m0 = mv[0, sl]
    m1 = mv[1, sl]
    m2 = mv[2, sl]
    m3 = mv[3, sl]
    lbl = lv[sl]
    mx = jnp.maximum(jnp.maximum(p0, p1), jnp.maximum(p2, p3))
    s = ((jnp.exp(p0 - mx) + jnp.exp(p1 - mx))
         + (jnp.exp(p2 - mx) + jnp.exp(p3 - mx)))
    lse = _log_f32(s) + mx
    p_lbl = jnp.where(lbl == 0, p0,
                      jnp.where(lbl == 1, p1,
                                jnp.where(lbl == 2, p2, p3)))
    ce = lse - p_lbl
    mdot = (m0 * p0 + m1 * p1) + (m2 * p2 + m3 * p3)
    unl = lse - mdot
    return ce, unl, lbl


def _sc_body(pred_hbm, lbl_hbm, marg_hbm, out_hbm,
             pred0_v, marg0_v, lbl0_v, pred1_v, marg1_v, lbl1_v,
             pred2_v, marg2_v, lbl2_v, pred3_v, marg3_v, lbl3_v,
             tp_v, tm_v, tl_v, row_v, sem0, sem1, sem2, sem3, semt):
    pred_b = (pred0_v, pred1_v, pred2_v, pred3_v)
    marg_b = (marg0_v, marg1_v, marg2_v, marg3_v)
    lbl_b = (lbl0_v, lbl1_v, lbl2_v, lbl3_v)
    sems = (sem0, sem1, sem2, sem3)
    wid = lax.axis_index("s") * 2 + lax.axis_index("c")
    own_lo = wid * NODES_PER_W
    own_hi = jnp.minimum(own_lo + NODES_PER_W, N_MAIN)
    base = pl.multiple_of(
        jnp.minimum((own_lo // 128) * 128, MAX_BASE), 128)

    def quarter_copies(h):
        bh = pl.multiple_of(base + OFFS[h], 128)
        return [
            pltpu.make_async_copy(pred_hbm.at[:, pl.ds(bh, SUBS[h])],
                                  pred_b[h], sems[h]),
            pltpu.make_async_copy(marg_hbm.at[:, pl.ds(bh, SUBS[h])],
                                  marg_b[h], sems[h]),
            pltpu.make_async_copy(lbl_hbm.at[pl.ds(bh, SUBS[h])],
                                  lbl_b[h], sems[h]),
        ]

    tail_copies = [
        pltpu.make_async_copy(pred_hbm.at[:, pl.ds(N_MAIN, TAIL)], tp_v, semt),
        pltpu.make_async_copy(marg_hbm.at[:, pl.ds(N_MAIN, TAIL)], tm_v, semt),
        pltpu.make_async_copy(lbl_hbm.at[pl.ds(N_MAIN, TAIL)], tl_v, semt),
    ]
    copies = [quarter_copies(h) for h in range(NB)]

    for cp in copies[0]:
        cp.start()
    for cp in tail_copies:
        cp.start()

    lane = lax.iota(jnp.int32, LANES)
    zero = jnp.zeros((LANES,), jnp.float32)

    def make_masked(h):
        def masked_body(i, carry):
            ps, pc, us, uc = carry
            ce, unl, lbl = _node_losses(pred_b[h], marg_b[h],
                                        lbl_b[h], pl.ds(i * LANES, LANES))
            g = base + OFFS[h] + i * LANES + lane
            valid = (g >= own_lo) & (g < own_hi)
            posf = jnp.where(valid & (lbl > 0), 1.0, 0.0)
            unlf = jnp.where(valid & (lbl == 0), 1.0, 0.0)
            return (ps + ce * posf, pc + posf, us + unl * unlf, uc + unlf)
        return masked_body

    def run_interior(h, lo, hi, carry):
        @plsc.parallel_loop(lo, hi, unroll=UNROLL, carry=carry)
        def interior(i, c):
            ps, pc, us, uc = c
            ce, unl, lbl = _node_losses(pred_b[h], marg_b[h],
                                        lbl_b[h], pl.ds(i * LANES, LANES))
            posf = jnp.where(lbl > 0, 1.0, 0.0)
            return (ps + ce * posf, pc + posf,
                    us + (unl - unl * posf), uc + (1.0 - posf))
        return interior

    acc = (zero, zero, zero, zero)
    for h in range(NB):
        for cp in copies[h]:
            cp.wait()
        if h + 1 < NB:
            for cp in copies[h + 1]:
                cp.start()
        sub_iters = SUBS[h] // LANES
        lo = I_LO if h == 0 else 0
        hi = I_HI3 if h == NB - 1 else sub_iters
        if lo > 0:
            acc = lax.fori_loop(0, lo, make_masked(h), acc)
        acc = run_interior(h, lo, hi, acc)
        if hi < sub_iters:
            acc = lax.fori_loop(hi, sub_iters, make_masked(h), acc)

    def tail_body(j, carry):
        ps, pc, us, uc = carry
        ce, unl, lbl = _node_losses(tp_v, tm_v, tl_v,
                                    pl.ds(j * LANES, LANES))
        mine = wid == (NUM_WORKERS - 1)
        posf = jnp.where(mine & (lbl > 0), 1.0, 0.0)
        unlf = jnp.where(mine & (lbl == 0), 1.0, 0.0)
        return (ps + ce * posf, pc + posf, us + unl * unlf, uc + unlf)

    for cp in tail_copies:
        cp.wait()
    acc = lax.fori_loop(0, TAIL // LANES, tail_body, acc)

    ps, pc, us, uc = acc
    pss = jnp.sum(ps, axis=0)
    pcs = jnp.sum(pc, axis=0)
    uss = jnp.sum(us, axis=0)
    ucs = jnp.sum(uc, axis=0)

    packed = (jnp.where(lane == 0, pss, 0.0)
              + jnp.where(lane == 1, pcs, 0.0)
              + jnp.where(lane == 2, uss, 0.0)
              + jnp.where(lane == 3, ucs, 0.0))
    row_v[...] = packed
    pltpu.sync_copy(row_v, out_hbm.at[wid])


@jax.jit
def _hope_loss(pred_t, labels_i32, marg_t):
    mesh = plsc.VectorSubcoreMesh(core_axis_name="c", subcore_axis_name="s")
    partials = pl.kernel(
        _sc_body,
        out_type=jax.ShapeDtypeStruct((NUM_WORKERS, LANES), jnp.float32),
        mesh=mesh,
        scratch_types=(
            [v for sub in SUBS for v in
             (pltpu.VMEM((C, sub), jnp.float32),
              pltpu.VMEM((C, sub), jnp.float32),
              pltpu.VMEM((sub,), jnp.int32))]
            + [pltpu.VMEM((C, TAIL), jnp.float32),
               pltpu.VMEM((C, TAIL), jnp.float32),
               pltpu.VMEM((TAIL,), jnp.int32),
               pltpu.VMEM((LANES,), jnp.float32)]
            + [pltpu.SemaphoreType.DMA] * (NB + 1)
        ),
        compiler_params=pltpu.CompilerParams(
            needs_layout_passes=False,
            disable_bounds_checks=True,
            disable_semaphore_checks=True,
        ),
    )(pred_t, labels_i32, marg_t)
    tot = partials[0]
    for i in range(1, NUM_WORKERS):
        tot = tot + partials[i]
    pos_loss = tot[0] / jnp.maximum(tot[1], 1.0)
    unl_loss = tot[2] / jnp.maximum(tot[3], 1.0)
    return pos_loss + unl_loss


def kernel(predictions, labels, marginals):
    return _hope_loss(
        predictions.T,
        labels.astype(jnp.int32),
        marginals.T.astype(jnp.float32),
    )

# --- scband reference (transcript-rebuilt; emitter-appended) ---
"""Pipeline reference for scband-hope-loss-47296179863988 (READ-ONLY COPY).

The authoritative reference and input builder live on the scoring server;
editing this copy changes nothing except your own understanding.
"""

import jax, jax.numpy as jnp
import numpy as np

NUM_NODES = 100000
NUM_CLASS = 4


def setup_inputs(seed: int = 0) -> dict:
    key = jax.random.key(seed)
    k1, k2, k3 = jax.random.split(key, 3)
    predictions = jax.random.normal(k1, (NUM_NODES, NUM_CLASS), dtype=jnp.float32)
    labels = jax.random.randint(k2, (NUM_NODES,), 0, NUM_CLASS)
    # trn_labels drive to_initial_priors (recompute=False path): one-hot marginals buffer
    trn_labels = jax.random.randint(k3, (NUM_NODES,), 0, NUM_CLASS)
    marginals = jax.nn.one_hot(trn_labels, NUM_CLASS, dtype=jnp.float32)
    return {"predictions": predictions, "labels": labels, "marginals": marginals}


def reference(predictions, labels, marginals):
    # PU loss: supervised CE (reduction='none' then averaged) on labeled nodes (labels > 0),
    # unsupervised soft-target CE against precomputed marginals on unlabeled nodes (labels == 0).
    labels = labels.astype(jnp.int32)
    logp = jax.nn.log_softmax(predictions, axis=1)
    # element-wise cross-entropy (nn.CrossEntropyLoss(reduction='none'))
    ce = -jnp.take_along_axis(logp, labels[:, None], axis=1)[:, 0]
    pos_mask = (labels > 0).astype(jnp.float32)
    unl_mask = 1.0 - pos_mask
    # expected (marginal-weighted) cross-entropy for unlabeled nodes
    unl_ce = -(marginals * logp).sum(axis=1)
    pos_loss = (ce * pos_mask).sum() / jnp.maximum(pos_mask.sum(), 1.0)
    unl_loss = (unl_ce * unl_mask).sum() / jnp.maximum(unl_mask.sum(), 1.0)
    return pos_loss + unl_loss

if __name__ == "__main__":
    import jax
    _d = setup_inputs()
    print(jax.jit(kernel)(*tuple(_d.values())))

</pallas_src>

<mosaic_0001>
#map = affine_map<(d0, d1) -> (0, 0)>
#map1 = affine_map<(d0, d1) -> (0)>
module attributes {stable_mosaic.version = 14 : i64} {
  func.func @_sc_body(%arg0: i32, %arg1: i32, %arg2: memref<4x100000xf32, #tpu.memory_space<hbm>>, %arg3: memref<100000xi32, #tpu.memory_space<hbm>>, %arg4: memref<4x100000xf32, #tpu.memory_space<hbm>>, %arg5: memref<32x16xf32, #tpu.memory_space<hbm>>, %arg6: memref<4x896xf32, #tpu.memory_space<vmem>>, %arg7: memref<4x896xf32, #tpu.memory_space<vmem>>, %arg8: memref<896xi32, #tpu.memory_space<vmem>>, %arg9: memref<4x896xf32, #tpu.memory_space<vmem>>, %arg10: memref<4x896xf32, #tpu.memory_space<vmem>>, %arg11: memref<896xi32, #tpu.memory_space<vmem>>, %arg12: memref<4x896xf32, #tpu.memory_space<vmem>>, %arg13: memref<4x896xf32, #tpu.memory_space<vmem>>, %arg14: memref<896xi32, #tpu.memory_space<vmem>>, %arg15: memref<4x640xf32, #tpu.memory_space<vmem>>, %arg16: memref<4x640xf32, #tpu.memory_space<vmem>>, %arg17: memref<640xi32, #tpu.memory_space<vmem>>, %arg18: memref<4x32xf32, #tpu.memory_space<vmem>>, %arg19: memref<4x32xf32, #tpu.memory_space<vmem>>, %arg20: memref<32xi32, #tpu.memory_space<vmem>>, %arg21: memref<16xf32, #tpu.memory_space<vmem>>, %arg22: memref<!tpu.dma_semaphore, #tpu.memory_space<semaphore_mem>>, %arg23: memref<!tpu.dma_semaphore, #tpu.memory_space<semaphore_mem>>, %arg24: memref<!tpu.dma_semaphore, #tpu.memory_space<semaphore_mem>>, %arg25: memref<!tpu.dma_semaphore, #tpu.memory_space<semaphore_mem>>, %arg26: memref<!tpu.dma_semaphore, #tpu.memory_space<semaphore_mem>>) attributes {dimension_semantics = [#tpu.dimension_semantics<core_parallel>, #tpu.dimension_semantics<subcore_parallel>], iteration_bounds = array<i64: 2, 16>, scalar_prefetch = 0 : i64, scratch_operands = 21 : i64, tpu.core_type = #tpu.core_type<sc_vector_subcore>, window_params = [{transform_indices = #map}, {transform_indices = #map1}, {transform_indices = #map}, {transform_indices = #map}]} {
    %mul3A = arith.constant 2 : i32
    %mul3A_0 = arith.muli %arg1, %mul3A : i32
    %add3A = arith.addi %mul3A_0, %arg0 : i32
    %mul3A_1 = arith.constant 3125 : i32
    %mul3A_2 = arith.muli %add3A, %mul3A_1 : i32
    %add3A_3 = arith.constant 3125 : i32
    %add3A_4 = arith.addi %mul3A_2, %add3A_3 : i32
    %min3A = arith.constant 99968 : i32
    %min3A_5 = arith.minsi %add3A_4, %min3A : i32
    %jit3A = arith.constant 128 : i32
    %div3A = arith.divsi %mul3A_2, %jit3A : i32
    %sign3A = arith.constant 0 : i32
    %sign3A_6 = arith.cmpi sgt, %mul3A_2, %sign3A : i32
    %sign3A_7 = arith.extui %sign3A_6 : i1 to i32
    %sign3A_8 = arith.constant 0 : i32
    %sign3A_9 = arith.cmpi slt, %mul3A_2, %sign3A_8 : i32
    %sign3A_10 = arith.extui %sign3A_9 : i1 to i32
    %sign3A_11 = arith.subi %sign3A_7, %sign3A_10 : i32
    %sign3A_12 = arith.constant 0 : i32
    %sign3A_13 = arith.cmpi sgt, %jit3A, %sign3A_12 : i32
    %sign3A_14 = arith.extui %sign3A_13 : i1 to i32
    %sign3A_15 = arith.constant 0 : i32
    %sign3A_16 = arith.cmpi slt, %jit3A, %sign3A_15 : i32
    %sign3A_17 = arith.extui %sign3A_16 : i1 to i32
    %sign3A_18 = arith.subi %sign3A_14, %sign3A_17 : i32
    %ne3A = arith.cmpi ne, %sign3A_11, %sign3A_18 : i32
    %rem3A = arith.remsi %mul3A_2, %jit3A : i32
    %ne3A_19 = arith.constant 0 : i32
    %ne3A_20 = arith.cmpi ne, %rem3A, %ne3A_19 : i32
    %and3A = arith.andi %ne3A, %ne3A_20 : i1
    %sub3A = arith.constant 1 : i32
    %sub3A_21 = arith.subi %div3A, %sub3A : i32
    %select_n3A = arith.select %and3A, %sub3A_21, %div3A : i32
    %mul3A_22 = arith.constant 128 : i32
    %mul3A_23 = arith.muli %select_n3A, %mul3A_22 : i32
    %min3A_24 = arith.constant 96640 : i32
    %min3A_25 = arith.minsi %mul3A_23, %min3A_24 : i32
    %multiple_of3A = tpu.assume_multiple %min3A_25, 128 : i32
    %add3A_26 = arith.constant 0 : i32
    %add3A_27 = arith.addi %multiple_of3A, %add3A_26 : i32
    %multiple_of3A_28 = tpu.assume_multiple %add3A_27, 128 : i32
    %add3A_29 = arith.constant 896 : i32
    %add3A_30 = arith.addi %multiple_of3A, %add3A_29 : i32
    %multiple_of3A_31 = tpu.assume_multiple %add3A_30, 128 : i32
    %add3A_32 = arith.constant 1792 : i32
    %add3A_33 = arith.addi %multiple_of3A, %add3A_32 : i32
    %multiple_of3A_34 = tpu.assume_multiple %add3A_33, 128 : i32
    %add3A_35 = arith.constant 2688 : i32
    %add3A_36 = arith.addi %multiple_of3A, %add3A_35 : i32
    %multiple_of3A_37 = tpu.assume_multiple %add3A_36, 128 : i32
    %dma_start3A = arith.constant 0 : i32
    %dma_start3A_38 = tpu.memref_slice %arg2[%dma_start3A, %multiple_of3A_28] : memref<4x100000xf32, #tpu.memory_space<hbm>> -> memref<4x896xf32, #tpu.memory_space<hbm>>
    %dma_start3A_39 = arith.constant 0 : i32
    %dma_start3A_40 = tpu.memref_slice %arg2[%dma_start3A_39, %multiple_of3A_28] : memref<4x100000xf32, #tpu.memory_space<hbm>> -> memref<4x896xf32, #tpu.memory_space<hbm>>
    tpu.enqueue_dma source(%dma_start3A_40 : memref<4x896xf32, #tpu.memory_space<hbm>>) target(%arg6 : memref<4x896xf32, #tpu.memory_space<vmem>>) target_semaphore(%arg22 : memref<!tpu.dma_semaphore, #tpu.memory_space<semaphore_mem>>)
    %dma_start3A_41 = arith.constant 0 : i32
    %dma_start3A_42 = tpu.memref_slice %arg4[%dma_start3A_41, %multiple_of3A_28] : memref<4x100000xf32, #tpu.memory_space<hbm>> -> memref<4x896xf32, #tpu.memory_space<hbm>>
    %dma_start3A_43 = arith.constant 0 : i32
    %dma_start3A_44 = tpu.memref_slice %arg4[%dma_start3A_43, %multiple_of3A_28] : memref<4x100000xf32, #tpu.memory_space<hbm>> -> memref<4x896xf32, #tpu.memory_space<hbm>>
    tpu.enqueue_dma source(%dma_start3A_44 : memref<4x896xf32, #tpu.memory_space<hbm>>) target(%arg7 : memref<4x896xf32, #tpu.memory_space<vmem>>) target_semaphore(%arg22 : memref<!tpu.dma_semaphore, #tpu.memory_space<semaphore_mem>>)
    %dma_start3A_45 = tpu.memref_slice %arg3[%multiple_of3A_28] : memref<100000xi32, #tpu.memory_space<hbm>> -> memref<896xi32, #tpu.memory_space<hbm>>
    %dma_start3A_46 = tpu.memref_slice %arg3[%multiple_of3A_28] : memref<100000xi32, #tpu.memory_space<hbm>> -> memref<896xi32, #tpu.memory_space<hbm>>
    tpu.enqueue_dma source(%dma_start3A_46 : memref<896xi32, #tpu.memory_space<hbm>>) target(%arg8 : memref<896xi32, #tpu.memory_space<vmem>>) target_semaphore(%arg22 : memref<!tpu.dma_semaphore, #tpu.memory_space<semaphore_mem>>)
    %dma_start3A_47 = arith.constant 0 : i32
    %dma_start3A_48 = arith.constant 99968 : i32
    %dma_start3A_49 = tpu.memref_slice %arg2[%dma_start3A_47, %dma_start3A_48] : memref<4x100000xf32, #tpu.memory_space<hbm>> -> memref<4x32xf32, #tpu.memory_space<hbm>>
    %dma_start3A_50 = arith.constant 0 : i32
    %dma_start3A_51 = arith.constant 99968 : i32
    %dma_start3A_52 = tpu.memref_slice %arg2[%dma_start3A_50, %dma_start3A_51] : memref<4x100000xf32, #tpu.memory_space<hbm>> -> memref<4x32xf32, #tpu.memory_space<hbm>>
    tpu.enqueue_dma source(%dma_start3A_52 : memref<4x32xf32, #tpu.memory_space<hbm>>) target(%arg18 : memref<4x32xf32, #tpu.memory_space<vmem>>) target_semaphore(%arg26 : memref<!tpu.dma_semaphore, #tpu.memory_space<semaphore_mem>>)
    %dma_start3A_53 = arith.constant 0 : i32
    %dma_start3A_54 = arith.constant 99968 : i32
    %dma_start3A_55 = tpu.memref_slice %arg4[%dma_start3A_53, %dma_start3A_54] : memref<4x100000xf32, #tpu.memory_space<hbm>> -> memref<4x32xf32, #tpu.memory_space<hbm>>
    %dma_start3A_56 = arith.constant 0 : i32
    %dma_start3A_57 = arith.constant 99968 : i32
    %dma_start3A_58 = tpu.memref_slice %arg4[%dma_start3A_56, %dma_start3A_57] : memref<4x100000xf32, #tpu.memory_space<hbm>> -> memref<4x32xf32, #tpu.memory_space<hbm>>
    tpu.enqueue_dma source(%dma_start3A_58 : memref<4x32xf32, #tpu.memory_space<hbm>>) target(%arg19 : memref<4x32xf32, #tpu.memory_space<vmem>>) target_semaphore(%arg26 : memref<!tpu.dma_semaphore, #tpu.memory_space<semaphore_mem>>)
    %dma_start3A_59 = arith.constant 99968 : i32
    %dma_start3A_60 = tpu.memref_slice %arg3[%dma_start3A_59] : memref<100000xi32, #tpu.memory_space<hbm>> -> memref<32xi32, #tpu.memory_space<hbm>>
    %dma_start3A_61 = arith.constant 99968 : i32
    %dma_start3A_62 = tpu.memref_slice %arg3[%dma_start3A_61] : memref<100000xi32, #tpu.memory_space<hbm>> -> memref<32xi32, #tpu.memory_space<hbm>>
    tpu.enqueue_dma source(%dma_start3A_62 : memref<32xi32, #tpu.memory_space<hbm>>) target(%arg20 : memref<32xi32, #tpu.memory_space<vmem>>) target_semaphore(%arg26 : memref<!tpu.dma_semaphore, #tpu.memory_space<semaphore_mem>>)
    %iota3A = tpu.iota {dimensions = array<i32: 0>} : vector<16xi32>
    %broadcast_in_dim3A = arith.constant 0.000000e+00 : f32
    %broadcast_in_dim3A_63 = vector.broadcast %broadcast_in_dim3A : f32 to vector<16xf32>
    %dma_wait3A = arith.constant 0 : i32
    %dma_wait3A_64 = tpu.memref_slice %arg2[%dma_wait3A, %multiple_of3A_28] : memref<4x100000xf32, #tpu.memory_space<hbm>> -> memref<4x896xf32, #tpu.memory_space<hbm>>
    %dma_wait3A_65 = arith.constant 0 : i32
    %dma_wait3A_66 = tpu.memref_slice %arg2[%dma_wait3A_65, %multiple_of3A_28] : memref<4x100000xf32, #tpu.memory_space<hbm>> -> memref<4x896xf32, #tpu.memory_space<hbm>>
    tpu.wait_dma2 semaphore(%arg22 : memref<!tpu.dma_semaphore, #tpu.memory_space<semaphore_mem>>) src(%dma_wait3A_66 : memref<4x896xf32, #tpu.memory_space<hbm>>) dst(%arg6 : memref<4x896xf32, #tpu.memory_space<vmem>>)
    %dma_wait3A_67 = arith.constant 0 : i32
    %dma_wait3A_68 = tpu.memref_slice %arg4[%dma_wait3A_67, %multiple_of3A_28] : memref<4x100000xf32, #tpu.memory_space<hbm>> -> memref<4x896xf32, #tpu.memory_space<hbm>>
    %dma_wait3A_69 = arith.constant 0 : i32
    %dma_wait3A_70 = tpu.memref_slice %arg4[%dma_wait3A_69, %multiple_of3A_28] : memref<4x100000xf32, #tpu.memory_space<hbm>> -> memref<4x896xf32, #tpu.memory_space<hbm>>
    tpu.wait_dma2 semaphore(%arg22 : memref<!tpu.dma_semaphore, #tpu.memory_space<semaphore_mem>>) src(%dma_wait3A_70 : memref<4x896xf32, #tpu.memory_space<hbm>>) dst(%arg7 : memref<4x896xf32, #tpu.memory_space<vmem>>)
    %dma_wait3A_71 = tpu.memref_slice %arg3[%multiple_of3A_28] : memref<100000xi32, #tpu.memory_space<hbm>> -> memref<896xi32, #tpu.memory_space<hbm>>
    %dma_wait3A_72 = tpu.memref_slice %arg3[%multiple_of3A_28] : memref<100000xi32, #tpu.memory_space<hbm>> -> memref<896xi32, #tpu.memory_space<hbm>>
    tpu.wait_dma2 semaphore(%arg22 : memref<!tpu.dma_semaphore, #tpu.memory_space<semaphore_mem>>) src(%dma_wait3A_72 : memref<896xi32, #tpu.memory_space<hbm>>) dst(%arg8 : memref<896xi32, #tpu.memory_space<vmem>>)
    %dma_start3A_73 = arith.constant 0 : i32
    %dma_start3A_74 = tpu.memref_slice %arg2[%dma_start3A_73, %multiple_of3A_31] : memref<4x100000xf32, #tpu.memory_space<hbm>> -> memref<4x896xf32, #tpu.memory_space<hbm>>
    %dma_start3A_75 = arith.constant 0 : i32
    %dma_start3A_76 = tpu.memref_slice %arg2[%dma_start3A_75, %multiple_of3A_31] : memref<4x100000xf32, #tpu.memory_space<hbm>> -> memref<4x896xf32, #tpu.memory_space<hbm>>
    tpu.enqueue_dma source(%dma_start3A_76 : memref<4x896xf32, #tpu.memory_space<hbm>>) target(%arg9 : memref<4x896xf32, #tpu.memory_space<vmem>>) target_semaphore(%arg23 : memref<!tpu.dma_semaphore, #tpu.memory_space<semaphore_mem>>)
    %dma_start3A_77 = arith.constant 0 : i32
    %dma_start3A_78 = tpu.memref_slice %arg4[%dma_start3A_77, %multiple_of3A_31] : memref<4x100000xf32, #tpu.memory_space<hbm>> -> memref<4x896xf32, #tpu.memory_space<hbm>>
    %dma_start3A_79 = arith.constant 0 : i32
    %dma_start3A_80 = tpu.memref_slice %arg4[%dma_start3A_79, %multiple_of3A_31] : memref<4x100000xf32, #tpu.memory_space<hbm>> -> memref<4x896xf32, #tpu.memory_space<hbm>>
    tpu.enqueue_dma source(%dma_start3A_80 : memref<4x896xf32, #tpu.memory_space<hbm>>) target(%arg10 : memref<4x896xf32, #tpu.memory_space<vmem>>) target_semaphore(%arg23 : memref<!tpu.dma_semaphore, #tpu.memory_space<semaphore_mem>>)
    %dma_start3A_81 = tpu.memref_slice %arg3[%multiple_of3A_31] : memref<100000xi32, #tpu.memory_space<hbm>> -> memref<896xi32, #tpu.memory_space<hbm>>
    %dma_start3A_82 = tpu.memref_slice %arg3[%multiple_of3A_31] : memref<100000xi32, #tpu.memory_space<hbm>> -> memref<896xi32, #tpu.memory_space<hbm>>
    tpu.enqueue_dma source(%dma_start3A_82 : memref<896xi32, #tpu.memory_space<hbm>>) target(%arg11 : memref<896xi32, #tpu.memory_space<vmem>>) target_semaphore(%arg23 : memref<!tpu.dma_semaphore, #tpu.memory_space<semaphore_mem>>)
    %scan3A = arith.constant 0 : i32
    %scan3A_83 = arith.constant 16 : i32
    %scan3A_84 = arith.addi %scan3A, %scan3A_83 : i32
    %scan3A_85 = arith.constant 1 : i32
    %scan3A_86:4 = scf.for %scan3A_227 = %scan3A to %scan3A_84 step %scan3A_85 iter_args(%scan3A_228 = %broadcast_in_dim3A_63, %scan3A_229 = %broadcast_in_dim3A_63, %scan3A_230 = %broadcast_in_dim3A_63, %scan3A_231 = %broadcast_in_dim3A_63) -> (vector<16xf32>, vector<16xf32>, vector<16xf32>, vector<16xf32>)  : i32 {
      %mul3A_232 = arith.constant 16 : i32
      %mul3A_233 = arith.muli %scan3A_227, %mul3A_232 : i32
      %get3A = arith.constant 0 : i32
      %get3A_234 = arith.index_cast %get3A : i32 to index
      %get3A_235 = arith.index_cast %mul3A_233 : i32 to index
      %get3A_236 = tpu.vector_load %arg6[%get3A_234, %get3A_235] {strides = array<i32>} : memref<4x896xf32, #tpu.memory_space<vmem>>, vector<16xf32>,
      %get3A_237 = arith.constant 1 : i32
      %get3A_238 = arith.index_cast %get3A_237 : i32 to index
      %get3A_239 = arith.index_cast %mul3A_233 : i32 to index
      %get3A_240 = tpu.vector_load %arg6[%get3A_238, %get3A_239] {strides = array<i32>} : memref<4x896xf32, #tpu.memory_space<vmem>>, vector<16xf32>,
      %get3A_241 = arith.constant 2 : i32
      %get3A_242 = arith.index_cast %get3A_241 : i32 to index
      %get3A_243 = arith.index_cast %mul3A_233 : i32 to index
      %get3A_244 = tpu.vector_load %arg6[%get3A_242, %get3A_243] {strides = array<i32>} : memref<4x896xf32, #tpu.memory_space<vmem>>, vector<16xf32>,
      %get3A_245 = arith.constant 3 : i32
      %get3A_246 = arith.index_cast %get3A_245 : i32 to index
      %get3A_247 = arith.index_cast %mul3A_233 : i32 to index
      %get3A_248 = tpu.vector_load %arg6[%get3A_246, %get3A_247] {strides = array<i32>} : memref<4x896xf32, #tpu.memory_space<vmem>>, vector<16xf32>,
      %get3A_249 = arith.constant 0 : i32
      %get3A_250 = arith.index_cast %get3A_249 : i32 to index
      %get3A_251 = arith.index_cast %mul3A_233 : i32 to index
      %get3A_252 = tpu.vector_load %arg7[%get3A_250, %get3A_251] {strides = array<i32>} : memref<4x896xf32, #tpu.memory_space<vmem>>, vector<16xf32>,
      %get3A_253 = arith.constant 1 : i32
      %get3A_254 = arith.index_cast %get3A_253 : i32 to index
      %get3A_255 = arith.index_cast %mul3A_233 : i32 to index
      %get3A_256 = tpu.vector_load %arg7[%get3A_254, %get3A_255] {strides = array<i32>} : memref<4x896xf32, #tpu.memory_space<vmem>>, vector<16xf32>,
      %get3A_257 = arith.constant 2 : i32
      %get3A_258 = arith.index_cast %get3A_257 : i32 to index
      %get3A_259 = arith.index_cast %mul3A_233 : i32 to index
      %get3A_260 = tpu.vector_load %arg7[%get3A_258, %get3A_259] {strides = array<i32>} : memref<4x896xf32, #tpu.memory_space<vmem>>, vector<16xf32>,
      %get3A_261 = arith.constant 3 : i32
      %get3A_262 = arith.index_cast %get3A_261 : i32 to index
      %get3A_263 = arith.index_cast %mul3A_233 : i32 to index
      %get3A_264 = tpu.vector_load %arg7[%get3A_262, %get3A_263] {strides = array<i32>} : memref<4x896xf32, #tpu.memory_space<vmem>>, vector<16xf32>,
      %get3A_265 = arith.index_cast %mul3A_233 : i32 to index
      %get3A_266 = tpu.vector_load %arg8[%get3A_265] {strides = array<i32>} : memref<896xi32, #tpu.memory_space<vmem>>, vector<16xi32>,
      %max3A = arith.maximumf %get3A_236, %get3A_240 : vector<16xf32>
      %max3A_267 = arith.maximumf %get3A_244, %get3A_248 : vector<16xf32>
      %max3A_268 = arith.maximumf %max3A, %max3A_267 : vector<16xf32>
      %sub3A_269 = arith.subf %get3A_236, %max3A_268 : vector<16xf32>
      %exp3A = math.exp %sub3A_269 : vector<16xf32>
      %sub3A_270 = arith.subf %get3A_240, %max3A_268 : vector<16xf32>
      %exp3A_271 = math.exp %sub3A_270 : vector<16xf32>
      %add3A_272 = arith.addf %exp3A, %exp3A_271 : vector<16xf32>
      %sub3A_273 = arith.subf %get3A_244, %max3A_268 : vector<16xf32>
      %exp3A_274 = math.exp %sub3A_273 : vector<16xf32>
      %sub3A_275 = arith.subf %get3A_248, %max3A_268 : vector<16xf32>
      %exp3A_276 = math.exp %sub3A_275 : vector<16xf32>
      %add3A_277 = arith.addf %exp3A_274, %exp3A_276 : vector<16xf32>
      %add3A_278 = arith.addf %add3A_272, %add3A_277 : vector<16xf32>
      %bitcast_convert_type3A = tpu.bitcast %add3A_278 : vector<16xf32> -> vector<16xi32>
      %shift_right_arithmetic3A = arith.constant 23 : i32
      %shift_right_arithmetic3A_279 = vector.broadcast %shift_right_arithmetic3A : i32 to vector<16xi32>
      %shift_right_arithmetic3A_280 = arith.shrsi %bitcast_convert_type3A, %shift_right_arithmetic3A_279 : vector<16xi32>
      %sub3A_281 = arith.constant 127 : i32
      %sub3A_282 = vector.broadcast %sub3A_281 : i32 to vector<16xi32>
      %sub3A_283 = arith.subi %shift_right_arithmetic3A_280, %sub3A_282 : vector<16xi32>
      %and3A_284 = arith.constant 8388607 : i32
      %and3A_285 = vector.broadcast %and3A_284 : i32 to vector<16xi32>
      %and3A_286 = arith.andi %bitcast_convert_type3A, %and3A_285 : vector<16xi32>
      %or3A = arith.constant 1065353216 : i32
      %or3A_287 = vector.broadcast %or3A : i32 to vector<16xi32>
      %or3A_288 = arith.ori %and3A_286, %or3A_287 : vector<16xi32>
      %bitcast_convert_type3A_289 = tpu.bitcast %or3A_288 : vector<16xi32> -> vector<16xf32>
      %sub3A_290 = arith.constant 1.000000e+00 : f32
      %sub3A_291 = vector.broadcast %sub3A_290 : f32 to vector<16xf32>
      %sub3A_292 = arith.subf %bitcast_convert_type3A_289, %sub3A_291 : vector<16xf32>
      %mul3A_293 = arith.mulf %sub3A_292, %sub3A_292 : vector<16xf32>
      %mul3A_294 = arith.mulf %mul3A_293, %mul3A_293 : vector<16xf32>
      %mul3A_295 = arith.constant 0.999970257 : f32
      %mul3A_296 = vector.broadcast %mul3A_295 : f32 to vector<16xf32>
      %mul3A_297 = arith.mulf %mul3A_296, %sub3A_292 : vector<16xf32>
      %add3A_298 = arith.constant 2.21597645E-7 : f32
      %add3A_299 = vector.broadcast %add3A_298 : f32 to vector<16xf32>
      %add3A_300 = arith.addf %add3A_299, %mul3A_297 : vector<16xf32>
      %mul3A_301 = arith.constant 0.327511728 : f32
      %mul3A_302 = vector.broadcast %mul3A_301 : f32 to vector<16xf32>
      %mul3A_303 = arith.mulf %mul3A_302, %sub3A_292 : vector<16xf32>
      %add3A_304 = arith.constant -0.499333948 : f32
      %add3A_305 = vector.broadcast %add3A_304 : f32 to vector<16xf32>
      %add3A_306 = arith.addf %add3A_305, %mul3A_303 : vector<16xf32>
      %mul3A_307 = arith.mulf %add3A_306, %mul3A_293 : vector<16xf32>
      %add3A_308 = arith.addf %add3A_300, %mul3A_307 : vector<16xf32>
      %mul3A_309 = arith.constant 0.131989658 : f32
      %mul3A_310 = vector.broadcast %mul3A_309 : f32 to vector<16xf32>
      %mul3A_311 = arith.mulf %mul3A_310, %sub3A_292 : vector<16xf32>
      %add3A_312 = arith.constant -0.223966897 : f32
      %add3A_313 = vector.broadcast %add3A_312 : f32 to vector<16xf32>
      %add3A_314 = arith.addf %add3A_313, %mul3A_311 : vector<16xf32>
      %mul3A_315 = arith.constant 0.0102438284 : f32
      %mul3A_316 = vector.broadcast %mul3A_315 : f32 to vector<16xf32>
      %mul3A_317 = arith.mulf %mul3A_316, %sub3A_292 : vector<16xf32>
      %add3A_318 = arith.constant -0.0532674789 : f32
      %add3A_319 = vector.broadcast %add3A_318 : f32 to vector<16xf32>
      %add3A_320 = arith.addf %add3A_319, %mul3A_317 : vector<16xf32>
      %mul3A_321 = arith.mulf %add3A_320, %mul3A_293 : vector<16xf32>
      %add3A_322 = arith.addf %add3A_314, %mul3A_321 : vector<16xf32>
      %mul3A_323 = arith.mulf %add3A_322, %mul3A_294 : vector<16xf32>
      %add3A_324 = arith.addf %add3A_308, %mul3A_323 : vector<16xf32>
      %convert_element_type3A = arith.sitofp %sub3A_283 : vector<16xi32> to vector<16xf32>
      %mul3A_325 = arith.constant 0.693147182 : f32
      %mul3A_326 = vector.broadcast %mul3A_325 : f32 to vector<16xf32>
      %mul3A_327 = arith.mulf %convert_element_type3A, %mul3A_326 : vector<16xf32>
      %add3A_328 = arith.addf %mul3A_327, %add3A_324 : vector<16xf32>
      %add3A_329 = arith.addf %add3A_328, %max3A_268 : vector<16xf32>
      %eq3A_330 = arith.constant 0 : i32
      %eq3A_331 = vector.broadcast %eq3A_330 : i32 to vector<16xi32>
      %eq3A_332 = arith.cmpi eq, %get3A_266, %eq3A_331 : vector<16xi32>
      %eq3A_333 = arith.constant 1 : i32
      %eq3A_334 = vector.broadcast %eq3A_333 : i32 to vector<16xi32>
      %eq3A_335 = arith.cmpi eq, %get3A_266, %eq3A_334 : vector<16xi32>
      %eq3A_336 = arith.constant 2 : i32
      %eq3A_337 = vector.broadcast %eq3A_336 : i32 to vector<16xi32>
      %eq3A_338 = arith.cmpi eq, %get3A_266, %eq3A_337 : vector<16xi32>
      %select_n3A_339 = arith.select %eq3A_338, %get3A_244, %get3A_248 : vector<16xi1>, vector<16xf32>
      %select_n3A_340 = arith.select %eq3A_335, %get3A_240, %select_n3A_339 : vector<16xi1>, vector<16xf32>
      %select_n3A_341 = arith.select %eq3A_332, %get3A_236, %select_n3A_340 : vector<16xi1>, vector<16xf32>
      %sub3A_342 = arith.subf %add3A_329, %select_n3A_341 : vector<16xf32>
      %mul3A_343 = arith.mulf %get3A_252, %get3A_236 : vector<16xf32>
      %mul3A_344 = arith.mulf %get3A_256, %get3A_240 : vector<16xf32>
      %add3A_345 = arith.addf %mul3A_343, %mul3A_344 : vector<16xf32>
      %mul3A_346 = arith.mulf %get3A_260, %get3A_244 : vector<16xf32>
      %mul3A_347 = arith.mulf %get3A_264, %get3A_248 : vector<16xf32>
      %add3A_348 = arith.addf %mul3A_346, %mul3A_347 : vector<16xf32>
      %add3A_349 = arith.addf %add3A_345, %add3A_348 : vector<16xf32>
      %sub3A_350 = arith.subf %add3A_329, %add3A_349 : vector<16xf32>
      %add3A_351 = arith.constant 0 : i32
      %add3A_352 = arith.addi %multiple_of3A, %add3A_351 : i32
      %mul3A_353 = arith.constant 16 : i32
      %mul3A_354 = arith.muli %scan3A_227, %mul3A_353 : i32
      %add3A_355 = arith.addi %add3A_352, %mul3A_354 : i32
      %add3A_356 = vector.broadcast %add3A_355 : i32 to vector<16xi32>
      %add3A_357 = arith.addi %add3A_356, %iota3A : vector<16xi32>
      %ge3A = vector.broadcast %mul3A_2 : i32 to vector<16xi32>
      %ge3A_358 = arith.cmpi sge, %add3A_357, %ge3A : vector<16xi32>
      %lt3A = vector.broadcast %min3A_5 : i32 to vector<16xi32>
      %lt3A_359 = arith.cmpi slt, %add3A_357, %lt3A : vector<16xi32>
      %and3A_360 = arith.andi %ge3A_358, %lt3A_359 : vector<16xi1>
      %gt3A = arith.constant 0 : i32
      %gt3A_361 = vector.broadcast %gt3A : i32 to vector<16xi32>
      %gt3A_362 = arith.cmpi sgt, %get3A_266, %gt3A_361 : vector<16xi32>
      %and3A_363 = arith.andi %and3A_360, %gt3A_362 : vector<16xi1>
      %jit3A_364 = arith.constant 1.000000e+00 : f32
      %jit3A_365 = arith.constant 0.000000e+00 : f32
      %broadcast_in_dim3A_366 = vector.broadcast %jit3A_364 : f32 to vector<16xf32>
      %broadcast_in_dim3A_367 = vector.broadcast %jit3A_365 : f32 to vector<16xf32>
      %select_n3A_368 = arith.select %and3A_363, %broadcast_in_dim3A_366, %broadcast_in_dim3A_367 : vector<16xi1>, vector<16xf32>
      %eq3A_369 = arith.constant 0 : i32
      %eq3A_370 = vector.broadcast %eq3A_369 : i32 to vector<16xi32>
      %eq3A_371 = arith.cmpi eq, %get3A_266, %eq3A_370 : vector<16xi32>
      %and3A_372 = arith.andi %and3A_360, %eq3A_371 : vector<16xi1>
      %jit3A_373 = arith.constant 1.000000e+00 : f32
      %jit3A_374 = arith.constant 0.000000e+00 : f32
      %broadcast_in_dim3A_375 = vector.broadcast %jit3A_373 : f32 to vector<16xf32>
      %broadcast_in_dim3A_376 = vector.broadcast %jit3A_374 : f32 to vector<16xf32>
      %select_n3A_377 = arith.select %and3A_372, %broadcast_in_dim3A_375, %broadcast_in_dim3A_376 : vector<16xi1>, vector<16xf32>
      %mul3A_378 = arith.mulf %sub3A_342, %select_n3A_368 : vector<16xf32>
      %add3A_379 = arith.addf %scan3A_228, %mul3A_378 : vector<16xf32>
      %add3A_380 = arith.addf %scan3A_229, %select_n3A_368 : vector<16xf32>
      %mul3A_381 = arith.mulf %sub3A_350, %select_n3A_377 : vector<16xf32>
      %add3A_382 = arith.addf %scan3A_230, %mul3A_381 : vector<16xf32>
      %add3A_383 = arith.addf %scan3A_231, %select_n3A_377 : vector<16xf32>
      scf.yield %add3A_379, %add3A_380, %add3A_382, %add3A_383 : vector<16xf32>, vector<16xf32>, vector<16xf32>, vector<16xf32>
    }
    %scan3A_87 = arith.constant 16 : i32
    %parallel_loop3A = arith.constant 16 : i32
    %parallel_loop3A_88 = arith.constant 56 : i32
    %parallel_loop3A_89 = arith.constant 1 : i32
    %parallel_loop3A_90:4 = scf.for %parallel_loop3A_227 = %parallel_loop3A to %parallel_loop3A_88 step %parallel_loop3A_89 iter_args(%parallel_loop3A_228 = %scan3A_86#0, %parallel_loop3A_229 = %scan3A_86#1, %parallel_loop3A_230 = %scan3A_86#2, %parallel_loop3A_231 = %scan3A_86#3) -> (vector<16xf32>, vector<16xf32>, vector<16xf32>, vector<16xf32>)  : i32 {
      %parallel_loop3A_232 = arith.constant 16 : i32
      %parallel_loop3A_233 = arith.muli %parallel_loop3A_227, %parallel_loop3A_232 : i32
      %parallel_loop3A_234 = arith.constant 0 : i32
      %parallel_loop3A_235 = arith.index_cast %parallel_loop3A_234 : i32 to index
      %parallel_loop3A_236 = arith.index_cast %parallel_loop3A_233 : i32 to index
      %parallel_loop3A_237 = tpu.vector_load %arg6[%parallel_loop3A_235, %parallel_loop3A_236] {strides = array<i32>} : memref<4x896xf32, #tpu.memory_space<vmem>>, vector<16xf32>,
      %parallel_loop3A_238 = arith.constant 1 : i32
      %parallel_loop3A_239 = arith.index_cast %parallel_loop3A_238 : i32 to index
      %parallel_loop3A_240 = arith.index_cast %parallel_loop3A_233 : i32 to index
      %parallel_loop3A_241 = tpu.vector_load %arg6[%parallel_loop3A_239, %parallel_loop3A_240] {strides = array<i32>} : memref<4x896xf32, #tpu.memory_space<vmem>>, vector<16xf32>,
      %parallel_loop3A_242 = arith.constant 2 : i32
      %parallel_loop3A_243 = arith.index_cast %parallel_loop3A_242 : i32 to index
      %parallel_loop3A_244 = arith.index_cast %parallel_loop3A_233 : i32 to index
      %parallel_loop3A_245 = tpu.vector_load %arg6[%parallel_loop3A_243, %parallel_loop3A_244] {strides = array<i32>} : memref<4x896xf32, #tpu.memory_space<vmem>>, vector<16xf32>,
      %parallel_loop3A_246 = arith.constant 3 : i32
      %parallel_loop3A_247 = arith.index_cast %parallel_loop3A_246 : i32 to index
      %parallel_loop3A_248 = arith.index_cast %parallel_loop3A_233 : i32 to index
      %parallel_loop3A_249 = tpu.vector_load %arg6[%parallel_loop3A_247, %parallel_loop3A_248] {strides = array<i32>} : memref<4x896xf32, #tpu.memory_space<vmem>>, vector<16xf32>,
      %parallel_loop3A_250 = arith.constant 0 : i32
      %parallel_loop3A_251 = arith.index_cast %parallel_loop3A_250 : i32 to index
      %parallel_loop3A_252 = arith.index_cast %parallel_loop3A_233 : i32 to index
      %parallel_loop3A_253 = tpu.vector_load %arg7[%parallel_loop3A_251, %parallel_loop3A_252] {strides = array<i32>} : memref<4x896xf32, #tpu.memory_space<vmem>>, vector<16xf32>,
      %parallel_loop3A_254 = arith.constant 1 : i32
      %parallel_loop3A_255 = arith.index_cast %parallel_loop3A_254 : i32 to index
      %parallel_loop3A_256 = arith.index_cast %parallel_loop3A_233 : i32 to index
      %parallel_loop3A_257 = tpu.vector_load %arg7[%parallel_loop3A_255, %parallel_loop3A_256] {strides = array<i32>} : memref<4x896xf32, #tpu.memory_space<vmem>>, vector<16xf32>,
      %parallel_loop3A_258 = arith.constant 2 : i32
      %parallel_loop3A_259 = arith.index_cast %parallel_loop3A_258 : i32 to index
      %parallel_loop3A_260 = arith.index_cast %parallel_loop3A_233 : i32 to index
      %parallel_loop3A_261 = tpu.vector_load %arg7[%parallel_loop3A_259, %parallel_loop3A_260] {strides = array<i32>} : memref<4x896xf32, #tpu.memory_space<vmem>>, vector<16xf32>,
      %parallel_loop3A_262 = arith.constant 3 : i32
      %parallel_loop3A_263 = arith.index_cast %parallel_loop3A_262 : i32 to index
      %parallel_loop3A_264 = arith.index_cast %parallel_loop3A_233 : i32 to index
      %parallel_loop3A_265 = tpu.vector_load %arg7[%parallel_loop3A_263, %parallel_loop3A_264] {strides = array<i32>} : memref<4x896xf32, #tpu.memory_space<vmem>>, vector<16xf32>,
      %parallel_loop3A_266 = arith.index_cast %parallel_loop3A_233 : i32 to index
      %parallel_loop3A_267 = tpu.vector_load %arg8[%parallel_loop3A_266] {strides = array<i32>} : memref<896xi32, #tpu.memory_space<vmem>>, vector<16xi32>,
      %parallel_loop3A_268 = arith.maximumf %parallel_loop3A_237, %parallel_loop3A_241 : vector<16xf32>
      %parallel_loop3A_269 = arith.maximumf %parallel_loop3A_245, %parallel_loop3A_249 : vector<16xf32>
      %parallel_loop3A_270 = arith.maximumf %parallel_loop3A_268, %parallel_loop3A_269 : vector<16xf32>
      %parallel_loop3A_271 = arith.subf %parallel_loop3A_237, %parallel_loop3A_270 : vector<16xf32>
      %parallel_loop3A_272 = math.exp %parallel_loop3A_271 : vector<16xf32>
      %parallel_loop3A_273 = arith.subf %parallel_loop3A_241, %parallel_loop3A_270 : vector<16xf32>
      %parallel_loop3A_274 = math.exp %parallel_loop3A_273 : vector<16xf32>
      %parallel_loop3A_275 = arith.addf %parallel_loop3A_272, %parallel_loop3A_274 : vector<16xf32>
      %parallel_loop3A_276 = arith.subf %parallel_loop3A_245, %parallel_loop3A_270 : vector<16xf32>
      %parallel_loop3A_277 = math.exp %parallel_loop3A_276 : vector<16xf32>
      %parallel_loop3A_278 = arith.subf %parallel_loop3A_249, %parallel_loop3A_270 : vector<16xf32>
      %parallel_loop3A_279 = math.exp %parallel_loop3A_278 : vector<16xf32>
      %parallel_loop3A_280 = arith.addf %parallel_loop3A_277, %parallel_loop3A_279 : vector<16xf32>
      %parallel_loop3A_281 = arith.addf %parallel_loop3A_275, %parallel_loop3A_280 : vector<16xf32>
      %parallel_loop3A_282 = tpu.bitcast %parallel_loop3A_281 : vector<16xf32> -> vector<16xi32>
      %parallel_loop3A_283 = arith.constant 23 : i32
      %parallel_loop3A_284 = vector.broadcast %parallel_loop3A_283 : i32 to vector<16xi32>
      %parallel_loop3A_285 = arith.shrsi %parallel_loop3A_282, %parallel_loop3A_284 : vector<16xi32>
      %parallel_loop3A_286 = arith.constant 127 : i32
      %parallel_loop3A_287 = vector.broadcast %parallel_loop3A_286 : i32 to vector<16xi32>
      %parallel_loop3A_288 = arith.subi %parallel_loop3A_285, %parallel_loop3A_287 : vector<16xi32>
      %parallel_loop3A_289 = arith.constant 8388607 : i32
      %parallel_loop3A_290 = vector.broadcast %parallel_loop3A_289 : i32 to vector<16xi32>
      %parallel_loop3A_291 = arith.andi %parallel_loop3A_282, %parallel_loop3A_290 : vector<16xi32>
      %parallel_loop3A_292 = arith.constant 1065353216 : i32
      %parallel_loop3A_293 = vector.broadcast %parallel_loop3A_292 : i32 to vector<16xi32>
      %parallel_loop3A_294 = arith.ori %parallel_loop3A_291, %parallel_loop3A_293 : vector<16xi32>
      %parallel_loop3A_295 = tpu.bitcast %parallel_loop3A_294 : vector<16xi32> -> vector<16xf32>
      %parallel_loop3A_296 = arith.constant 1.000000e+00 : f32
      %parallel_loop3A_297 = vector.broadcast %parallel_loop3A_296 : f32 to vector<16xf32>
      %parallel_loop3A_298 = arith.subf %parallel_loop3A_295, %parallel_loop3A_297 : vector<16xf32>
      %parallel_loop3A_299 = arith.mulf %parallel_loop3A_298, %parallel_loop3A_298 : vector<16xf32>
      %parallel_loop3A_300 = arith.mulf %parallel_loop3A_299, %parallel_loop3A_299 : vector<16xf32>
      %parallel_loop3A_301 = arith.constant 0.999970257 : f32
      %parallel_loop3A_302 = vector.broadcast %parallel_loop3A_301 : f32 to vector<16xf32>
      %parallel_loop3A_303 = arith.mulf %parallel_loop3A_302, %parallel_loop3A_298 : vector<16xf32>
      %parallel_loop3A_304 = arith.constant 2.21597645E-7 : f32
      %parallel_loop3A_305 = vector.broadcast %parallel_loop3A_304 : f32 to vector<16xf32>
      %parallel_loop3A_306 = arith.addf %parallel_loop3A_305, %parallel_loop3A_303 : vector<16xf32>
      %parallel_loop3A_307 = arith.constant 0.327511728 : f32
      %parallel_loop3A_308 = vector.broadcast %parallel_loop3A_307 : f32 to vector<16xf32>
      %parallel_loop3A_309 = arith.mulf %parallel_loop3A_308, %parallel_loop3A_298 : vector<16xf32>
      %parallel_loop3A_310 = arith.constant -0.499333948 : f32
      %parallel_loop3A_311 = vector.broadcast %parallel_loop3A_310 : f32 to vector<16xf32>
      %parallel_loop3A_312 = arith.addf %parallel_loop3A_311, %parallel_loop3A_309 : vector<16xf32>
      %parallel_loop3A_313 = arith.mulf %parallel_loop3A_312, %parallel_loop3A_299 : vector<16xf32>
      %parallel_loop3A_314 = arith.addf %parallel_loop3A_306, %parallel_loop3A_313 : vector<16xf32>
      %parallel_loop3A_315 = arith.constant 0.131989658 : f32
      %parallel_loop3A_316 = vector.broadcast %parallel_loop3A_315 : f32 to vector<16xf32>
      %parallel_loop3A_317 = arith.mulf %parallel_loop3A_316, %parallel_loop3A_298 : vector<16xf32>
      %parallel_loop3A_318 = arith.constant -0.223966897 : f32
      %parallel_loop3A_319 = vector.broadcast %parallel_loop3A_318 : f32 to vector<16xf32>
      %parallel_loop3A_320 = arith.addf %parallel_loop3A_319, %parallel_loop3A_317 : vector<16xf32>
      %parallel_loop3A_321 = arith.constant 0.0102438284 : f32
      %parallel_loop3A_322 = vector.broadcast %parallel_loop3A_321 : f32 to vector<16xf32>
      %parallel_loop3A_323 = arith.mulf %parallel_loop3A_322, %parallel_loop3A_298 : vector<16xf32>
      %parallel_loop3A_324 = arith.constant -0.0532674789 : f32
      %parallel_loop3A_325 = vector.broadcast %parallel_loop3A_324 : f32 to vector<16xf32>
      %parallel_loop3A_326 = arith.addf %parallel_loop3A_325, %parallel_loop3A_323 : vector<16xf32>
      %parallel_loop3A_327 = arith.mulf %parallel_loop3A_326, %parallel_loop3A_299 : vector<16xf32>
      %parallel_loop3A_328 = arith.addf %parallel_loop3A_320, %parallel_loop3A_327 : vector<16xf32>
      %parallel_loop3A_329 = arith.mulf %parallel_loop3A_328, %parallel_loop3A_300 : vector<16xf32>
      %parallel_loop3A_330 = arith.addf %parallel_loop3A_314, %parallel_loop3A_329 : vector<16xf32>
      %parallel_loop3A_331 = arith.sitofp %parallel_loop3A_288 : vector<16xi32> to vector<16xf32>
      %parallel_loop3A_332 = arith.constant 0.693147182 : f32
      %parallel_loop3A_333 = vector.broadcast %parallel_loop3A_332 : f32 to vector<16xf32>
      %parallel_loop3A_334 = arith.mulf %parallel_loop3A_331, %parallel_loop3A_333 : vector<16xf32>
      %parallel_loop3A_335 = arith.addf %parallel_loop3A_334, %parallel_loop3A_330 : vector<16xf32>
      %parallel_loop3A_336 = arith.addf %parallel_loop3A_335, %parallel_loop3A_270 : vector<16xf32>
      %parallel_loop3A_337 = arith.constant 0 : i32
      %parallel_loop3A_338 = vector.broadcast %parallel_loop3A_337 : i32 to vector<16xi32>
      %parallel_loop3A_339 = arith.cmpi eq, %parallel_loop3A_267, %parallel_loop3A_338 : vector<16xi32>
      %parallel_loop3A_340 = arith.constant 1 : i32
      %parallel_loop3A_341 = vector.broadcast %parallel_loop3A_340 : i32 to vector<16xi32>
      %parallel_loop3A_342 = arith.cmpi eq, %parallel_loop3A_267, %parallel_loop3A_341 : vector<16xi32>
      %parallel_loop3A_343 = arith.constant 2 : i32
      %parallel_loop3A_344 = vector.broadcast %parallel_loop3A_343 : i32 to vector<16xi32>
      %parallel_loop3A_345 = arith.cmpi eq, %parallel_loop3A_267, %parallel_loop3A_344 : vector<16xi32>
      %parallel_loop3A_346 = arith.select %parallel_loop3A_345, %parallel_loop3A_245, %parallel_loop3A_249 : vector<16xi1>, vector<16xf32>
      %parallel_loop3A_347 = arith.select %parallel_loop3A_342, %parallel_loop3A_241, %parallel_loop3A_346 : vector<16xi1>, vector<16xf32>
      %parallel_loop3A_348 = arith.select %parallel_loop3A_339, %parallel_loop3A_237, %parallel_loop3A_347 : vector<16xi1>, vector<16xf32>
      %parallel_loop3A_349 = arith.subf %parallel_loop3A_336, %parallel_loop3A_348 : vector<16xf32>
      %parallel_loop3A_350 = arith.mulf %parallel_loop3A_253, %parallel_loop3A_237 : vector<16xf32>
      %parallel_loop3A_351 = arith.mulf %parallel_loop3A_257, %parallel_loop3A_241 : vector<16xf32>
      %parallel_loop3A_352 = arith.addf %parallel_loop3A_350, %parallel_loop3A_351 : vector<16xf32>
      %parallel_loop3A_353 = arith.mulf %parallel_loop3A_261, %parallel_loop3A_245 : vector<16xf32>
      %parallel_loop3A_354 = arith.mulf %parallel_loop3A_265, %parallel_loop3A_249 : vector<16xf32>
      %parallel_loop3A_355 = arith.addf %parallel_loop3A_353, %parallel_loop3A_354 : vector<16xf32>
      %parallel_loop3A_356 = arith.addf %parallel_loop3A_352, %parallel_loop3A_355 : vector<16xf32>
      %parallel_loop3A_357 = arith.subf %parallel_loop3A_336, %parallel_loop3A_356 : vector<16xf32>
      %parallel_loop3A_358 = arith.constant 0 : i32
      %parallel_loop3A_359 = vector.broadcast %parallel_loop3A_358 : i32 to vector<16xi32>
      %parallel_loop3A_360 = arith.cmpi sgt, %parallel_loop3A_267, %parallel_loop3A_359 : vector<16xi32>
      %parallel_loop3A_361 = arith.constant 1.000000e+00 : f32
      %parallel_loop3A_362 = arith.constant 0.000000e+00 : f32
      %parallel_loop3A_363 = vector.broadcast %parallel_loop3A_361 : f32 to vector<16xf32>
      %parallel_loop3A_364 = vector.broadcast %parallel_loop3A_362 : f32 to vector<16xf32>
      %parallel_loop3A_365 = arith.select %parallel_loop3A_360, %parallel_loop3A_363, %parallel_loop3A_364 : vector<16xi1>, vector<16xf32>
      %parallel_loop3A_366 = arith.mulf %parallel_loop3A_349, %parallel_loop3A_365 : vector<16xf32>
      %parallel_loop3A_367 = arith.addf %parallel_loop3A_228, %parallel_loop3A_366 : vector<16xf32>
      %parallel_loop3A_368 = arith.addf %parallel_loop3A_229, %parallel_loop3A_365 : vector<16xf32>
      %parallel_loop3A_369 = arith.mulf %parallel_loop3A_357, %parallel_loop3A_365 : vector<16xf32>
      %parallel_loop3A_370 = arith.subf %parallel_loop3A_357, %parallel_loop3A_369 : vector<16xf32>
      %parallel_loop3A_371 = arith.addf %parallel_loop3A_230, %parallel_loop3A_370 : vector<16xf32>
      %parallel_loop3A_372 = arith.constant 1.000000e+00 : f32
      %parallel_loop3A_373 = vector.broadcast %parallel_loop3A_372 : f32 to vector<16xf32>
      %parallel_loop3A_374 = arith.subf %parallel_loop3A_373, %parallel_loop3A_365 : vector<16xf32>
      %parallel_loop3A_375 = arith.addf %parallel_loop3A_231, %parallel_loop3A_374 : vector<16xf32>
      scf.yield %parallel_loop3A_367, %parallel_loop3A_368, %parallel_loop3A_371, %parallel_loop3A_375 : vector<16xf32>, vector<16xf32>, vector<16xf32>, vector<16xf32>
    } {sc.loop_unroll_factor = 2 : i64, sc.parallel_access}
    %dma_wait3A_91 = arith.constant 0 : i32
    %dma_wait3A_92 = tpu.memref_slice %arg2[%dma_wait3A_91, %multiple_of3A_31] : memref<4x100000xf32, #tpu.memory_space<hbm>> -> memref<4x896xf32, #tpu.memory_space<hbm>>
    %dma_wait3A_93 = arith.constant 0 : i32
    %dma_wait3A_94 = tpu.memref_slice %arg2[%dma_wait3A_93, %multiple_of3A_31] : memref<4x100000xf32, #tpu.memory_space<hbm>> -> memref<4x896xf32, #tpu.memory_space<hbm>>
    tpu.wait_dma2 semaphore(%arg23 : memref<!tpu.dma_semaphore, #tpu.memory_space<semaphore_mem>>) src(%dma_wait3A_94 : memref<4x896xf32, #tpu.memory_space<hbm>>) dst(%arg9 : memref<4x896xf32, #tpu.memory_space<vmem>>)
    %dma_wait3A_95 = arith.constant 0 : i32
    %dma_wait3A_96 = tpu.memref_slice %arg4[%dma_wait3A_95, %multiple_of3A_31] : memref<4x100000xf32, #tpu.memory_space<hbm>> -> memref<4x896xf32, #tpu.memory_space<hbm>>
    %dma_wait3A_97 = arith.constant 0 : i32
    %dma_wait3A_98 = tpu.memref_slice %arg4[%dma_wait3A_97, %multiple_of3A_31] : memref<4x100000xf32, #tpu.memory_space<hbm>> -> memref<4x896xf32, #tpu.memory_space<hbm>>
    tpu.wait_dma2 semaphore(%arg23 : memref<!tpu.dma_semaphore, #tpu.memory_space<semaphore_mem>>) src(%dma_wait3A_98 : memref<4x896xf32, #tpu.memory_space<hbm>>) dst(%arg10 : memref<4x896xf32, #tpu.memory_space<vmem>>)
    %dma_wait3A_99 = tpu.memref_slice %arg3[%multiple_of3A_31] : memref<100000xi32, #tpu.memory_space<hbm>> -> memref<896xi32, #tpu.memory_space<hbm>>
    %dma_wait3A_100 = tpu.memref_slice %arg3[%multiple_of3A_31] : memref<100000xi32, #tpu.memory_space<hbm>> -> memref<896xi32, #tpu.memory_space<hbm>>
    tpu.wait_dma2 semaphore(%arg23 : memref<!tpu.dma_semaphore, #tpu.memory_space<semaphore_mem>>) src(%dma_wait3A_100 : memref<896xi32, #tpu.memory_space<hbm>>) dst(%arg11 : memref<896xi32, #tpu.memory_space<vmem>>)
    %dma_start3A_101 = arith.constant 0 : i32
    %dma_start3A_102 = tpu.memref_slice %arg2[%dma_start3A_101, %multiple_of3A_34] : memref<4x100000xf32, #tpu.memory_space<hbm>> -> memref<4x896xf32, #tpu.memory_space<hbm>>
    %dma_start3A_103 = arith.constant 0 : i32
    %dma_start3A_104 = tpu.memref_slice %arg2[%dma_start3A_103, %multiple_of3A_34] : memref<4x100000xf32, #tpu.memory_space<hbm>> -> memref<4x896xf32, #tpu.memory_space<hbm>>
    tpu.enqueue_dma source(%dma_start3A_104 : memref<4x896xf32, #tpu.memory_space<hbm>>) target(%arg12 : memref<4x896xf32, #tpu.memory_space<vmem>>) target_semaphore(%arg24 : memref<!tpu.dma_semaphore, #tpu.memory_space<semaphore_mem>>)
    %dma_start3A_105 = arith.constant 0 : i32
    %dma_start3A_106 = tpu.memref_slice %arg4[%dma_start3A_105, %multiple_of3A_34] : memref<4x100000xf32, #tpu.memory_space<hbm>> -> memref<4x896xf32, #tpu.memory_space<hbm>>
    %dma_start3A_107 = arith.constant 0 : i32
    %dma_start3A_108 = tpu.memref_slice %arg4[%dma_start3A_107, %multiple_of3A_34] : memref<4x100000xf32, #tpu.memory_space<hbm>> -> memref<4x896xf32, #tpu.memory_space<hbm>>
    tpu.enqueue_dma source(%dma_start3A_108 : memref<4x896xf32, #tpu.memory_space<hbm>>) target(%arg13 : memref<4x896xf32, #tpu.memory_space<vmem>>) target_semaphore(%arg24 : memref<!tpu.dma_semaphore, #tpu.memory_space<semaphore_mem>>)
    %dma_start3A_109 = tpu.memref_slice %arg3[%multiple_of3A_34] : memref<100000xi32, #tpu.memory_space<hbm>> -> memref<896xi32, #tpu.memory_space<hbm>>
    %dma_start3A_110 = tpu.memref_slice %arg3[%multiple_of3A_34] : memref<100000xi32, #tpu.memory_space<hbm>> -> memref<896xi32, #tpu.memory_space<hbm>>
    tpu.enqueue_dma source(%dma_start3A_110 : memref<896xi32, #tpu.memory_space<hbm>>) target(%arg14 : memref<896xi32, #tpu.memory_space<vmem>>) target_semaphore(%arg24 : memref<!tpu.dma_semaphore, #tpu.memory_space<semaphore_mem>>)
    %parallel_loop3A_111 = arith.constant 0 : i32
    %parallel_loop3A_112 = arith.constant 56 : i32
    %parallel_loop3A_113 = arith.constant 1 : i32
    %parallel_loop3A_114:4 = scf.for %parallel_loop3A_227 = %parallel_loop3A_111 to %parallel_loop3A_112 step %parallel_loop3A_113 iter_args(%parallel_loop3A_228 = %parallel_loop3A_90#0, %parallel_loop3A_229 = %parallel_loop3A_90#1, %parallel_loop3A_230 = %parallel_loop3A_90#2, %parallel_loop3A_231 = %parallel_loop3A_90#3) -> (vector<16xf32>, vector<16xf32>, vector<16xf32>, vector<16xf32>)  : i32 {
      %parallel_loop3A_232 = arith.constant 16 : i32
      %parallel_loop3A_233 = arith.muli %parallel_loop3A_227, %parallel_loop3A_232 : i32
      %parallel_loop3A_234 = arith.constant 0 : i32
      %parallel_loop3A_235 = arith.index_cast %parallel_loop3A_234 : i32 to index
      %parallel_loop3A_236 = arith.index_cast %parallel_loop3A_233 : i32 to index
      %parallel_loop3A_237 = tpu.vector_load %arg9[%parallel_loop3A_235, %parallel_loop3A_236] {strides = array<i32>} : memref<4x896xf32, #tpu.memory_space<vmem>>, vector<16xf32>,
      %parallel_loop3A_238 = arith.constant 1 : i32
      %parallel_loop3A_239 = arith.index_cast %parallel_loop3A_238 : i32 to index
      %parallel_loop3A_240 = arith.index_cast %parallel_loop3A_233 : i32 to index
      %parallel_loop3A_241 = tpu.vector_load %arg9[%parallel_loop3A_239, %parallel_loop3A_240] {strides = array<i32>} : memref<4x896xf32, #tpu.memory_space<vmem>>, vector<16xf32>,
      %parallel_loop3A_242 = arith.constant 2 : i32
      %parallel_loop3A_243 = arith.index_cast %parallel_loop3A_242 : i32 to index
      %parallel_loop3A_244 = arith.index_cast %parallel_loop3A_233 : i32 to index
      %parallel_loop3A_245 = tpu.vector_load %arg9[%parallel_loop3A_243, %parallel_loop3A_244] {strides = array<i32>} : memref<4x896xf32, #tpu.memory_space<vmem>>, vector<16xf32>,
      %parallel_loop3A_246 = arith.constant 3 : i32
      %parallel_loop3A_247 = arith.index_cast %parallel_loop3A_246 : i32 to index
      %parallel_loop3A_248 = arith.index_cast %parallel_loop3A_233 : i32 to index
      %parallel_loop3A_249 = tpu.vector_load %arg9[%parallel_loop3A_247, %parallel_loop3A_248] {strides = array<i32>} : memref<4x896xf32, #tpu.memory_space<vmem>>, vector<16xf32>,
      %parallel_loop3A_250 = arith.constant 0 : i32
      %parallel_loop3A_251 = arith.index_cast %parallel_loop3A_250 : i32 to index
      %parallel_loop3A_252 = arith.index_cast %parallel_loop3A_233 : i32 to index
      %parallel_loop3A_253 = tpu.vector_load %arg10[%parallel_loop3A_251, %parallel_loop3A_252] {strides = array<i32>} : memref<4x896xf32, #tpu.memory_space<vmem>>, vector<16xf32>,
      %parallel_loop3A_254 = arith.constant 1 : i32
      %parallel_loop3A_255 = arith.index_cast %parallel_loop3A_254 : i32 to index
      %parallel_loop3A_256 = arith.index_cast %parallel_loop3A_233 : i32 to index
      %parallel_loop3A_257 = tpu.vector_load %arg10[%parallel_loop3A_255, %parallel_loop3A_256] {strides = array<i32>} : memref<4x896xf32, #tpu.memory_space<vmem>>, vector<16xf32>,
      %parallel_loop3A_258 = arith.constant 2 : i32
      %parallel_loop3A_259 = arith.index_cast %parallel_loop3A_258 : i32 to index
      %parallel_loop3A_260 = arith.index_cast %parallel_loop3A_233 : i32 to index
      %parallel_loop3A_261 = tpu.vector_load %arg10[%parallel_loop3A_259, %parallel_loop3A_260] {strides = array<i32>} : memref<4x896xf32, #tpu.memory_space<vmem>>, vector<16xf32>,
      %parallel_loop3A_262 = arith.constant 3 : i32
      %parallel_loop3A_263 = arith.index_cast %parallel_loop3A_262 : i32 to index
      %parallel_loop3A_264 = arith.index_cast %parallel_loop3A_233 : i32 to index
      %parallel_loop3A_265 = tpu.vector_load %arg10[%parallel_loop3A_263, %parallel_loop3A_264] {strides = array<i32>} : memref<4x896xf32, #tpu.memory_space<vmem>>, vector<16xf32>,
      %parallel_loop3A_266 = arith.index_cast %parallel_loop3A_233 : i32 to index
      %parallel_loop3A_267 = tpu.vector_load %arg11[%parallel_loop3A_266] {strides = array<i32>} : memref<896xi32, #tpu.memory_space<vmem>>, vector<16xi32>,
      %parallel_loop3A_268 = arith.maximumf %parallel_loop3A_237, %parallel_loop3A_241 : vector<16xf32>
      %parallel_loop3A_269 = arith.maximumf %parallel_loop3A_245, %parallel_loop3A_249 : vector<16xf32>
      %parallel_loop3A_270 = arith.maximumf %parallel_loop3A_268, %parallel_loop3A_269 : vector<16xf32>
      %parallel_loop3A_271 = arith.subf %parallel_loop3A_237, %parallel_loop3A_270 : vector<16xf32>
      %parallel_loop3A_272 = math.exp %parallel_loop3A_271 : vector<16xf32>
      %parallel_loop3A_273 = arith.subf %parallel_loop3A_241, %parallel_loop3A_270 : vector<16xf32>
      %parallel_loop3A_274 = math.exp %parallel_loop3A_273 : vector<16xf32>
      %parallel_loop3A_275 = arith.addf %parallel_loop3A_272, %parallel_loop3A_274 : vector<16xf32>
      %parallel_loop3A_276 = arith.subf %parallel_loop3A_245, %parallel_loop3A_270 : vector<16xf32>
      %parallel_loop3A_277 = math.exp %parallel_loop3A_276 : vector<16xf32>
      %parallel_loop3A_278 = arith.subf %parallel_loop3A_249, %parallel_loop3A_270 : vector<16xf32>
      %parallel_loop3A_279 = math.exp %parallel_loop3A_278 : vector<16xf32>
      %parallel_loop3A_280 = arith.addf %parallel_loop3A_277, %parallel_loop3A_279 : vector<16xf32>
      %parallel_loop3A_281 = arith.addf %parallel_loop3A_275, %parallel_loop3A_280 : vector<16xf32>
      %parallel_loop3A_282 = tpu.bitcast %parallel_loop3A_281 : vector<16xf32> -> vector<16xi32>
      %parallel_loop3A_283 = arith.constant 23 : i32
      %parallel_loop3A_284 = vector.broadcast %parallel_loop3A_283 : i32 to vector<16xi32>
      %parallel_loop3A_285 = arith.shrsi %parallel_loop3A_282, %parallel_loop3A_284 : vector<16xi32>
      %parallel_loop3A_286 = arith.constant 127 : i32
      %parallel_loop3A_287 = vector.broadcast %parallel_loop3A_286 : i32 to vector<16xi32>
      %parallel_loop3A_288 = arith.subi %parallel_loop3A_285, %parallel_loop3A_287 : vector<16xi32>
      %parallel_loop3A_289 = arith.constant 8388607 : i32
      %parallel_loop3A_290 = vector.broadcast %parallel_loop3A_289 : i32 to vector<16xi32>
      %parallel_loop3A_291 = arith.andi %parallel_loop3A_282, %parallel_loop3A_290 : vector<16xi32>
      %parallel_loop3A_292 = arith.constant 1065353216 : i32
      %parallel_loop3A_293 = vector.broadcast %parallel_loop3A_292 : i32 to vector<16xi32>
      %parallel_loop3A_294 = arith.ori %parallel_loop3A_291, %parallel_loop3A_293 : vector<16xi32>
      %parallel_loop3A_295 = tpu.bitcast %parallel_loop3A_294 : vector<16xi32> -> vector<16xf32>
      %parallel_loop3A_296 = arith.constant 1.000000e+00 : f32
      %parallel_loop3A_297 = vector.broadcast %parallel_loop3A_296 : f32 to vector<16xf32>
      %parallel_loop3A_298 = arith.subf %parallel_loop3A_295, %parallel_loop3A_297 : vector<16xf32>
      %parallel_loop3A_299 = arith.mulf %parallel_loop3A_298, %parallel_loop3A_298 : vector<16xf32>
      %parallel_loop3A_300 = arith.mulf %parallel_loop3A_299, %parallel_loop3A_299 : vector<16xf32>
      %parallel_loop3A_301 = arith.constant 0.999970257 : f32
      %parallel_loop3A_302 = vector.broadcast %parallel_loop3A_301 : f32 to vector<16xf32>
      %parallel_loop3A_303 = arith.mulf %parallel_loop3A_302, %parallel_loop3A_298 : vector<16xf32>
      %parallel_loop3A_304 = arith.constant 2.21597645E-7 : f32
      %parallel_loop3A_305 = vector.broadcast %parallel_loop3A_304 : f32 to vector<16xf32>
      %parallel_loop3A_306 = arith.addf %parallel_loop3A_305, %parallel_loop3A_303 : vector<16xf32>
      %parallel_loop3A_307 = arith.constant 0.327511728 : f32
      %parallel_loop3A_308 = vector.broadcast %parallel_loop3A_307 : f32 to vector<16xf32>
      %parallel_loop3A_309 = arith.mulf %parallel_loop3A_308, %parallel_loop3A_298 : vector<16xf32>
      %parallel_loop3A_310 = arith.constant -0.499333948 : f32
      %parallel_loop3A_311 = vector.broadcast %parallel_loop3A_310 : f32 to vector<16xf32>
      %parallel_loop3A_312 = arith.addf %parallel_loop3A_311, %parallel_loop3A_309 : vector<16xf32>
      %parallel_loop3A_313 = arith.mulf %parallel_loop3A_312, %parallel_loop3A_299 : vector<16xf32>
      %parallel_loop3A_314 = arith.addf %parallel_loop3A_306, %parallel_loop3A_313 : vector<16xf32>
      %parallel_loop3A_315 = arith.constant 0.131989658 : f32
      %parallel_loop3A_316 = vector.broadcast %parallel_loop3A_315 : f32 to vector<16xf32>
      %parallel_loop3A_317 = arith.mulf %parallel_loop3A_316, %parallel_loop3A_298 : vector<16xf32>
      %parallel_loop3A_318 = arith.constant -0.223966897 : f32
      %parallel_loop3A_319 = vector.broadcast %parallel_loop3A_318 : f32 to vector<16xf32>
      %parallel_loop3A_320 = arith.addf %parallel_loop3A_319, %parallel_loop3A_317 : vector<16xf32>
      %parallel_loop3A_321 = arith.constant 0.0102438284 : f32
      %parallel_loop3A_322 = vector.broadcast %parallel_loop3A_321 : f32 to vector<16xf32>
      %parallel_loop3A_323 = arith.mulf %parallel_loop3A_322, %parallel_loop3A_298 : vector<16xf32>
      %parallel_loop3A_324 = arith.constant -0.0532674789 : f32
      %parallel_loop3A_325 = vector.broadcast %parallel_loop3A_324 : f32 to vector<16xf32>
      %parallel_loop3A_326 = arith.addf %parallel_loop3A_325, %parallel_loop3A_323 : vector<16xf32>
      %parallel_loop3A_327 = arith.mulf %parallel_loop3A_326, %parallel_loop3A_299 : vector<16xf32>
      %parallel_loop3A_328 = arith.addf %parallel_loop3A_320, %parallel_loop3A_327 : vector<16xf32>
      %parallel_loop3A_329 = arith.mulf %parallel_loop3A_328, %parallel_loop3A_300 : vector<16xf32>
      %parallel_loop3A_330 = arith.addf %parallel_loop3A_314, %parallel_loop3A_329 : vector<16xf32>
      %parallel_loop3A_331 = arith.sitofp %parallel_loop3A_288 : vector<16xi32> to vector<16xf32>
      %parallel_loop3A_332 = arith.constant 0.693147182 : f32
      %parallel_loop3A_333 = vector.broadcast %parallel_loop3A_332 : f32 to vector<16xf32>
      %parallel_loop3A_334 = arith.mulf %parallel_loop3A_331, %parallel_loop3A_333 : vector<16xf32>
      %parallel_loop3A_335 = arith.addf %parallel_loop3A_334, %parallel_loop3A_330 : vector<16xf32>
      %parallel_loop3A_336 = arith.addf %parallel_loop3A_335, %parallel_loop3A_270 : vector<16xf32>
      %parallel_loop3A_337 = arith.constant 0 : i32
      %parallel_loop3A_338 = vector.broadcast %parallel_loop3A_337 : i32 to vector<16xi32>
      %parallel_loop3A_339 = arith.cmpi eq, %parallel_loop3A_267, %parallel_loop3A_338 : vector<16xi32>
      %parallel_loop3A_340 = arith.constant 1 : i32
      %parallel_loop3A_341 = vector.broadcast %parallel_loop3A_340 : i32 to vector<16xi32>
      %parallel_loop3A_342 = arith.cmpi eq, %parallel_loop3A_267, %parallel_loop3A_341 : vector<16xi32>
      %parallel_loop3A_343 = arith.constant 2 : i32
      %parallel_loop3A_344 = vector.broadcast %parallel_loop3A_343 : i32 to vector<16xi32>
      %parallel_loop3A_345 = arith.cmpi eq, %parallel_loop3A_267, %parallel_loop3A_344 : vector<16xi32>
      %parallel_loop3A_346 = arith.select %parallel_loop3A_345, %parallel_loop3A_245, %parallel_loop3A_249 : vector<16xi1>, vector<16xf32>
      %parallel_loop3A_347 = arith.select %parallel_loop3A_342, %parallel_loop3A_241, %parallel_loop3A_346 : vector<16xi1>, vector<16xf32>
      %parallel_loop3A_348 = arith.select %parallel_loop3A_339, %parallel_loop3A_237, %parallel_loop3A_347 : vector<16xi1>, vector<16xf32>
      %parallel_loop3A_349 = arith.subf %parallel_loop3A_336, %parallel_loop3A_348 : vector<16xf32>
      %parallel_loop3A_350 = arith.mulf %parallel_loop3A_253, %parallel_loop3A_237 : vector<16xf32>
      %parallel_loop3A_351 = arith.mulf %parallel_loop3A_257, %parallel_loop3A_241 : vector<16xf32>
      %parallel_loop3A_352 = arith.addf %parallel_loop3A_350, %parallel_loop3A_351 : vector<16xf32>
      %parallel_loop3A_353 = arith.mulf %parallel_loop3A_261, %parallel_loop3A_245 : vector<16xf32>
      %parallel_loop3A_354 = arith.mulf %parallel_loop3A_265, %parallel_loop3A_249 : vector<16xf32>
      %parallel_loop3A_355 = arith.addf %parallel_loop3A_353, %parallel_loop3A_354 : vector<16xf32>
      %parallel_loop3A_356 = arith.addf %parallel_loop3A_352, %parallel_loop3A_355 : vector<16xf32>
      %parallel_loop3A_357 = arith.subf %parallel_loop3A_336, %parallel_loop3A_356 : vector<16xf32>
      %parallel_loop3A_358 = arith.constant 0 : i32
      %parallel_loop3A_359 = vector.broadcast %parallel_loop3A_358 : i32 to vector<16xi32>
      %parallel_loop3A_360 = arith.cmpi sgt, %parallel_loop3A_267, %parallel_loop3A_359 : vector<16xi32>
      %parallel_loop3A_361 = arith.constant 1.000000e+00 : f32
      %parallel_loop3A_362 = arith.constant 0.000000e+00 : f32
      %parallel_loop3A_363 = vector.broadcast %parallel_loop3A_361 : f32 to vector<16xf32>
      %parallel_loop3A_364 = vector.broadcast %parallel_loop3A_362 : f32 to vector<16xf32>
      %parallel_loop3A_365 = arith.select %parallel_loop3A_360, %parallel_loop3A_363, %parallel_loop3A_364 : vector<16xi1>, vector<16xf32>
      %parallel_loop3A_366 = arith.mulf %parallel_loop3A_349, %parallel_loop3A_365 : vector<16xf32>
      %parallel_loop3A_367 = arith.addf %parallel_loop3A_228, %parallel_loop3A_366 : vector<16xf32>
      %parallel_loop3A_368 = arith.addf %parallel_loop3A_229, %parallel_loop3A_365 : vector<16xf32>
      %parallel_loop3A_369 = arith.mulf %parallel_loop3A_357, %parallel_loop3A_365 : vector<16xf32>
      %parallel_loop3A_370 = arith.subf %parallel_loop3A_357, %parallel_loop3A_369 : vector<16xf32>
      %parallel_loop3A_371 = arith.addf %parallel_loop3A_230, %parallel_loop3A_370 : vector<16xf32>
      %parallel_loop3A_372 = arith.constant 1.000000e+00 : f32
      %parallel_loop3A_373 = vector.broadcast %parallel_loop3A_372 : f32 to vector<16xf32>
      %parallel_loop3A_374 = arith.subf %parallel_loop3A_373, %parallel_loop3A_365 : vector<16xf32>
      %parallel_loop3A_375 = arith.addf %parallel_loop3A_231, %parallel_loop3A_374 : vector<16xf32>
      scf.yield %parallel_loop3A_367, %parallel_loop3A_368, %parallel_loop3A_371, %parallel_loop3A_375 : vector<16xf32>, vector<16xf32>, vector<16xf32>, vector<16xf32>
    } {sc.loop_unroll_factor = 2 : i64, sc.parallel_access}
    %dma_wait3A_115 = arith.constant 0 : i32
    %dma_wait3A_116 = tpu.memref_slice %arg2[%dma_wait3A_115, %multiple_of3A_34] : memref<4x100000xf32, #tpu.memory_space<hbm>> -> memref<4x896xf32, #tpu.memory_space<hbm>>
    %dma_wait3A_117 = arith.constant 0 : i32
    %dma_wait3A_118 = tpu.memref_slice %arg2[%dma_wait3A_117, %multiple_of3A_34] : memref<4x100000xf32, #tpu.memory_space<hbm>> -> memref<4x896xf32, #tpu.memory_space<hbm>>
    tpu.wait_dma2 semaphore(%arg24 : memref<!tpu.dma_semaphore, #tpu.memory_space<semaphore_mem>>) src(%dma_wait3A_118 : memref<4x896xf32, #tpu.memory_space<hbm>>) dst(%arg12 : memref<4x896xf32, #tpu.memory_space<vmem>>)
    %dma_wait3A_119 = arith.constant 0 : i32
    %dma_wait3A_120 = tpu.memref_slice %arg4[%dma_wait3A_119, %multiple_of3A_34] : memref<4x100000xf32, #tpu.memory_space<hbm>> -> memref<4x896xf32, #tpu.memory_space<hbm>>
    %dma_wait3A_121 = arith.constant 0 : i32
    %dma_wait3A_122 = tpu.memref_slice %arg4[%dma_wait3A_121, %multiple_of3A_34] : memref<4x100000xf32, #tpu.memory_space<hbm>> -> memref<4x896xf32, #tpu.memory_space<hbm>>
    tpu.wait_dma2 semaphore(%arg24 : memref<!tpu.dma_semaphore, #tpu.memory_space<semaphore_mem>>) src(%dma_wait3A_122 : memref<4x896xf32, #tpu.memory_space<hbm>>) dst(%arg13 : memref<4x896xf32, #tpu.memory_space<vmem>>)
    %dma_wait3A_123 = tpu.memref_slice %arg3[%multiple_of3A_34] : memref<100000xi32, #tpu.memory_space<hbm>> -> memref<896xi32, #tpu.memory_space<hbm>>
    %dma_wait3A_124 = tpu.memref_slice %arg3[%multiple_of3A_34] : memref<100000xi32, #tpu.memory_space<hbm>> -> memref<896xi32, #tpu.memory_space<hbm>>
    tpu.wait_dma2 semaphore(%arg24 : memref<!tpu.dma_semaphore, #tpu.memory_space<semaphore_mem>>) src(%dma_wait3A_124 : memref<896xi32, #tpu.memory_space<hbm>>) dst(%arg14 : memref<896xi32, #tpu.memory_space<vmem>>)
    %dma_start3A_125 = arith.constant 0 : i32
    %dma_start3A_126 = tpu.memref_slice %arg2[%dma_start3A_125, %multiple_of3A_37] : memref<4x100000xf32, #tpu.memory_space<hbm>> -> memref<4x640xf32, #tpu.memory_space<hbm>>
    %dma_start3A_127 = arith.constant 0 : i32
    %dma_start3A_128 = tpu.memref_slice %arg2[%dma_start3A_127, %multiple_of3A_37] : memref<4x100000xf32, #tpu.memory_space<hbm>> -> memref<4x640xf32, #tpu.memory_space<hbm>>
    tpu.enqueue_dma source(%dma_start3A_128 : memref<4x640xf32, #tpu.memory_space<hbm>>) target(%arg15 : memref<4x640xf32, #tpu.memory_space<vmem>>) target_semaphore(%arg25 : memref<!tpu.dma_semaphore, #tpu.memory_space<semaphore_mem>>)
    %dma_start3A_129 = arith.constant 0 : i32
    %dma_start3A_130 = tpu.memref_slice %arg4[%dma_start3A_129, %multiple_of3A_37] : memref<4x100000xf32, #tpu.memory_space<hbm>> -> memref<4x640xf32, #tpu.memory_space<hbm>>
    %dma_start3A_131 = arith.constant 0 : i32
    %dma_start3A_132 = tpu.memref_slice %arg4[%dma_start3A_131, %multiple_of3A_37] : memref<4x100000xf32, #tpu.memory_space<hbm>> -> memref<4x640xf32, #tpu.memory_space<hbm>>
    tpu.enqueue_dma source(%dma_start3A_132 : memref<4x640xf32, #tpu.memory_space<hbm>>) target(%arg16 : memref<4x640xf32, #tpu.memory_space<vmem>>) target_semaphore(%arg25 : memref<!tpu.dma_semaphore, #tpu.memory_space<semaphore_mem>>)
    %dma_start3A_133 = tpu.memref_slice %arg3[%multiple_of3A_37] : memref<100000xi32, #tpu.memory_space<hbm>> -> memref<640xi32, #tpu.memory_space<hbm>>
    %dma_start3A_134 = tpu.memref_slice %arg3[%multiple_of3A_37] : memref<100000xi32, #tpu.memory_space<hbm>> -> memref<640xi32, #tpu.memory_space<hbm>>
    tpu.enqueue_dma source(%dma_start3A_134 : memref<640xi32, #tpu.memory_space<hbm>>) target(%arg17 : memref<640xi32, #tpu.memory_space<vmem>>) target_semaphore(%arg25 : memref<!tpu.dma_semaphore, #tpu.memory_space<semaphore_mem>>)
    %parallel_loop3A_135 = arith.constant 0 : i32
    %parallel_loop3A_136 = arith.constant 56 : i32
    %parallel_loop3A_137 = arith.constant 1 : i32
    %parallel_loop3A_138:4 = scf.for %parallel_loop3A_227 = %parallel_loop3A_135 to %parallel_loop3A_136 step %parallel_loop3A_137 iter_args(%parallel_loop3A_228 = %parallel_loop3A_114#0, %parallel_loop3A_229 = %parallel_loop3A_114#1, %parallel_loop3A_230 = %parallel_loop3A_114#2, %parallel_loop3A_231 = %parallel_loop3A_114#3) -> (vector<16xf32>, vector<16xf32>, vector<16xf32>, vector<16xf32>)  : i32 {
      %parallel_loop3A_232 = arith.constant 16 : i32
      %parallel_loop3A_233 = arith.muli %parallel_loop3A_227, %parallel_loop3A_232 : i32
      %parallel_loop3A_234 = arith.constant 0 : i32
      %parallel_loop3A_235 = arith.index_cast %parallel_loop3A_234 : i32 to index
      %parallel_loop3A_236 = arith.index_cast %parallel_loop3A_233 : i32 to index
      %parallel_loop3A_237 = tpu.vector_load %arg12[%parallel_loop3A_235, %parallel_loop3A_236] {strides = array<i32>} : memref<4x896xf32, #tpu.memory_space<vmem>>, vector<16xf32>,
      %parallel_loop3A_238 = arith.constant 1 : i32
      %parallel_loop3A_239 = arith.index_cast %parallel_loop3A_238 : i32 to index
      %parallel_loop3A_240 = arith.index_cast %parallel_loop3A_233 : i32 to index
      %parallel_loop3A_241 = tpu.vector_load %arg12[%parallel_loop3A_239, %parallel_loop3A_240] {strides = array<i32>} : memref<4x896xf32, #tpu.memory_space<vmem>>, vector<16xf32>,
      %parallel_loop3A_242 = arith.constant 2 : i32
      %parallel_loop3A_243 = arith.index_cast %parallel_loop3A_242 : i32 to index
      %parallel_loop3A_244 = arith.index_cast %parallel_loop3A_233 : i32 to index
      %parallel_loop3A_245 = tpu.vector_load %arg12[%parallel_loop3A_243, %parallel_loop3A_244] {strides = array<i32>} : memref<4x896xf32, #tpu.memory_space<vmem>>, vector<16xf32>,
      %parallel_loop3A_246 = arith.constant 3 : i32
      %parallel_loop3A_247 = arith.index_cast %parallel_loop3A_246 : i32 to index
      %parallel_loop3A_248 = arith.index_cast %parallel_loop3A_233 : i32 to index
      %parallel_loop3A_249 = tpu.vector_load %arg12[%parallel_loop3A_247, %parallel_loop3A_248] {strides = array<i32>} : memref<4x896xf32, #tpu.memory_space<vmem>>, vector<16xf32>,
      %parallel_loop3A_250 = arith.constant 0 : i32
      %parallel_loop3A_251 = arith.index_cast %parallel_loop3A_250 : i32 to index
      %parallel_loop3A_252 = arith.index_cast %parallel_loop3A_233 : i32 to index
      %parallel_loop3A_253 = tpu.vector_load %arg13[%parallel_loop3A_251, %parallel_loop3A_252] {strides = array<i32>} : memref<4x896xf32, #tpu.memory_space<vmem>>, vector<16xf32>,
      %parallel_loop3A_254 = arith.constant 1 : i32
      %parallel_loop3A_255 = arith.index_cast %parallel_loop3A_254 : i32 to index
      %parallel_loop3A_256 = arith.index_cast %parallel_loop3A_233 : i32 to index
      %parallel_loop3A_257 = tpu.vector_load %arg13[%parallel_loop3A_255, %parallel_loop3A_256] {strides = array<i32>} : memref<4x896xf32, #tpu.memory_space<vmem>>, vector<16xf32>,
      %parallel_loop3A_258 = arith.constant 2 : i32
      %parallel_loop3A_259 = arith.index_cast %parallel_loop3A_258 : i32 to index
      %parallel_loop3A_260 = arith.index_cast %parallel_loop3A_233 : i32 to index
      %parallel_loop3A_261 = tpu.vector_load %arg13[%parallel_loop3A_259, %parallel_loop3A_260] {strides = array<i32>} : memref<4x896xf32, #tpu.memory_space<vmem>>, vector<16xf32>,
      %parallel_loop3A_262 = arith.constant 3 : i32
      %parallel_loop3A_263 = arith.index_cast %parallel_loop3A_262 : i32 to index
      %parallel_loop3A_264 = arith.index_cast %parallel_loop3A_233 : i32 to index
      %parallel_loop3A_265 = tpu.vector_load %arg13[%parallel_loop3A_263, %parallel_loop3A_264] {strides = array<i32>} : memref<4x896xf32, #tpu.memory_space<vmem>>, vector<16xf32>,
      %parallel_loop3A_266 = arith.index_cast %parallel_loop3A_233 : i32 to index
      %parallel_loop3A_267 = tpu.vector_load %arg14[%parallel_loop3A_266] {strides = array<i32>} : memref<896xi32, #tpu.memory_space<vmem>>, vector<16xi32>,
      %parallel_loop3A_268 = arith.maximumf %parallel_loop3A_237, %parallel_loop3A_241 : vector<16xf32>
      %parallel_loop3A_269 = arith.maximumf %parallel_loop3A_245, %parallel_loop3A_249 : vector<16xf32>
      %parallel_loop3A_270 = arith.maximumf %parallel_loop3A_268, %parallel_loop3A_269 : vector<16xf32>
      %parallel_loop3A_271 = arith.subf %parallel_loop3A_237, %parallel_loop3A_270 : vector<16xf32>
      %parallel_loop3A_272 = math.exp %parallel_loop3A_271 : vector<16xf32>
      %parallel_loop3A_273 = arith.subf %parallel_loop3A_241, %parallel_loop3A_270 : vector<16xf32>
      %parallel_loop3A_274 = math.exp %parallel_loop3A_273 : vector<16xf32>
      %parallel_loop3A_275 = arith.addf %parallel_loop3A_272, %parallel_loop3A_274 : vector<16xf32>
      %parallel_loop3A_276 = arith.subf %parallel_loop3A_245, %parallel_loop3A_270 : vector<16xf32>
      %parallel_loop3A_277 = math.exp %parallel_loop3A_276 : vector<16xf32>
      %parallel_loop3A_278 = arith.subf %parallel_loop3A_249, %parallel_loop3A_270 : vector<16xf32>
      %parallel_loop3A_279 = math.exp %parallel_loop3A_278 : vector<16xf32>
      %parallel_loop3A_280 = arith.addf %parallel_loop3A_277, %parallel_loop3A_279 : vector<16xf32>
      %parallel_loop3A_281 = arith.addf %parallel_loop3A_275, %parallel_loop3A_280 : vector<16xf32>
      %parallel_loop3A_282 = tpu.bitcast %parallel_loop3A_281 : vector<16xf32> -> vector<16xi32>
      %parallel_loop3A_283 = arith.constant 23 : i32
      %parallel_loop3A_284 = vector.broadcast %parallel_loop3A_283 : i32 to vector<16xi32>
      %parallel_loop3A_285 = arith.shrsi %parallel_loop3A_282, %parallel_loop3A_284 : vector<16xi32>
      %parallel_loop3A_286 = arith.constant 127 : i32
      %parallel_loop3A_287 = vector.broadcast %parallel_loop3A_286 : i32 to vector<16xi32>
      %parallel_loop3A_288 = arith.subi %parallel_loop3A_285, %parallel_loop3A_287 : vector<16xi32>
      %parallel_loop3A_289 = arith.constant 8388607 : i32
      %parallel_loop3A_290 = vector.broadcast %parallel_loop3A_289 : i32 to vector<16xi32>
      %parallel_loop3A_291 = arith.andi %parallel_loop3A_282, %parallel_loop3A_290 : vector<16xi32>
      %parallel_loop3A_292 = arith.constant 1065353216 : i32
      %parallel_loop3A_293 = vector.broadcast %parallel_loop3A_292 : i32 to vector<16xi32>
      %parallel_loop3A_294 = arith.ori %parallel_loop3A_291, %parallel_loop3A_293 : vector<16xi32>
      %parallel_loop3A_295 = tpu.bitcast %parallel_loop3A_294 : vector<16xi32> -> vector<16xf32>
      %parallel_loop3A_296 = arith.constant 1.000000e+00 : f32
      %parallel_loop3A_297 = vector.broadcast %parallel_loop3A_296 : f32 to vector<16xf32>
      %parallel_loop3A_298 = arith.subf %parallel_loop3A_295, %parallel_loop3A_297 : vector<16xf32>
      %parallel_loop3A_299 = arith.mulf %parallel_loop3A_298, %parallel_loop3A_298 : vector<16xf32>
      %parallel_loop3A_300 = arith.mulf %parallel_loop3A_299, %parallel_loop3A_299 : vector<16xf32>
      %parallel_loop3A_301 = arith.constant 0.999970257 : f32
      %parallel_loop3A_302 = vector.broadcast %parallel_loop3A_301 : f32 to vector<16xf32>
      %parallel_loop3A_303 = arith.mulf %parallel_loop3A_302, %parallel_loop3A_298 : vector<16xf32>
      %parallel_loop3A_304 = arith.constant 2.21597645E-7 : f32
      %parallel_loop3A_305 = vector.broadcast %parallel_loop3A_304 : f32 to vector<16xf32>
      %parallel_loop3A_306 = arith.addf %parallel_loop3A_305, %parallel_loop3A_303 : vector<16xf32>
      %parallel_loop3A_307 = arith.constant 0.327511728 : f32
      %parallel_loop3A_308 = vector.broadcast %parallel_loop3A_307 : f32 to vector<16xf32>
      %parallel_loop3A_309 = arith.mulf %parallel_loop3A_308, %parallel_loop3A_298 : vector<16xf32>
      %parallel_loop3A_310 = arith.constant -0.499333948 : f32
      %parallel_loop3A_311 = vector.broadcast %parallel_loop3A_310 : f32 to vector<16xf32>
      %parallel_loop3A_312 = arith.addf %parallel_loop3A_311, %parallel_loop3A_309 : vector<16xf32>
      %parallel_loop3A_313 = arith.mulf %parallel_loop3A_312, %parallel_loop3A_299 : vector<16xf32>
      %parallel_loop3A_314 = arith.addf %parallel_loop3A_306, %parallel_loop3A_313 : vector<16xf32>
      %parallel_loop3A_315 = arith.constant 0.131989658 : f32
      %parallel_loop3A_316 = vector.broadcast %parallel_loop3A_315 : f32 to vector<16xf32>
      %parallel_loop3A_317 = arith.mulf %parallel_loop3A_316, %parallel_loop3A_298 : vector<16xf32>
      %parallel_loop3A_318 = arith.constant -0.223966897 : f32
      %parallel_loop3A_319 = vector.broadcast %parallel_loop3A_318 : f32 to vector<16xf32>
      %parallel_loop3A_320 = arith.addf %parallel_loop3A_319, %parallel_loop3A_317 : vector<16xf32>
      %parallel_loop3A_321 = arith.constant 0.0102438284 : f32
      %parallel_loop3A_322 = vector.broadcast %parallel_loop3A_321 : f32 to vector<16xf32>
      %parallel_loop3A_323 = arith.mulf %parallel_loop3A_322, %parallel_loop3A_298 : vector<16xf32>
      %parallel_loop3A_324 = arith.constant -0.0532674789 : f32
      %parallel_loop3A_325 = vector.broadcast %parallel_loop3A_324 : f32 to vector<16xf32>
      %parallel_loop3A_326 = arith.addf %parallel_loop3A_325, %parallel_loop3A_323 : vector<16xf32>
      %parallel_loop3A_327 = arith.mulf %parallel_loop3A_326, %parallel_loop3A_299 : vector<16xf32>
      %parallel_loop3A_328 = arith.addf %parallel_loop3A_320, %parallel_loop3A_327 : vector<16xf32>
      %parallel_loop3A_329 = arith.mulf %parallel_loop3A_328, %parallel_loop3A_300 : vector<16xf32>
      %parallel_loop3A_330 = arith.addf %parallel_loop3A_314, %parallel_loop3A_329 : vector<16xf32>
      %parallel_loop3A_331 = arith.sitofp %parallel_loop3A_288 : vector<16xi32> to vector<16xf32>
      %parallel_loop3A_332 = arith.constant 0.693147182 : f32
      %parallel_loop3A_333 = vector.broadcast %parallel_loop3A_332 : f32 to vector<16xf32>
      %parallel_loop3A_334 = arith.mulf %parallel_loop3A_331, %parallel_loop3A_333 : vector<16xf32>
      %parallel_loop3A_335 = arith.addf %parallel_loop3A_334, %parallel_loop3A_330 : vector<16xf32>
      %parallel_loop3A_336 = arith.addf %parallel_loop3A_335, %parallel_loop3A_270 : vector<16xf32>
      %parallel_loop3A_337 = arith.constant 0 : i32
      %parallel_loop3A_338 = vector.broadcast %parallel_loop3A_337 : i32 to vector<16xi32>
      %parallel_loop3A_339 = arith.cmpi eq, %parallel_loop3A_267, %parallel_loop3A_338 : vector<16xi32>
      %parallel_loop3A_340 = arith.constant 1 : i32
      %parallel_loop3A_341 = vector.broadcast %parallel_loop3A_340 : i32 to vector<16xi32>
      %parallel_loop3A_342 = arith.cmpi eq, %parallel_loop3A_267, %parallel_loop3A_341 : vector<16xi32>
      %parallel_loop3A_343 = arith.constant 2 : i32
      %parallel_loop3A_344 = vector.broadcast %parallel_loop3A_343 : i32 to vector<16xi32>
      %parallel_loop3A_345 = arith.cmpi eq, %parallel_loop3A_267, %parallel_loop3A_344 : vector<16xi32>
      %parallel_loop3A_346 = arith.select %parallel_loop3A_345, %parallel_loop3A_245, %parallel_loop3A_249 : vector<16xi1>, vector<16xf32>
      %parallel_loop3A_347 = arith.select %parallel_loop3A_342, %parallel_loop3A_241, %parallel_loop3A_346 : vector<16xi1>, vector<16xf32>
      %parallel_loop3A_348 = arith.select %parallel_loop3A_339, %parallel_loop3A_237, %parallel_loop3A_347 : vector<16xi1>, vector<16xf32>
      %parallel_loop3A_349 = arith.subf %parallel_loop3A_336, %parallel_loop3A_348 : vector<16xf32>
      %parallel_loop3A_350 = arith.mulf %parallel_loop3A_253, %parallel_loop3A_237 : vector<16xf32>
      %parallel_loop3A_351 = arith.mulf %parallel_loop3A_257, %parallel_loop3A_241 : vector<16xf32>
      %parallel_loop3A_352 = arith.addf %parallel_loop3A_350, %parallel_loop3A_351 : vector<16xf32>
      %parallel_loop3A_353 = arith.mulf %parallel_loop3A_261, %parallel_loop3A_245 : vector<16xf32>
      %parallel_loop3A_354 = arith.mulf %parallel_loop3A_265, %parallel_loop3A_249 : vector<16xf32>
      %parallel_loop3A_355 = arith.addf %parallel_loop3A_353, %parallel_loop3A_354 : vector<16xf32>
      %parallel_loop3A_356 = arith.addf %parallel_loop3A_352, %parallel_loop3A_355 : vector<16xf32>
      %parallel_loop3A_357 = arith.subf %parallel_loop3A_336, %parallel_loop3A_356 : vector<16xf32>
      %parallel_loop3A_358 = arith.constant 0 : i32
      %parallel_loop3A_359 = vector.broadcast %parallel_loop3A_358 : i32 to vector<16xi32>
      %parallel_loop3A_360 = arith.cmpi sgt, %parallel_loop3A_267, %parallel_loop3A_359 : vector<16xi32>
      %parallel_loop3A_361 = arith.constant 1.000000e+00 : f32
      %parallel_loop3A_362 = arith.constant 0.000000e+00 : f32
      %parallel_loop3A_363 = vector.broadcast %parallel_loop3A_361 : f32 to vector<16xf32>
      %parallel_loop3A_364 = vector.broadcast %parallel_loop3A_362 : f32 to vector<16xf32>
      %parallel_loop3A_365 = arith.select %parallel_loop3A_360, %parallel_loop3A_363, %parallel_loop3A_364 : vector<16xi1>, vector<16xf32>
      %parallel_loop3A_366 = arith.mulf %parallel_loop3A_349, %parallel_loop3A_365 : vector<16xf32>
      %parallel_loop3A_367 = arith.addf %parallel_loop3A_228, %parallel_loop3A_366 : vector<16xf32>
      %parallel_loop3A_368 = arith.addf %parallel_loop3A_229, %parallel_loop3A_365 : vector<16xf32>
      %parallel_loop3A_369 = arith.mulf %parallel_loop3A_357, %parallel_loop3A_365 : vector<16xf32>
      %parallel_loop3A_370 = arith.subf %parallel_loop3A_357, %parallel_loop3A_369 : vector<16xf32>
      %parallel_loop3A_371 = arith.addf %parallel_loop3A_230, %parallel_loop3A_370 : vector<16xf32>
      %parallel_loop3A_372 = arith.constant 1.000000e+00 : f32
      %parallel_loop3A_373 = vector.broadcast %parallel_loop3A_372 : f32 to vector<16xf32>
      %parallel_loop3A_374 = arith.subf %parallel_loop3A_373, %parallel_loop3A_365 : vector<16xf32>
      %parallel_loop3A_375 = arith.addf %parallel_loop3A_231, %parallel_loop3A_374 : vector<16xf32>
      scf.yield %parallel_loop3A_367, %parallel_loop3A_368, %parallel_loop3A_371, %parallel_loop3A_375 : vector<16xf32>, vector<16xf32>, vector<16xf32>, vector<16xf32>
    } {sc.loop_unroll_factor = 2 : i64, sc.parallel_access}
    %dma_wait3A_139 = arith.constant 0 : i32
    %dma_wait3A_140 = tpu.memref_slice %arg2[%dma_wait3A_139, %multiple_of3A_37] : memref<4x100000xf32, #tpu.memory_space<hbm>> -> memref<4x640xf32, #tpu.memory_space<hbm>>
    %dma_wait3A_141 = arith.constant 0 : i32
    %dma_wait3A_142 = tpu.memref_slice %arg2[%dma_wait3A_141, %multiple_of3A_37] : memref<4x100000xf32, #tpu.memory_space<hbm>> -> memref<4x640xf32, #tpu.memory_space<hbm>>
    tpu.wait_dma2 semaphore(%arg25 : memref<!tpu.dma_semaphore, #tpu.memory_space<semaphore_mem>>) src(%dma_wait3A_142 : memref<4x640xf32, #tpu.memory_space<hbm>>) dst(%arg15 : memref<4x640xf32, #tpu.memory_space<vmem>>)
    %dma_wait3A_143 = arith.constant 0 : i32
    %dma_wait3A_144 = tpu.memref_slice %arg4[%dma_wait3A_143, %multiple_of3A_37] : memref<4x100000xf32, #tpu.memory_space<hbm>> -> memref<4x640xf32, #tpu.memory_space<hbm>>
    %dma_wait3A_145 = arith.constant 0 : i32
    %dma_wait3A_146 = tpu.memref_slice %arg4[%dma_wait3A_145, %multiple_of3A_37] : memref<4x100000xf32, #tpu.memory_space<hbm>> -> memref<4x640xf32, #tpu.memory_space<hbm>>
    tpu.wait_dma2 semaphore(%arg25 : memref<!tpu.dma_semaphore, #tpu.memory_space<semaphore_mem>>) src(%dma_wait3A_146 : memref<4x640xf32, #tpu.memory_space<hbm>>) dst(%arg16 : memref<4x640xf32, #tpu.memory_space<vmem>>)
    %dma_wait3A_147 = tpu.memref_slice %arg3[%multiple_of3A_37] : memref<100000xi32, #tpu.memory_space<hbm>> -> memref<640xi32, #tpu.memory_space<hbm>>
    %dma_wait3A_148 = tpu.memref_slice %arg3[%multiple_of3A_37] : memref<100000xi32, #tpu.memory_space<hbm>> -> memref<640xi32, #tpu.memory_space<hbm>>
    tpu.wait_dma2 semaphore(%arg25 : memref<!tpu.dma_semaphore, #tpu.memory_space<semaphore_mem>>) src(%dma_wait3A_148 : memref<640xi32, #tpu.memory_space<hbm>>) dst(%arg17 : memref<640xi32, #tpu.memory_space<vmem>>)
    %parallel_loop3A_149 = arith.constant 0 : i32
    %parallel_loop3A_150 = arith.constant 24 : i32
    %parallel_loop3A_151 = arith.constant 1 : i32
    %parallel_loop3A_152:4 = scf.for %parallel_loop3A_227 = %parallel_loop3A_149 to %parallel_loop3A_150 step %parallel_loop3A_151 iter_args(%parallel_loop3A_228 = %parallel_loop3A_138#0, %parallel_loop3A_229 = %parallel_loop3A_138#1, %parallel_loop3A_230 = %parallel_loop3A_138#2, %parallel_loop3A_231 = %parallel_loop3A_138#3) -> (vector<16xf32>, vector<16xf32>, vector<16xf32>, vector<16xf32>)  : i32 {
      %parallel_loop3A_232 = arith.constant 16 : i32
      %parallel_loop3A_233 = arith.muli %parallel_loop3A_227, %parallel_loop3A_232 : i32
      %parallel_loop3A_234 = arith.constant 0 : i32
      %parallel_loop3A_235 = arith.index_cast %parallel_loop3A_234 : i32 to index
      %parallel_loop3A_236 = arith.index_cast %parallel_loop3A_233 : i32 to index
      %parallel_loop3A_237 = tpu.vector_load %arg15[%parallel_loop3A_235, %parallel_loop3A_236] {strides = array<i32>} : memref<4x640xf32, #tpu.memory_space<vmem>>, vector<16xf32>,
      %parallel_loop3A_238 = arith.constant 1 : i32
      %parallel_loop3A_239 = arith.index_cast %parallel_loop3A_238 : i32 to index
      %parallel_loop3A_240 = arith.index_cast %parallel_loop3A_233 : i32 to index
      %parallel_loop3A_241 = tpu.vector_load %arg15[%parallel_loop3A_239, %parallel_loop3A_240] {strides = array<i32>} : memref<4x640xf32, #tpu.memory_space<vmem>>, vector<16xf32>,
      %parallel_loop3A_242 = arith.constant 2 : i32
      %parallel_loop3A_243 = arith.index_cast %parallel_loop3A_242 : i32 to index
      %parallel_loop3A_244 = arith.index_cast %parallel_loop3A_233 : i32 to index
      %parallel_loop3A_245 = tpu.vector_load %arg15[%parallel_loop3A_243, %parallel_loop3A_244] {strides = array<i32>} : memref<4x640xf32, #tpu.memory_space<vmem>>, vector<16xf32>,
      %parallel_loop3A_246 = arith.constant 3 : i32
      %parallel_loop3A_247 = arith.index_cast %parallel_loop3A_246 : i32 to index
      %parallel_loop3A_248 = arith.index_cast %parallel_loop3A_233 : i32 to index
      %parallel_loop3A_249 = tpu.vector_load %arg15[%parallel_loop3A_247, %parallel_loop3A_248] {strides = array<i32>} : memref<4x640xf32, #tpu.memory_space<vmem>>, vector<16xf32>,
      %parallel_loop3A_250 = arith.constant 0 : i32
      %parallel_loop3A_251 = arith.index_cast %parallel_loop3A_250 : i32 to index
      %parallel_loop3A_252 = arith.index_cast %parallel_loop3A_233 : i32 to index
      %parallel_loop3A_253 = tpu.vector_load %arg16[%parallel_loop3A_251, %parallel_loop3A_252] {strides = array<i32>} : memref<4x640xf32, #tpu.memory_space<vmem>>, vector<16xf32>,
      %parallel_loop3A_254 = arith.constant 1 : i32
      %parallel_loop3A_255 = arith.index_cast %parallel_loop3A_254 : i32 to index
      %parallel_loop3A_256 = arith.index_cast %parallel_loop3A_233 : i32 to index
      %parallel_loop3A_257 = tpu.vector_load %arg16[%parallel_loop3A_255, %parallel_loop3A_256] {strides = array<i32>} : memref<4x640xf32, #tpu.memory_space<vmem>>, vector<16xf32>,
      %parallel_loop3A_258 = arith.constant 2 : i32
      %parallel_loop3A_259 = arith.index_cast %parallel_loop3A_258 : i32 to index
      %parallel_loop3A_260 = arith.index_cast %parallel_loop3A_233 : i32 to index
      %parallel_loop3A_261 = tpu.vector_load %arg16[%parallel_loop3A_259, %parallel_loop3A_260] {strides = array<i32>} : memref<4x640xf32, #tpu.memory_space<vmem>>, vector<16xf32>,
      %parallel_loop3A_262 = arith.constant 3 : i32
      %parallel_loop3A_263 = arith.index_cast %parallel_loop3A_262 : i32 to index
      %parallel_loop3A_264 = arith.index_cast %parallel_loop3A_233 : i32 to index
      %parallel_loop3A_265 = tpu.vector_load %arg16[%parallel_loop3A_263, %parallel_loop3A_264] {strides = array<i32>} : memref<4x640xf32, #tpu.memory_space<vmem>>, vector<16xf32>,
      %parallel_loop3A_266 = arith.index_cast %parallel_loop3A_233 : i32 to index
      %parallel_loop3A_267 = tpu.vector_load %arg17[%parallel_loop3A_266] {strides = array<i32>} : memref<640xi32, #tpu.memory_space<vmem>>, vector<16xi32>,
      %parallel_loop3A_268 = arith.maximumf %parallel_loop3A_237, %parallel_loop3A_241 : vector<16xf32>
      %parallel_loop3A_269 = arith.maximumf %parallel_loop3A_245, %parallel_loop3A_249 : vector<16xf32>
      %parallel_loop3A_270 = arith.maximumf %parallel_loop3A_268, %parallel_loop3A_269 : vector<16xf32>
      %parallel_loop3A_271 = arith.subf %parallel_loop3A_237, %parallel_loop3A_270 : vector<16xf32>
      %parallel_loop3A_272 = math.exp %parallel_loop3A_271 : vector<16xf32>
      %parallel_loop3A_273 = arith.subf %parallel_loop3A_241, %parallel_loop3A_270 : vector<16xf32>
      %parallel_loop3A_274 = math.exp %parallel_loop3A_273 : vector<16xf32>
      %parallel_loop3A_275 = arith.addf %parallel_loop3A_272, %parallel_loop3A_274 : vector<16xf32>
      %parallel_loop3A_276 = arith.subf %parallel_loop3A_245, %parallel_loop3A_270 : vector<16xf32>
      %parallel_loop3A_277 = math.exp %parallel_loop3A_276 : vector<16xf32>
      %parallel_loop3A_278 = arith.subf %parallel_loop3A_249, %parallel_loop3A_270 : vector<16xf32>
      %parallel_loop3A_279 = math.exp %parallel_loop3A_278 : vector<16xf32>
      %parallel_loop3A_280 = arith.addf %parallel_loop3A_277, %parallel_loop3A_279 : vector<16xf32>
      %parallel_loop3A_281 = arith.addf %parallel_loop3A_275, %parallel_loop3A_280 : vector<16xf32>
      %parallel_loop3A_282 = tpu.bitcast %parallel_loop3A_281 : vector<16xf32> -> vector<16xi32>
      %parallel_loop3A_283 = arith.constant 23 : i32
      %parallel_loop3A_284 = vector.broadcast %parallel_loop3A_283 : i32 to vector<16xi32>
      %parallel_loop3A_285 = arith.shrsi %parallel_loop3A_282, %parallel_loop3A_284 : vector<16xi32>
      %parallel_loop3A_286 = arith.constant 127 : i32
      %parallel_loop3A_287 = vector.broadcast %parallel_loop3A_286 : i32 to vector<16xi32>
      %parallel_loop3A_288 = arith.subi %parallel_loop3A_285, %parallel_loop3A_287 : vector<16xi32>
      %parallel_loop3A_289 = arith.constant 8388607 : i32
      %parallel_loop3A_290 = vector.broadcast %parallel_loop3A_289 : i32 to vector<16xi32>
      %parallel_loop3A_291 = arith.andi %parallel_loop3A_282, %parallel_loop3A_290 : vector<16xi32>
      %parallel_loop3A_292 = arith.constant 1065353216 : i32
      %parallel_loop3A_293 = vector.broadcast %parallel_loop3A_292 : i32 to vector<16xi32>
      %parallel_loop3A_294 = arith.ori %parallel_loop3A_291, %parallel_loop3A_293 : vector<16xi32>
      %parallel_loop3A_295 = tpu.bitcast %parallel_loop3A_294 : vector<16xi32> -> vector<16xf32>
      %parallel_loop3A_296 = arith.constant 1.000000e+00 : f32
      %parallel_loop3A_297 = vector.broadcast %parallel_loop3A_296 : f32 to vector<16xf32>
      %parallel_loop3A_298 = arith.subf %parallel_loop3A_295, %parallel_loop3A_297 : vector<16xf32>
      %parallel_loop3A_299 = arith.mulf %parallel_loop3A_298, %parallel_loop3A_298 : vector<16xf32>
      %parallel_loop3A_300 = arith.mulf %parallel_loop3A_299, %parallel_loop3A_299 : vector<16xf32>
      %parallel_loop3A_301 = arith.constant 0.999970257 : f32
      %parallel_loop3A_302 = vector.broadcast %parallel_loop3A_301 : f32 to vector<16xf32>
      %parallel_loop3A_303 = arith.mulf %parallel_loop3A_302, %parallel_loop3A_298 : vector<16xf32>
      %parallel_loop3A_304 = arith.constant 2.21597645E-7 : f32
      %parallel_loop3A_305 = vector.broadcast %parallel_loop3A_304 : f32 to vector<16xf32>
      %parallel_loop3A_306 = arith.addf %parallel_loop3A_305, %parallel_loop3A_303 : vector<16xf32>
      %parallel_loop3A_307 = arith.constant 0.327511728 : f32
      %parallel_loop3A_308 = vector.broadcast %parallel_loop3A_307 : f32 to vector<16xf32>
      %parallel_loop3A_309 = arith.mulf %parallel_loop3A_308, %parallel_loop3A_298 : vector<16xf32>
      %parallel_loop3A_310 = arith.constant -0.499333948 : f32
      %parallel_loop3A_311 = vector.broadcast %parallel_loop3A_310 : f32 to vector<16xf32>
      %parallel_loop3A_312 = arith.addf %parallel_loop3A_311, %parallel_loop3A_309 : vector<16xf32>
      %parallel_loop3A_313 = arith.mulf %parallel_loop3A_312, %parallel_loop3A_299 : vector<16xf32>
      %parallel_loop3A_314 = arith.addf %parallel_loop3A_306, %parallel_loop3A_313 : vector<16xf32>
      %parallel_loop3A_315 = arith.constant 0.131989658 : f32
      %parallel_loop3A_316 = vector.broadcast %parallel_loop3A_315 : f32 to vector<16xf32>
      %parallel_loop3A_317 = arith.mulf %parallel_loop3A_316, %parallel_loop3A_298 : vector<16xf32>
      %parallel_loop3A_318 = arith.constant -0.223966897 : f32
      %parallel_loop3A_319 = vector.broadcast %parallel_loop3A_318 : f32 to vector<16xf32>
      %parallel_loop3A_320 = arith.addf %parallel_loop3A_319, %parallel_loop3A_317 : vector<16xf32>
      %parallel_loop3A_321 = arith.constant 0.0102438284 : f32
      %parallel_loop3A_322 = vector.broadcast %parallel_loop3A_321 : f32 to vector<16xf32>
      %parallel_loop3A_323 = arith.mulf %parallel_loop3A_322, %parallel_loop3A_298 : vector<16xf32>
      %parallel_loop3A_324 = arith.constant -0.0532674789 : f32
      %parallel_loop3A_325 = vector.broadcast %parallel_loop3A_324 : f32 to vector<16xf32>
      %parallel_loop3A_326 = arith.addf %parallel_loop3A_325, %parallel_loop3A_323 : vector<16xf32>
      %parallel_loop3A_327 = arith.mulf %parallel_loop3A_326, %parallel_loop3A_299 : vector<16xf32>
      %parallel_loop3A_328 = arith.addf %parallel_loop3A_320, %parallel_loop3A_327 : vector<16xf32>
      %parallel_loop3A_329 = arith.mulf %parallel_loop3A_328, %parallel_loop3A_300 : vector<16xf32>
      %parallel_loop3A_330 = arith.addf %parallel_loop3A_314, %parallel_loop3A_329 : vector<16xf32>
      %parallel_loop3A_331 = arith.sitofp %parallel_loop3A_288 : vector<16xi32> to vector<16xf32>
      %parallel_loop3A_332 = arith.constant 0.693147182 : f32
      %parallel_loop3A_333 = vector.broadcast %parallel_loop3A_332 : f32 to vector<16xf32>
      %parallel_loop3A_334 = arith.mulf %parallel_loop3A_331, %parallel_loop3A_333 : vector<16xf32>
      %parallel_loop3A_335 = arith.addf %parallel_loop3A_334, %parallel_loop3A_330 : vector<16xf32>
      %parallel_loop3A_336 = arith.addf %parallel_loop3A_335, %parallel_loop3A_270 : vector<16xf32>
      %parallel_loop3A_337 = arith.constant 0 : i32
      %parallel_loop3A_338 = vector.broadcast %parallel_loop3A_337 : i32 to vector<16xi32>
      %parallel_loop3A_339 = arith.cmpi eq, %parallel_loop3A_267, %parallel_loop3A_338 : vector<16xi32>
      %parallel_loop3A_340 = arith.constant 1 : i32
      %parallel_loop3A_341 = vector.broadcast %parallel_loop3A_340 : i32 to vector<16xi32>
      %parallel_loop3A_342 = arith.cmpi eq, %parallel_loop3A_267, %parallel_loop3A_341 : vector<16xi32>
      %parallel_loop3A_343 = arith.constant 2 : i32
      %parallel_loop3A_344 = vector.broadcast %parallel_loop3A_343 : i32 to vector<16xi32>
      %parallel_loop3A_345 = arith.cmpi eq, %parallel_loop3A_267, %parallel_loop3A_344 : vector<16xi32>
      %parallel_loop3A_346 = arith.select %parallel_loop3A_345, %parallel_loop3A_245, %parallel_loop3A_249 : vector<16xi1>, vector<16xf32>
      %parallel_loop3A_347 = arith.select %parallel_loop3A_342, %parallel_loop3A_241, %parallel_loop3A_346 : vector<16xi1>, vector<16xf32>
      %parallel_loop3A_348 = arith.select %parallel_loop3A_339, %parallel_loop3A_237, %parallel_loop3A_347 : vector<16xi1>, vector<16xf32>
      %parallel_loop3A_349 = arith.subf %parallel_loop3A_336, %parallel_loop3A_348 : vector<16xf32>
      %parallel_loop3A_350 = arith.mulf %parallel_loop3A_253, %parallel_loop3A_237 : vector<16xf32>
      %parallel_loop3A_351 = arith.mulf %parallel_loop3A_257, %parallel_loop3A_241 : vector<16xf32>
      %parallel_loop3A_352 = arith.addf %parallel_loop3A_350, %parallel_loop3A_351 : vector<16xf32>
      %parallel_loop3A_353 = arith.mulf %parallel_loop3A_261, %parallel_loop3A_245 : vector<16xf32>
      %parallel_loop3A_354 = arith.mulf %parallel_loop3A_265, %parallel_loop3A_249 : vector<16xf32>
      %parallel_loop3A_355 = arith.addf %parallel_loop3A_353, %parallel_loop3A_354 : vector<16xf32>
      %parallel_loop3A_356 = arith.addf %parallel_loop3A_352, %parallel_loop3A_355 : vector<16xf32>
      %parallel_loop3A_357 = arith.subf %parallel_loop3A_336, %parallel_loop3A_356 : vector<16xf32>
      %parallel_loop3A_358 = arith.constant 0 : i32
      %parallel_loop3A_359 = vector.broadcast %parallel_loop3A_358 : i32 to vector<16xi32>
      %parallel_loop3A_360 = arith.cmpi sgt, %parallel_loop3A_267, %parallel_loop3A_359 : vector<16xi32>
      %parallel_loop3A_361 = arith.constant 1.000000e+00 : f32
      %parallel_loop3A_362 = arith.constant 0.000000e+00 : f32
      %parallel_loop3A_363 = vector.broadcast %parallel_loop3A_361 : f32 to vector<16xf32>
      %parallel_loop3A_364 = vector.broadcast %parallel_loop3A_362 : f32 to vector<16xf32>
      %parallel_loop3A_365 = arith.select %parallel_loop3A_360, %parallel_loop3A_363, %parallel_loop3A_364 : vector<16xi1>, vector<16xf32>
      %parallel_loop3A_366 = arith.mulf %parallel_loop3A_349, %parallel_loop3A_365 : vector<16xf32>
      %parallel_loop3A_367 = arith.addf %parallel_loop3A_228, %parallel_loop3A_366 : vector<16xf32>
      %parallel_loop3A_368 = arith.addf %parallel_loop3A_229, %parallel_loop3A_365 : vector<16xf32>
      %parallel_loop3A_369 = arith.mulf %parallel_loop3A_357, %parallel_loop3A_365 : vector<16xf32>
      %parallel_loop3A_370 = arith.subf %parallel_loop3A_357, %parallel_loop3A_369 : vector<16xf32>
      %parallel_loop3A_371 = arith.addf %parallel_loop3A_230, %parallel_loop3A_370 : vector<16xf32>
      %parallel_loop3A_372 = arith.constant 1.000000e+00 : f32
      %parallel_loop3A_373 = vector.broadcast %parallel_loop3A_372 : f32 to vector<16xf32>
      %parallel_loop3A_374 = arith.subf %parallel_loop3A_373, %parallel_loop3A_365 : vector<16xf32>
      %parallel_loop3A_375 = arith.addf %parallel_loop3A_231, %parallel_loop3A_374 : vector<16xf32>
      scf.yield %parallel_loop3A_367, %parallel_loop3A_368, %parallel_loop3A_371, %parallel_loop3A_375 : vector<16xf32>, vector<16xf32>, vector<16xf32>, vector<16xf32>
    } {sc.loop_unroll_factor = 2 : i64, sc.parallel_access}
    %scan3A_153 = arith.constant 24 : i32
    %scan3A_154 = arith.constant 16 : i32
    %scan3A_155 = arith.addi %scan3A_153, %scan3A_154 : i32
    %scan3A_156 = arith.constant 1 : i32
    %scan3A_157:4 = scf.for %scan3A_227 = %scan3A_153 to %scan3A_155 step %scan3A_156 iter_args(%scan3A_228 = %parallel_loop3A_152#0, %scan3A_229 = %parallel_loop3A_152#1, %scan3A_230 = %parallel_loop3A_152#2, %scan3A_231 = %parallel_loop3A_152#3) -> (vector<16xf32>, vector<16xf32>, vector<16xf32>, vector<16xf32>)  : i32 {
      %mul3A_232 = arith.constant 16 : i32
      %mul3A_233 = arith.muli %scan3A_227, %mul3A_232 : i32
      %get3A = arith.constant 0 : i32
      %get3A_234 = arith.index_cast %get3A : i32 to index
      %get3A_235 = arith.index_cast %mul3A_233 : i32 to index
      %get3A_236 = tpu.vector_load %arg15[%get3A_234, %get3A_235] {strides = array<i32>} : memref<4x640xf32, #tpu.memory_space<vmem>>, vector<16xf32>,
      %get3A_237 = arith.constant 1 : i32
      %get3A_238 = arith.index_cast %get3A_237 : i32 to index
      %get3A_239 = arith.index_cast %mul3A_233 : i32 to index
      %get3A_240 = tpu.vector_load %arg15[%get3A_238, %get3A_239] {strides = array<i32>} : memref<4x640xf32, #tpu.memory_space<vmem>>, vector<16xf32>,
      %get3A_241 = arith.constant 2 : i32
      %get3A_242 = arith.index_cast %get3A_241 : i32 to index
      %get3A_243 = arith.index_cast %mul3A_233 : i32 to index
      %get3A_244 = tpu.vector_load %arg15[%get3A_242, %get3A_243] {strides = array<i32>} : memref<4x640xf32, #tpu.memory_space<vmem>>, vector<16xf32>,
      %get3A_245 = arith.constant 3 : i32
      %get3A_246 = arith.index_cast %get3A_245 : i32 to index
      %get3A_247 = arith.index_cast %mul3A_233 : i32 to index
      %get3A_248 = tpu.vector_load %arg15[%get3A_246, %get3A_247] {strides = array<i32>} : memref<4x640xf32, #tpu.memory_space<vmem>>, vector<16xf32>,
      %get3A_249 = arith.constant 0 : i32
      %get3A_250 = arith.index_cast %get3A_249 : i32 to index
      %get3A_251 = arith.index_cast %mul3A_233 : i32 to index
      %get3A_252 = tpu.vector_load %arg16[%get3A_250, %get3A_251] {strides = array<i32>} : memref<4x640xf32, #tpu.memory_space<vmem>>, vector<16xf32>,
      %get3A_253 = arith.constant 1 : i32
      %get3A_254 = arith.index_cast %get3A_253 : i32 to index
      %get3A_255 = arith.index_cast %mul3A_233 : i32 to index
      %get3A_256 = tpu.vector_load %arg16[%get3A_254, %get3A_255] {strides = array<i32>} : memref<4x640xf32, #tpu.memory_space<vmem>>, vector<16xf32>,
      %get3A_257 = arith.constant 2 : i32
      %get3A_258 = arith.index_cast %get3A_257 : i32 to index
      %get3A_259 = arith.index_cast %mul3A_233 : i32 to index
      %get3A_260 = tpu.vector_load %arg16[%get3A_258, %get3A_259] {strides = array<i32>} : memref<4x640xf32, #tpu.memory_space<vmem>>, vector<16xf32>,
      %get3A_261 = arith.constant 3 : i32
      %get3A_262 = arith.index_cast %get3A_261 : i32 to index
      %get3A_263 = arith.index_cast %mul3A_233 : i32 to index
      %get3A_264 = tpu.vector_load %arg16[%get3A_262, %get3A_263] {strides = array<i32>} : memref<4x640xf32, #tpu.memory_space<vmem>>, vector<16xf32>,
      %get3A_265 = arith.index_cast %mul3A_233 : i32 to index
      %get3A_266 = tpu.vector_load %arg17[%get3A_265] {strides = array<i32>} : memref<640xi32, #tpu.memory_space<vmem>>, vector<16xi32>,
      %max3A = arith.maximumf %get3A_236, %get3A_240 : vector<16xf32>
      %max3A_267 = arith.maximumf %get3A_244, %get3A_248 : vector<16xf32>
      %max3A_268 = arith.maximumf %max3A, %max3A_267 : vector<16xf32>
      %sub3A_269 = arith.subf %get3A_236, %max3A_268 : vector<16xf32>
      %exp3A = math.exp %sub3A_269 : vector<16xf32>
      %sub3A_270 = arith.subf %get3A_240, %max3A_268 : vector<16xf32>
      %exp3A_271 = math.exp %sub3A_270 : vector<16xf32>
      %add3A_272 = arith.addf %exp3A, %exp3A_271 : vector<16xf32>
      %sub3A_273 = arith.subf %get3A_244, %max3A_268 : vector<16xf32>
      %exp3A_274 = math.exp %sub3A_273 : vector<16xf32>
      %sub3A_275 = arith.subf %get3A_248, %max3A_268 : vector<16xf32>
      %exp3A_276 = math.exp %sub3A_275 : vector<16xf32>
      %add3A_277 = arith.addf %exp3A_274, %exp3A_276 : vector<16xf32>
      %add3A_278 = arith.addf %add3A_272, %add3A_277 : vector<16xf32>
      %bitcast_convert_type3A = tpu.bitcast %add3A_278 : vector<16xf32> -> vector<16xi32>
      %shift_right_arithmetic3A = arith.constant 23 : i32
      %shift_right_arithmetic3A_279 = vector.broadcast %shift_right_arithmetic3A : i32 to vector<16xi32>
      %shift_right_arithmetic3A_280 = arith.shrsi %bitcast_convert_type3A, %shift_right_arithmetic3A_279 : vector<16xi32>
      %sub3A_281 = arith.constant 127 : i32
      %sub3A_282 = vector.broadcast %sub3A_281 : i32 to vector<16xi32>
      %sub3A_283 = arith.subi %shift_right_arithmetic3A_280, %sub3A_282 : vector<16xi32>
      %and3A_284 = arith.constant 8388607 : i32
      %and3A_285 = vector.broadcast %and3A_284 : i32 to vector<16xi32>
      %and3A_286 = arith.andi %bitcast_convert_type3A, %and3A_285 : vector<16xi32>
      %or3A = arith.constant 1065353216 : i32
      %or3A_287 = vector.broadcast %or3A : i32 to vector<16xi32>
      %or3A_288 = arith.ori %and3A_286, %or3A_287 : vector<16xi32>
      %bitcast_convert_type3A_289 = tpu.bitcast %or3A_288 : vector<16xi32> -> vector<16xf32>
      %sub3A_290 = arith.constant 1.000000e+00 : f32
      %sub3A_291 = vector.broadcast %sub3A_290 : f32 to vector<16xf32>
      %sub3A_292 = arith.subf %bitcast_convert_type3A_289, %sub3A_291 : vector<16xf32>
      %mul3A_293 = arith.mulf %sub3A_292, %sub3A_292 : vector<16xf32>
      %mul3A_294 = arith.mulf %mul3A_293, %mul3A_293 : vector<16xf32>
      %mul3A_295 = arith.constant 0.999970257 : f32
      %mul3A_296 = vector.broadcast %mul3A_295 : f32 to vector<16xf32>
      %mul3A_297 = arith.mulf %mul3A_296, %sub3A_292 : vector<16xf32>
      %add3A_298 = arith.constant 2.21597645E-7 : f32
      %add3A_299 = vector.broadcast %add3A_298 : f32 to vector<16xf32>
      %add3A_300 = arith.addf %add3A_299, %mul3A_297 : vector<16xf32>
      %mul3A_301 = arith.constant 0.327511728 : f32
      %mul3A_302 = vector.broadcast %mul3A_301 : f32 to vector<16xf32>
      %mul3A_303 = arith.mulf %mul3A_302, %sub3A_292 : vector<16xf32>
      %add3A_304 = arith.constant -0.499333948 : f32
      %add3A_305 = vector.broadcast %add3A_304 : f32 to vector<16xf32>
      %add3A_306 = arith.addf %add3A_305, %mul3A_303 : vector<16xf32>
      %mul3A_307 = arith.mulf %add3A_306, %mul3A_293 : vector<16xf32>
      %add3A_308 = arith.addf %add3A_300, %mul3A_307 : vector<16xf32>
      %mul3A_309 = arith.constant 0.131989658 : f32
      %mul3A_310 = vector.broadcast %mul3A_309 : f32 to vector<16xf32>
      %mul3A_311 = arith.mulf %mul3A_310, %sub3A_292 : vector<16xf32>
      %add3A_312 = arith.constant -0.223966897 : f32
      %add3A_313 = vector.broadcast %add3A_312 : f32 to vector<16xf32>
      %add3A_314 = arith.addf %add3A_313, %mul3A_311 : vector<16xf32>
      %mul3A_315 = arith.constant 0.0102438284 : f32
      %mul3A_316 = vector.broadcast %mul3A_315 : f32 to vector<16xf32>
      %mul3A_317 = arith.mulf %mul3A_316, %sub3A_292 : vector<16xf32>
      %add3A_318 = arith.constant -0.0532674789 : f32
      %add3A_319 = vector.broadcast %add3A_318 : f32 to vector<16xf32>
      %add3A_320 = arith.addf %add3A_319, %mul3A_317 : vector<16xf32>
      %mul3A_321 = arith.mulf %add3A_320, %mul3A_293 : vector<16xf32>
      %add3A_322 = arith.addf %add3A_314, %mul3A_321 : vector<16xf32>
      %mul3A_323 = arith.mulf %add3A_322, %mul3A_294 : vector<16xf32>
      %add3A_324 = arith.addf %add3A_308, %mul3A_323 : vector<16xf32>
      %convert_element_type3A = arith.sitofp %sub3A_283 : vector<16xi32> to vector<16xf32>
      %mul3A_325 = arith.constant 0.693147182 : f32
      %mul3A_326 = vector.broadcast %mul3A_325 : f32 to vector<16xf32>
      %mul3A_327 = arith.mulf %convert_element_type3A, %mul3A_326 : vector<16xf32>
      %add3A_328 = arith.addf %mul3A_327, %add3A_324 : vector<16xf32>
      %add3A_329 = arith.addf %add3A_328, %max3A_268 : vector<16xf32>
      %eq3A_330 = arith.constant 0 : i32
      %eq3A_331 = vector.broadcast %eq3A_330 : i32 to vector<16xi32>
      %eq3A_332 = arith.cmpi eq, %get3A_266, %eq3A_331 : vector<16xi32>
      %eq3A_333 = arith.constant 1 : i32
      %eq3A_334 = vector.broadcast %eq3A_333 : i32 to vector<16xi32>
      %eq3A_335 = arith.cmpi eq, %get3A_266, %eq3A_334 : vector<16xi32>
      %eq3A_336 = arith.constant 2 : i32
      %eq3A_337 = vector.broadcast %eq3A_336 : i32 to vector<16xi32>
      %eq3A_338 = arith.cmpi eq, %get3A_266, %eq3A_337 : vector<16xi32>
      %select_n3A_339 = arith.select %eq3A_338, %get3A_244, %get3A_248 : vector<16xi1>, vector<16xf32>
      %select_n3A_340 = arith.select %eq3A_335, %get3A_240, %select_n3A_339 : vector<16xi1>, vector<16xf32>
      %select_n3A_341 = arith.select %eq3A_332, %get3A_236, %select_n3A_340 : vector<16xi1>, vector<16xf32>
      %sub3A_342 = arith.subf %add3A_329, %select_n3A_341 : vector<16xf32>
      %mul3A_343 = arith.mulf %get3A_252, %get3A_236 : vector<16xf32>
      %mul3A_344 = arith.mulf %get3A_256, %get3A_240 : vector<16xf32>
      %add3A_345 = arith.addf %mul3A_343, %mul3A_344 : vector<16xf32>
      %mul3A_346 = arith.mulf %get3A_260, %get3A_244 : vector<16xf32>
      %mul3A_347 = arith.mulf %get3A_264, %get3A_248 : vector<16xf32>
      %add3A_348 = arith.addf %mul3A_346, %mul3A_347 : vector<16xf32>
      %add3A_349 = arith.addf %add3A_345, %add3A_348 : vector<16xf32>
      %sub3A_350 = arith.subf %add3A_329, %add3A_349 : vector<16xf32>
      %add3A_351 = arith.constant 2688 : i32
      %add3A_352 = arith.addi %multiple_of3A, %add3A_351 : i32
      %mul3A_353 = arith.constant 16 : i32
      %mul3A_354 = arith.muli %scan3A_227, %mul3A_353 : i32
      %add3A_355 = arith.addi %add3A_352, %mul3A_354 : i32
      %add3A_356 = vector.broadcast %add3A_355 : i32 to vector<16xi32>
      %add3A_357 = arith.addi %add3A_356, %iota3A : vector<16xi32>
      %ge3A = vector.broadcast %mul3A_2 : i32 to vector<16xi32>
      %ge3A_358 = arith.cmpi sge, %add3A_357, %ge3A : vector<16xi32>
      %lt3A = vector.broadcast %min3A_5 : i32 to vector<16xi32>
      %lt3A_359 = arith.cmpi slt, %add3A_357, %lt3A : vector<16xi32>
      %and3A_360 = arith.andi %ge3A_358, %lt3A_359 : vector<16xi1>
      %gt3A = arith.constant 0 : i32
      %gt3A_361 = vector.broadcast %gt3A : i32 to vector<16xi32>
      %gt3A_362 = arith.cmpi sgt, %get3A_266, %gt3A_361 : vector<16xi32>
      %and3A_363 = arith.andi %and3A_360, %gt3A_362 : vector<16xi1>
      %jit3A_364 = arith.constant 1.000000e+00 : f32
      %jit3A_365 = arith.constant 0.000000e+00 : f32
      %broadcast_in_dim3A_366 = vector.broadcast %jit3A_364 : f32 to vector<16xf32>
      %broadcast_in_dim3A_367 = vector.broadcast %jit3A_365 : f32 to vector<16xf32>
      %select_n3A_368 = arith.select %and3A_363, %broadcast_in_dim3A_366, %broadcast_in_dim3A_367 : vector<16xi1>, vector<16xf32>
      %eq3A_369 = arith.constant 0 : i32
      %eq3A_370 = vector.broadcast %eq3A_369 : i32 to vector<16xi32>
      %eq3A_371 = arith.cmpi eq, %get3A_266, %eq3A_370 : vector<16xi32>
      %and3A_372 = arith.andi %and3A_360, %eq3A_371 : vector<16xi1>
      %jit3A_373 = arith.constant 1.000000e+00 : f32
      %jit3A_374 = arith.constant 0.000000e+00 : f32
      %broadcast_in_dim3A_375 = vector.broadcast %jit3A_373 : f32 to vector<16xf32>
      %broadcast_in_dim3A_376 = vector.broadcast %jit3A_374 : f32 to vector<16xf32>
      %select_n3A_377 = arith.select %and3A_372, %broadcast_in_dim3A_375, %broadcast_in_dim3A_376 : vector<16xi1>, vector<16xf32>
      %mul3A_378 = arith.mulf %sub3A_342, %select_n3A_368 : vector<16xf32>
      %add3A_379 = arith.addf %scan3A_228, %mul3A_378 : vector<16xf32>
      %add3A_380 = arith.addf %scan3A_229, %select_n3A_368 : vector<16xf32>
      %mul3A_381 = arith.mulf %sub3A_350, %select_n3A_377 : vector<16xf32>
      %add3A_382 = arith.addf %scan3A_230, %mul3A_381 : vector<16xf32>
      %add3A_383 = arith.addf %scan3A_231, %select_n3A_377 : vector<16xf32>
      scf.yield %add3A_379, %add3A_380, %add3A_382, %add3A_383 : vector<16xf32>, vector<16xf32>, vector<16xf32>, vector<16xf32>
    }
    %scan3A_158 = arith.constant 16 : i32
    %dma_wait3A_159 = arith.constant 0 : i32
    %dma_wait3A_160 = arith.constant 99968 : i32
    %dma_wait3A_161 = tpu.memref_slice %arg2[%dma_wait3A_159, %dma_wait3A_160] : memref<4x100000xf32, #tpu.memory_space<hbm>> -> memref<4x32xf32, #tpu.memory_space<hbm>>
    %dma_wait3A_162 = arith.constant 0 : i32
    %dma_wait3A_163 = arith.constant 99968 : i32
    %dma_wait3A_164 = tpu.memref_slice %arg2[%dma_wait3A_162, %dma_wait3A_163] : memref<4x100000xf32, #tpu.memory_space<hbm>> -> memref<4x32xf32, #tpu.memory_space<hbm>>
    tpu.wait_dma2 semaphore(%arg26 : memref<!tpu.dma_semaphore, #tpu.memory_space<semaphore_mem>>) src(%dma_wait3A_164 : memref<4x32xf32, #tpu.memory_space<hbm>>) dst(%arg18 : memref<4x32xf32, #tpu.memory_space<vmem>>)
    %dma_wait3A_165 = arith.constant 0 : i32
    %dma_wait3A_166 = arith.constant 99968 : i32
    %dma_wait3A_167 = tpu.memref_slice %arg4[%dma_wait3A_165, %dma_wait3A_166] : memref<4x100000xf32, #tpu.memory_space<hbm>> -> memref<4x32xf32, #tpu.memory_space<hbm>>
    %dma_wait3A_168 = arith.constant 0 : i32
    %dma_wait3A_169 = arith.constant 99968 : i32
    %dma_wait3A_170 = tpu.memref_slice %arg4[%dma_wait3A_168, %dma_wait3A_169] : memref<4x100000xf32, #tpu.memory_space<hbm>> -> memref<4x32xf32, #tpu.memory_space<hbm>>
    tpu.wait_dma2 semaphore(%arg26 : memref<!tpu.dma_semaphore, #tpu.memory_space<semaphore_mem>>) src(%dma_wait3A_170 : memref<4x32xf32, #tpu.memory_space<hbm>>) dst(%arg19 : memref<4x32xf32, #tpu.memory_space<vmem>>)
    %dma_wait3A_171 = arith.constant 99968 : i32
    %dma_wait3A_172 = tpu.memref_slice %arg3[%dma_wait3A_171] : memref<100000xi32, #tpu.memory_space<hbm>> -> memref<32xi32, #tpu.memory_space<hbm>>
    %dma_wait3A_173 = arith.constant 99968 : i32
    %dma_wait3A_174 = tpu.memref_slice %arg3[%dma_wait3A_173] : memref<100000xi32, #tpu.memory_space<hbm>> -> memref<32xi32, #tpu.memory_space<hbm>>
    tpu.wait_dma2 semaphore(%arg26 : memref<!tpu.dma_semaphore, #tpu.memory_space<semaphore_mem>>) src(%dma_wait3A_174 : memref<32xi32, #tpu.memory_space<hbm>>) dst(%arg20 : memref<32xi32, #tpu.memory_space<vmem>>)
    %scan3A_175 = arith.constant 0 : i32
    %scan3A_176 = arith.constant 2 : i32
    %scan3A_177 = arith.addi %scan3A_175, %scan3A_176 : i32
    %scan3A_178 = arith.constant 1 : i32
    %scan3A_179:4 = scf.for %scan3A_227 = %scan3A_175 to %scan3A_177 step %scan3A_178 iter_args(%scan3A_228 = %scan3A_157#0, %scan3A_229 = %scan3A_157#1, %scan3A_230 = %scan3A_157#2, %scan3A_231 = %scan3A_157#3) -> (vector<16xf32>, vector<16xf32>, vector<16xf32>, vector<16xf32>)  : i32 {
      %mul3A_232 = arith.constant 16 : i32
      %mul3A_233 = arith.muli %scan3A_227, %mul3A_232 : i32
      %get3A = arith.constant 0 : i32
      %get3A_234 = arith.index_cast %get3A : i32 to index
      %get3A_235 = arith.index_cast %mul3A_233 : i32 to index
      %get3A_236 = tpu.vector_load %arg18[%get3A_234, %get3A_235] {strides = array<i32>} : memref<4x32xf32, #tpu.memory_space<vmem>>, vector<16xf32>,
      %get3A_237 = arith.constant 1 : i32
      %get3A_238 = arith.index_cast %get3A_237 : i32 to index
      %get3A_239 = arith.index_cast %mul3A_233 : i32 to index
      %get3A_240 = tpu.vector_load %arg18[%get3A_238, %get3A_239] {strides = array<i32>} : memref<4x32xf32, #tpu.memory_space<vmem>>, vector<16xf32>,
      %get3A_241 = arith.constant 2 : i32
      %get3A_242 = arith.index_cast %get3A_241 : i32 to index
      %get3A_243 = arith.index_cast %mul3A_233 : i32 to index
      %get3A_244 = tpu.vector_load %arg18[%get3A_242, %get3A_243] {strides = array<i32>} : memref<4x32xf32, #tpu.memory_space<vmem>>, vector<16xf32>,
      %get3A_245 = arith.constant 3 : i32
      %get3A_246 = arith.index_cast %get3A_245 : i32 to index
      %get3A_247 = arith.index_cast %mul3A_233 : i32 to index
      %get3A_248 = tpu.vector_load %arg18[%get3A_246, %get3A_247] {strides = array<i32>} : memref<4x32xf32, #tpu.memory_space<vmem>>, vector<16xf32>,
      %get3A_249 = arith.constant 0 : i32
      %get3A_250 = arith.index_cast %get3A_249 : i32 to index
      %get3A_251 = arith.index_cast %mul3A_233 : i32 to index
      %get3A_252 = tpu.vector_load %arg19[%get3A_250, %get3A_251] {strides = array<i32>} : memref<4x32xf32, #tpu.memory_space<vmem>>, vector<16xf32>,
      %get3A_253 = arith.constant 1 : i32
      %get3A_254 = arith.index_cast %get3A_253 : i32 to index
      %get3A_255 = arith.index_cast %mul3A_233 : i32 to index
      %get3A_256 = tpu.vector_load %arg19[%get3A_254, %get3A_255] {strides = array<i32>} : memref<4x32xf32, #tpu.memory_space<vmem>>, vector<16xf32>,
      %get3A_257 = arith.constant 2 : i32
      %get3A_258 = arith.index_cast %get3A_257 : i32 to index
      %get3A_259 = arith.index_cast %mul3A_233 : i32 to index
      %get3A_260 = tpu.vector_load %arg19[%get3A_258, %get3A_259] {strides = array<i32>} : memref<4x32xf32, #tpu.memory_space<vmem>>, vector<16xf32>,
      %get3A_261 = arith.constant 3 : i32
      %get3A_262 = arith.index_cast %get3A_261 : i32 to index
      %get3A_263 = arith.index_cast %mul3A_233 : i32 to index
      %get3A_264 = tpu.vector_load %arg19[%get3A_262, %get3A_263] {strides = array<i32>} : memref<4x32xf32, #tpu.memory_space<vmem>>, vector<16xf32>,
      %get3A_265 = arith.index_cast %mul3A_233 : i32 to index
      %get3A_266 = tpu.vector_load %arg20[%get3A_265] {strides = array<i32>} : memref<32xi32, #tpu.memory_space<vmem>>, vector<16xi32>,
      %max3A = arith.maximumf %get3A_236, %get3A_240 : vector<16xf32>
      %max3A_267 = arith.maximumf %get3A_244, %get3A_248 : vector<16xf32>
      %max3A_268 = arith.maximumf %max3A, %max3A_267 : vector<16xf32>
      %sub3A_269 = arith.subf %get3A_236, %max3A_268 : vector<16xf32>
      %exp3A = math.exp %sub3A_269 : vector<16xf32>
      %sub3A_270 = arith.subf %get3A_240, %max3A_268 : vector<16xf32>
      %exp3A_271 = math.exp %sub3A_270 : vector<16xf32>
      %add3A_272 = arith.addf %exp3A, %exp3A_271 : vector<16xf32>
      %sub3A_273 = arith.subf %get3A_244, %max3A_268 : vector<16xf32>
      %exp3A_274 = math.exp %sub3A_273 : vector<16xf32>
      %sub3A_275 = arith.subf %get3A_248, %max3A_268 : vector<16xf32>
      %exp3A_276 = math.exp %sub3A_275 : vector<16xf32>
      %add3A_277 = arith.addf %exp3A_274, %exp3A_276 : vector<16xf32>
      %add3A_278 = arith.addf %add3A_272, %add3A_277 : vector<16xf32>
      %bitcast_convert_type3A = tpu.bitcast %add3A_278 : vector<16xf32> -> vector<16xi32>
      %shift_right_arithmetic3A = arith.constant 23 : i32
      %shift_right_arithmetic3A_279 = vector.broadcast %shift_right_arithmetic3A : i32 to vector<16xi32>
      %shift_right_arithmetic3A_280 = arith.shrsi %bitcast_convert_type3A, %shift_right_arithmetic3A_279 : vector<16xi32>
      %sub3A_281 = arith.constant 127 : i32
      %sub3A_282 = vector.broadcast %sub3A_281 : i32 to vector<16xi32>
      %sub3A_283 = arith.subi %shift_right_arithmetic3A_280, %sub3A_282 : vector<16xi32>
      %and3A_284 = arith.constant 8388607 : i32
      %and3A_285 = vector.broadcast %and3A_284 : i32 to vector<16xi32>
      %and3A_286 = arith.andi %bitcast_convert_type3A, %and3A_285 : vector<16xi32>
      %or3A = arith.constant 1065353216 : i32
      %or3A_287 = vector.broadcast %or3A : i32 to vector<16xi32>
      %or3A_288 = arith.ori %and3A_286, %or3A_287 : vector<16xi32>
      %bitcast_convert_type3A_289 = tpu.bitcast %or3A_288 : vector<16xi32> -> vector<16xf32>
      %sub3A_290 = arith.constant 1.000000e+00 : f32
      %sub3A_291 = vector.broadcast %sub3A_290 : f32 to vector<16xf32>
      %sub3A_292 = arith.subf %bitcast_convert_type3A_289, %sub3A_291 : vector<16xf32>
      %mul3A_293 = arith.mulf %sub3A_292, %sub3A_292 : vector<16xf32>
      %mul3A_294 = arith.mulf %mul3A_293, %mul3A_293 : vector<16xf32>
      %mul3A_295 = arith.constant 0.999970257 : f32
      %mul3A_296 = vector.broadcast %mul3A_295 : f32 to vector<16xf32>
      %mul3A_297 = arith.mulf %mul3A_296, %sub3A_292 : vector<16xf32>
      %add3A_298 = arith.constant 2.21597645E-7 : f32
      %add3A_299 = vector.broadcast %add3A_298 : f32 to vector<16xf32>
      %add3A_300 = arith.addf %add3A_299, %mul3A_297 : vector<16xf32>
      %mul3A_301 = arith.constant 0.327511728 : f32
      %mul3A_302 = vector.broadcast %mul3A_301 : f32 to vector<16xf32>
      %mul3A_303 = arith.mulf %mul3A_302, %sub3A_292 : vector<16xf32>
      %add3A_304 = arith.constant -0.499333948 : f32
      %add3A_305 = vector.broadcast %add3A_304 : f32 to vector<16xf32>
      %add3A_306 = arith.addf %add3A_305, %mul3A_303 : vector<16xf32>
      %mul3A_307 = arith.mulf %add3A_306, %mul3A_293 : vector<16xf32>
      %add3A_308 = arith.addf %add3A_300, %mul3A_307 : vector<16xf32>
      %mul3A_309 = arith.constant 0.131989658 : f32
      %mul3A_310 = vector.broadcast %mul3A_309 : f32 to vector<16xf32>
      %mul3A_311 = arith.mulf %mul3A_310, %sub3A_292 : vector<16xf32>
      %add3A_312 = arith.constant -0.223966897 : f32
      %add3A_313 = vector.broadcast %add3A_312 : f32 to vector<16xf32>
      %add3A_314 = arith.addf %add3A_313, %mul3A_311 : vector<16xf32>
      %mul3A_315 = arith.constant 0.0102438284 : f32
      %mul3A_316 = vector.broadcast %mul3A_315 : f32 to vector<16xf32>
      %mul3A_317 = arith.mulf %mul3A_316, %sub3A_292 : vector<16xf32>
      %add3A_318 = arith.constant -0.0532674789 : f32
      %add3A_319 = vector.broadcast %add3A_318 : f32 to vector<16xf32>
      %add3A_320 = arith.addf %add3A_319, %mul3A_317 : vector<16xf32>
      %mul3A_321 = arith.mulf %add3A_320, %mul3A_293 : vector<16xf32>
      %add3A_322 = arith.addf %add3A_314, %mul3A_321 : vector<16xf32>
      %mul3A_323 = arith.mulf %add3A_322, %mul3A_294 : vector<16xf32>
      %add3A_324 = arith.addf %add3A_308, %mul3A_323 : vector<16xf32>
      %convert_element_type3A = arith.sitofp %sub3A_283 : vector<16xi32> to vector<16xf32>
      %mul3A_325 = arith.constant 0.693147182 : f32
      %mul3A_326 = vector.broadcast %mul3A_325 : f32 to vector<16xf32>
      %mul3A_327 = arith.mulf %convert_element_type3A, %mul3A_326 : vector<16xf32>
      %add3A_328 = arith.addf %mul3A_327, %add3A_324 : vector<16xf32>
      %add3A_329 = arith.addf %add3A_328, %max3A_268 : vector<16xf32>
      %eq3A_330 = arith.constant 0 : i32
      %eq3A_331 = vector.broadcast %eq3A_330 : i32 to vector<16xi32>
      %eq3A_332 = arith.cmpi eq, %get3A_266, %eq3A_331 : vector<16xi32>
      %eq3A_333 = arith.constant 1 : i32
      %eq3A_334 = vector.broadcast %eq3A_333 : i32 to vector<16xi32>
      %eq3A_335 = arith.cmpi eq, %get3A_266, %eq3A_334 : vector<16xi32>
      %eq3A_336 = arith.constant 2 : i32
      %eq3A_337 = vector.broadcast %eq3A_336 : i32 to vector<16xi32>
      %eq3A_338 = arith.cmpi eq, %get3A_266, %eq3A_337 : vector<16xi32>
      %select_n3A_339 = arith.select %eq3A_338, %get3A_244, %get3A_248 : vector<16xi1>, vector<16xf32>
      %select_n3A_340 = arith.select %eq3A_335, %get3A_240, %select_n3A_339 : vector<16xi1>, vector<16xf32>
      %select_n3A_341 = arith.select %eq3A_332, %get3A_236, %select_n3A_340 : vector<16xi1>, vector<16xf32>
      %sub3A_342 = arith.subf %add3A_329, %select_n3A_341 : vector<16xf32>
      %mul3A_343 = arith.mulf %get3A_252, %get3A_236 : vector<16xf32>
      %mul3A_344 = arith.mulf %get3A_256, %get3A_240 : vector<16xf32>
      %add3A_345 = arith.addf %mul3A_343, %mul3A_344 : vector<16xf32>
      %mul3A_346 = arith.mulf %get3A_260, %get3A_244 : vector<16xf32>
      %mul3A_347 = arith.mulf %get3A_264, %get3A_248 : vector<16xf32>
      %add3A_348 = arith.addf %mul3A_346, %mul3A_347 : vector<16xf32>
      %add3A_349 = arith.addf %add3A_345, %add3A_348 : vector<16xf32>
      %sub3A_350 = arith.subf %add3A_329, %add3A_349 : vector<16xf32>
      %eq3A_351 = arith.constant 31 : i32
      %eq3A_352 = arith.cmpi eq, %add3A, %eq3A_351 : i32
      %gt3A = arith.constant 0 : i32
      %gt3A_353 = vector.broadcast %gt3A : i32 to vector<16xi32>
      %gt3A_354 = arith.cmpi sgt, %get3A_266, %gt3A_353 : vector<16xi32>
      %and3A_355 = vector.broadcast %eq3A_352 : i1 to vector<16xi1>
      %and3A_356 = arith.andi %and3A_355, %gt3A_354 : vector<16xi1>
      %jit3A_357 = arith.constant 1.000000e+00 : f32
      %jit3A_358 = arith.constant 0.000000e+00 : f32
      %broadcast_in_dim3A_359 = vector.broadcast %jit3A_357 : f32 to vector<16xf32>
      %broadcast_in_dim3A_360 = vector.broadcast %jit3A_358 : f32 to vector<16xf32>
      %select_n3A_361 = arith.select %and3A_356, %broadcast_in_dim3A_359, %broadcast_in_dim3A_360 : vector<16xi1>, vector<16xf32>
      %eq3A_362 = arith.constant 0 : i32
      %eq3A_363 = vector.broadcast %eq3A_362 : i32 to vector<16xi32>
      %eq3A_364 = arith.cmpi eq, %get3A_266, %eq3A_363 : vector<16xi32>
      %and3A_365 = vector.broadcast %eq3A_352 : i1 to vector<16xi1>
      %and3A_366 = arith.andi %and3A_365, %eq3A_364 : vector<16xi1>
      %jit3A_367 = arith.constant 1.000000e+00 : f32
      %jit3A_368 = arith.constant 0.000000e+00 : f32
      %broadcast_in_dim3A_369 = vector.broadcast %jit3A_367 : f32 to vector<16xf32>
      %broadcast_in_dim3A_370 = vector.broadcast %jit3A_368 : f32 to vector<16xf32>
      %select_n3A_371 = arith.select %and3A_366, %broadcast_in_dim3A_369, %broadcast_in_dim3A_370 : vector<16xi1>, vector<16xf32>
      %mul3A_372 = arith.mulf %sub3A_342, %select_n3A_361 : vector<16xf32>
      %add3A_373 = arith.addf %scan3A_228, %mul3A_372 : vector<16xf32>
      %add3A_374 = arith.addf %scan3A_229, %select_n3A_361 : vector<16xf32>
      %mul3A_375 = arith.mulf %sub3A_350, %select_n3A_371 : vector<16xf32>
      %add3A_376 = arith.addf %scan3A_230, %mul3A_375 : vector<16xf32>
      %add3A_377 = arith.addf %scan3A_231, %select_n3A_371 : vector<16xf32>
      scf.yield %add3A_373, %add3A_374, %add3A_376, %add3A_377 : vector<16xf32>, vector<16xf32>, vector<16xf32>, vector<16xf32>
    }
    %scan3A_180 = arith.constant 2 : i32
    %reduce_sum3A = arith.constant true
    %reduce_sum3A_181 = vector.broadcast %reduce_sum3A : i1 to vector<16xi1>
    %reduce_sum3A_182 = tpu.scan <sum>, %scan3A_179#0 masked %reduce_sum3A_181 : vector<16xf32>, vector<16xi1> -> vector<16xf32>
    %reduce_sum3A_183 = vector.extract %reduce_sum3A_182[15] : f32 from vector<16xf32>
    %reduce_sum3A_184 = arith.constant true
    %reduce_sum3A_185 = vector.broadcast %reduce_sum3A_184 : i1 to vector<16xi1>
    %reduce_sum3A_186 = tpu.scan <sum>, %scan3A_179#1 masked %reduce_sum3A_185 : vector<16xf32>, vector<16xi1> -> vector<16xf32>
    %reduce_sum3A_187 = vector.extract %reduce_sum3A_186[15] : f32 from vector<16xf32>
    %reduce_sum3A_188 = arith.constant true
    %reduce_sum3A_189 = vector.broadcast %reduce_sum3A_188 : i1 to vector<16xi1>
    %reduce_sum3A_190 = tpu.scan <sum>, %scan3A_179#2 masked %reduce_sum3A_189 : vector<16xf32>, vector<16xi1> -> vector<16xf32>
    %reduce_sum3A_191 = vector.extract %reduce_sum3A_190[15] : f32 from vector<16xf32>
    %reduce_sum3A_192 = arith.constant true
    %reduce_sum3A_193 = vector.broadcast %reduce_sum3A_192 : i1 to vector<16xi1>
    %reduce_sum3A_194 = tpu.scan <sum>, %scan3A_179#3 masked %reduce_sum3A_193 : vector<16xf32>, vector<16xi1> -> vector<16xf32>
    %reduce_sum3A_195 = vector.extract %reduce_sum3A_194[15] : f32 from vector<16xf32>
    %eq3A = arith.constant 0 : i32
    %eq3A_196 = vector.broadcast %eq3A : i32 to vector<16xi32>
    %eq3A_197 = arith.cmpi eq, %iota3A, %eq3A_196 : vector<16xi32>
    %jit3A_198 = arith.constant 0.000000e+00 : f32
    %broadcast_in_dim3A_199 = vector.broadcast %reduce_sum3A_183 : f32 to vector<16xf32>
    %broadcast_in_dim3A_200 = vector.broadcast %jit3A_198 : f32 to vector<16xf32>
    %select_n3A_201 = arith.select %eq3A_197, %broadcast_in_dim3A_199, %broadcast_in_dim3A_200 : vector<16xi1>, vector<16xf32>
    %eq3A_202 = arith.constant 1 : i32
    %eq3A_203 = vector.broadcast %eq3A_202 : i32 to vector<16xi32>
    %eq3A_204 = arith.cmpi eq, %iota3A, %eq3A_203 : vector<16xi32>
    %jit3A_205 = arith.constant 0.000000e+00 : f32
    %broadcast_in_dim3A_206 = vector.broadcast %reduce_sum3A_187 : f32 to vector<16xf32>
    %broadcast_in_dim3A_207 = vector.broadcast %jit3A_205 : f32 to vector<16xf32>
    %select_n3A_208 = arith.select %eq3A_204, %broadcast_in_dim3A_206, %broadcast_in_dim3A_207 : vector<16xi1>, vector<16xf32>
    %add3A_209 = arith.addf %select_n3A_201, %select_n3A_208 : vector<16xf32>
    %eq3A_210 = arith.constant 2 : i32
    %eq3A_211 = vector.broadcast %eq3A_210 : i32 to vector<16xi32>
    %eq3A_212 = arith.cmpi eq, %iota3A, %eq3A_211 : vector<16xi32>
    %jit3A_213 = arith.constant 0.000000e+00 : f32
    %broadcast_in_dim3A_214 = vector.broadcast %reduce_sum3A_191 : f32 to vector<16xf32>
    %broadcast_in_dim3A_215 = vector.broadcast %jit3A_213 : f32 to vector<16xf32>
    %select_n3A_216 = arith.select %eq3A_212, %broadcast_in_dim3A_214, %broadcast_in_dim3A_215 : vector<16xi1>, vector<16xf32>
    %add3A_217 = arith.addf %add3A_209, %select_n3A_216 : vector<16xf32>
    %eq3A_218 = arith.constant 3 : i32
    %eq3A_219 = vector.broadcast %eq3A_218 : i32 to vector<16xi32>
    %eq3A_220 = arith.cmpi eq, %iota3A, %eq3A_219 : vector<16xi32>
    %jit3A_221 = arith.constant 0.000000e+00 : f32
    %broadcast_in_dim3A_222 = vector.broadcast %reduce_sum3A_195 : f32 to vector<16xf32>
    %broadcast_in_dim3A_223 = vector.broadcast %jit3A_221 : f32 to vector<16xf32>
    %select_n3A_224 = arith.select %eq3A_220, %broadcast_in_dim3A_222, %broadcast_in_dim3A_223 : vector<16xi1>, vector<16xf32>
    %add3A_225 = arith.addf %add3A_217, %select_n3A_224 : vector<16xf32>
    %swap3A = arith.constant 0 : index
    %swap3A_226 = tpu.vector_load %arg21[%swap3A] {strides = array<i32>} : memref<16xf32, #tpu.memory_space<vmem>>, vector<16xf32>,
    tpu.vector_store %arg21[%swap3A], %add3A_225 {strides = array<i32>} : memref<16xf32, #tpu.memory_space<vmem>>, vector<16xf32>,
    "tpu.region"() ({
      %run_scoped3A = tpu.sem_alloc : memref<!tpu.dma_semaphore, #tpu.memory_space<semaphore_mem>>
      %dma_start3A_227 = arith.constant 0 : i32
      %dma_start3A_228 = tpu.memref_slice %arg5[%add3A, %dma_start3A_227] : memref<32x16xf32, #tpu.memory_space<hbm>> -> memref<1x16xf32, #tpu.memory_space<hbm>>
      %dma_start3A_229 = tpu.memref_squeeze %dma_start3A_228 : memref<1x16xf32, #tpu.memory_space<hbm>> -> memref<16xf32, #tpu.memory_space<hbm>>
      %dma_start3A_230 = arith.constant 0 : i32
      %dma_start3A_231 = tpu.memref_slice %arg5[%add3A, %dma_start3A_230] : memref<32x16xf32, #tpu.memory_space<hbm>> -> memref<1x16xf32, #tpu.memory_space<hbm>>
      %dma_start3A_232 = tpu.memref_squeeze %dma_start3A_231 : memref<1x16xf32, #tpu.memory_space<hbm>> -> memref<16xf32, #tpu.memory_space<hbm>>
      tpu.enqueue_dma source(%arg21 : memref<16xf32, #tpu.memory_space<vmem>>) target(%dma_start3A_232 : memref<16xf32, #tpu.memory_space<hbm>>) target_semaphore(%run_scoped3A : memref<!tpu.dma_semaphore, #tpu.memory_space<semaphore_mem>>)
      %dma_wait3A_233 = arith.constant 0 : i32
      %dma_wait3A_234 = tpu.memref_slice %arg5[%add3A, %dma_wait3A_233] : memref<32x16xf32, #tpu.memory_space<hbm>> -> memref<1x16xf32, #tpu.memory_space<hbm>>
      %dma_wait3A_235 = tpu.memref_squeeze %dma_wait3A_234 : memref<1x16xf32, #tpu.memory_space<hbm>> -> memref<16xf32, #tpu.memory_space<hbm>>
      %dma_wait3A_236 = arith.constant 0 : i32
      %dma_wait3A_237 = tpu.memref_slice %arg5[%add3A, %dma_wait3A_236] : memref<32x16xf32, #tpu.memory_space<hbm>> -> memref<1x16xf32, #tpu.memory_space<hbm>>
      %dma_wait3A_238 = tpu.memref_squeeze %dma_wait3A_237 : memref<1x16xf32, #tpu.memory_space<hbm>> -> memref<16xf32, #tpu.memory_space<hbm>>
      tpu.wait_dma2 semaphore(%run_scoped3A : memref<!tpu.dma_semaphore, #tpu.memory_space<semaphore_mem>>) src(%arg21 : memref<16xf32, #tpu.memory_space<vmem>>) dst(%dma_wait3A_238 : memref<16xf32, #tpu.memory_space<hbm>>)
      tpu.yield
    }) : () -> ()
    return
  }
}

</mosaic_0001>

<sc_bundles>
// kernel: _hope_loss.3.cloned.1.call-start
scs
__scs_entry_jumppad:
0x0: {  	(pc) =	sbr.rel $0x88, $3  }
0x1: {  	(tag) =	ssettag $0x0;
	lr =	simm.s32 $0x1  }
0x2: {  	[smem:$0x3F9E] =	sst lr;
	_ =	strace $0xD0000000  }
0x3: {  	_ = 	snop  }
0x4: {  	_ = 	snop  }
0x5: {  	_ = 	snop  }
0x6: {  	_ = 	snop  }
0x7: {  	_ = 	snop  }
__scs_overlays_trampoline_lowered:
0x8: {  	[smem:$0x3FAD] =	sst s0  }
0x9: {  	[smem:$0x3FAE] =	sst s1  }
0xa: {  	[smem:$0x3FAF] =	sst s2  }
0xb: {  	[smem:$0x3FB0] =	sst s3  }
0xc: {  	[smem:$0x3FB1] =	sst s4  }
0xd: {  	[smem:$0x3FB2] =	sst s5  }
0xe: {  	[smem:$0x3FB3] =	sst s6  }
0xf: {  	[smem:$0x3FB4] =	sst s7  }
0x10: {  	[smem:$0x3FB5] =	sst s8  }
0x11: {  	[smem:$0x3FB6] =	sst s9;
	s0 =	simm.s32 @!p0 $0x0  }
0x12: {  	s1 =	sld [smem:$0x3F9C];
	s0 =	simm.s32 @p0 $0x1  }
0x13: {  	[smem:$0x3FB7] =	sst s0;
	s0 =	simm.s32 @!p1 $0x0  }
0x14: {  	s2 =	sld [smem:$0x3F9B];
	s0 =	simm.s32 @p1 $0x1  }
0x15: {  	[smem:$0x3FB8] =	sst s0;
	s0 =	simm.s32 @!p2 $0x0  }
0x16: {  	s3 =	sld [smem:$0x3FDB];
	s0 =	simm.s32 @p2 $0x1  }
0x17: {  	s4 =	simm.s32 $0x1BF5;
	[smem:$0x3FBA] =	sst s0  }
0x18: {  	s0 =	sld [smem:$0x3F9D];
	_ =	swait.ge [sflag:s4], $0x0  }
0x19: {  	s7 =	sld [smem:$0x3F9E]  }
0x1a: {  	s8 =	sadd.s32 $0xFFFFE003, lr  }
0x1b: {  	s9 =	sadd.s32 $0xFFFFFEF7, lr;
	s5 =	simm.s32 $0xFFFFFFFF;
	p2 =	slt.u32 s8, $0xFFFFF086  }
0x1c: {  	p1 =	slt.u32 s9, $0xF7A;
	s5 =	simm.s32 @!p2 $0x0  }
0x1d: {  	s5 =	simm.s32 @p1 $0x1;
	p0 =	seq.s32 s7, s2  }
0x1e: {  	s7 =	smul.u32 @!p0 $0xF7A, s2;
	p2 =	seq.s32 @!p0 s5, $0x0  }
0x1f: {  	s9 =	smul.u32 $0xF7A, s1;
	s8 =	simm.s32 @!p0 $0x1BF5;
	p2 =	por !p2, p0  }
0x20: {  	[sflag:s8] =	ssyncset.s32 @!p0 $0xFFFFF086;
	s6 =	sadd.s32 @!p0 s3, s7;
	s7 =	simm.s32 @!p0 $0x108  }
0x21: {  	s3 =	sadd.s32 s3, s9;
	s6 =	sadd.s32 @!p0 $0x88, s6;
	s7 =	simm.s32 @p2 $0x1082  }
0x22: {  	[simem:s7], [sflag:s8] =	dma.local @!p0 [hbm:s6], $0xF7A  }
0x23: {  	s9 =	sor.u32 $0xD0000000, s2;
	s6 =	simm.s32 $0x108;
	_ =	swait.ge @!p0 [sflag:s8], $0x0  }
0x24: {  	s3 =	sadd.s32 $0x88, s3;
	s6 =	simm.s32 @!p1 $0x1082;
	[sflag:s4] =	ssyncset.s32 $0xFFFFF086  }
0x25: {  	[simem:s6], [sflag:s4] =	dma.local [hbm:s3], $0xF7A  }
0x26: {  	[smem:$0x3F9E] =	sst s1;
	(tag) =	ssettag s2;
	_ =	strace s9  }
0x27: {  	s1 =	sld [smem:$0x3FAE]  }
0x28: {  	s2 =	sld [smem:$0x3FAF]  }
0x29: {  	s4 =	sld [smem:$0x3FB1]  }
0x2a: {  	p0 =	seq.s32 s5, $0x0;
	s5 =	sld [smem:$0x3FB2]  }
0x2b: {  	s6 =	sld [smem:$0x3FB3]  }
0x2c: {  	s7 =	sld [smem:$0x3FB4]  }
0x2d: {  	s3 =	simm.s32 $0x108;
	s8 =	sld [smem:$0x3FB5]  }
0x2e: {  	s3 =	simm.s32 @!p0 $0x1082;
	s9 =	sld [smem:$0x3FB6]  }
0x2f: {  	lr =	sadd.s32 s0, s3;
	s0 =	sld [smem:$0x3FAD]  }
0x30: {  	s3 =	sld [smem:$0x3FB0]  }
0x31: {  	[smem:$0x3FB9] =	sst s10  }
0x32: {  	s10 =	sld [smem:$0x3FB7];
	_ =	sdelay $0x3  }
0x33: {  	p0 =	seq.s32 s10, $0x1;
	s10 =	sld [smem:$0x3FB9];
	_ =	sdelay $0x3  }
0x34: {  	[smem:$0x3FB9] =	sst s10  }
0x35: {  	s10 =	sld [smem:$0x3FB8];
	_ =	sdelay $0x3  }
0x36: {  	p1 =	seq.s32 s10, $0x1;
	s10 =	sld [smem:$0x3FB9];
	_ =	sdelay $0x3  }
0x37: {  	[smem:$0x3FB9] =	sst s10  }
0x38: {  	s10 =	sld [smem:$0x3FBA]  }
0x39: {  	_ = 	snop;
	(pc) =	sbr.ind lr, $3  }
0x3a: {  	_ = 	snop  }
0x3b: {  	_ = 	snop  }
0x3c: {  	p2 =	seq.s32 s10, $0x1;
	s10 =	sld [smem:$0x3FB9]  }
0x3d: {  	_ =	shalt  }
0x3e: {  	_ =	shalt  }
0x3f: {  	_ =	shalt  }
0x40: {  	_ =	shalt  }
0x41: {  	_ =	shalt  }
0x42: {  	_ =	shalt  }
0x43: {  	_ =	shalt  }
0x44: {  	_ =	shalt  }
0x45: {  	_ =	shalt  }
0x46: {  	_ =	shalt  }
0x47: {  	_ =	shalt  }
0x48: {  	_ =	shalt  }
0x49: {  	_ =	shalt  }
0x4a: {  	_ =	shalt  }
0x4b: {  	_ =	shalt  }
0x4c: {  	_ =	shalt  }
0x4d: {  	_ =	shalt  }
0x4e: {  	_ =	shalt  }
0x4f: {  	_ =	shalt  }
0x50: {  	_ =	shalt  }
0x51: {  	_ =	shalt  }
0x52: {  	_ =	shalt  }
0x53: {  	_ =	shalt  }
0x54: {  	_ =	shalt  }
0x55: {  	_ =	shalt  }
0x56: {  	_ =	shalt  }
0x57: {  	_ =	shalt  }
0x58: {  	_ =	shalt  }
0x59: {  	_ =	shalt  }
0x5a: {  	_ =	shalt  }
0x5b: {  	_ =	shalt  }
0x5c: {  	_ =	shalt  }
0x5d: {  	_ =	shalt  }
0x5e: {  	_ =	shalt  }
0x5f: {  	_ =	shalt  }
0x60: {  	_ =	shalt  }
0x61: {  	_ =	shalt  }
0x62: {  	_ =	shalt  }
0x63: {  	_ =	shalt  }
0x64: {  	_ =	shalt  }
0x65: {  	_ =	shalt  }
0x66: {  	_ =	shalt  }
0x67: {  	_ =	shalt  }
0x68: {  	_ =	shalt  }
0x69: {  	_ =	shalt  }
0x6a: {  	_ =	shalt  }
0x6b: {  	_ =	shalt  }
0x6c: {  	_ =	shalt  }
0x6d: {  	_ =	shalt  }
0x6e: {  	_ =	shalt  }
0x6f: {  	_ =	shalt  }
0x70: {  	_ =	shalt  }
0x71: {  	_ =	shalt  }
0x72: {  	_ =	shalt  }
0x73: {  	_ =	shalt  }
0x74: {  	_ =	shalt  }
0x75: {  	_ =	shalt  }
0x76: {  	_ =	shalt  }
0x77: {  	_ =	shalt  }
0x78: {  	_ =	shalt  }
0x79: {  	_ =	shalt  }
0x7a: {  	_ =	shalt  }
0x7b: {  	_ =	shalt  }
0x7c: {  	_ =	shalt  }
0x7d: {  	_ =	shalt  }
0x7e: {  	_ =	shalt  }
0x7f: {  	_ =	shalt  }
0x80: {  	_ =	shalt  }
0x81: {  	_ =	shalt  }
0x82: {  	_ =	shalt  }
0x83: {  	_ =	shalt  }
0x84: {  	_ =	shalt  }
0x85: {  	_ =	shalt  }
0x86: {  	_ =	shalt  }
0x87: {  	_ =	shalt  }
.Lfunc_end0:
.L_simem_size_0:
called_computation_lowered:
.L_overlay_start_0:
0x88: {  	s2 =	sld [smem:$0x3FD9]  }
0x89: {  	s3 =	sld [smem:$0x3FFE];
	_ =	sdelay $0x1  }
0x8a: {  	s1 =	srdreg.scid  }
0x8b: {  	s0 =	sand.u32 $0x1, s1  }
0x8c: {  	s17 =	sshll.u32 s0, $0xA;
	s2 =	sadd.s32 s3, s2  }
0x8d: {  	s2 =	sadd.s32 s2, s17  }
0x8e: {  	[smem:$0x3FC5] =	sst s2  }
0x8f: {  	_ = 	snop  }
0x90: {  	s2 =	sld [smem:$0x3FC9]  }
0x91: {  	s18 =	sld [smem:$0x3FC8]  }
0x92: {  	s4 =	sld [smem:$0x3FC7];
	(tm) =	ssettm $0x1  }
0x93: {  	s5 =	sld [smem:$0x3FFB];
	_ =	sdelay $0x3  }
0x94: {  	_ =	strace s5  }
0x95: {  	s5 =	sld [smem:$0x3FFC];
	_ =	sdelay $0x3  }
0x96: {  	_ =	strace s5  }
0x97: {  	s5 =	sld [smem:$0x3FFD];
	_ =	sdelay $0x3  }
0x98: {  	_ =	strace s5  }
0x99: {  	_ =	strace $0x8FFFFFFF  }
0x9a: {  	s19 =	sld [smem:$0x3FDB];
	_ =	sdelay $0x1  }
0x9b: {  	s6 =	simm.s32 $_scs_section_size  }
0x9c: {  	s7 =	simm.s32 $_size__tile_overlayer_lowered;
	s8 =	simm.s32 $_tile_overlayer_lowered  }
0x9d: {  	s22 =	simm.s32 $0x1BFF;
	s21 =	sshll.u32 s8, $0x1;
	s5 =	sadd.s32 s6, s19  }
0x9e: {  	s9 =	simm.s32 $0x0;
	s20 =	sshll.u32 s7, $0x1;
	s7 =	sadd.s32 s21, s5  }
0x9f: {  	[timem:s9], [sflag:s22] =	dma.local [hbm:s7], s20  }
0xa0: {  	_ =	swait.ge [sflag:s22], s20  }
0xa1: {  	s6 =	ssub.s32 $0x0, s20;
	[sflag:s22] =	ssyncset.done $0x0  }
0xa2: {  	[sflag:s22] =	ssyncadd.s32 s6;
	_ =	sdelay $0x1  }
0xa3: {  	s23 =	simm.s32 $0x1B8B  }
0xa4: {  	_ =	swait.ge [sflag:s23], $0x1  }
0xa5: {  	[sflag:s23] =	ssyncset.done $0x0  }
0xa6: {  	s25 =	simm.s32 $0x1B8E;
	s24 =	sld [smem:$0x3FFE];
	[sflag:s23] =	ssyncadd.s32 $0xFFFFFFFF  }
0xa7: {  	s26 =	simm.s32 $execute0_lowered;
	[smem:$0x3FD2] =	sst s25  }
0xa8: {  	s7 =	sshll.u32 s26, $0x1;
	_ =	strace $0x80000046;
	[dreg:$0x1] =	wrdreg $0xFFFFFFFF  }
0xa9: {  	s28 =	simm.s32 $_size_execute0_lowered;
	s5 =	sadd.s32 s5, s7;
	[dreg:$0x0] =	wrdreg $0x0  }
0xaa: {  	s7 =	sshll.u32 s28, $0x1;
	[dreg:$0x2] =	wrdreg s5  }
0xab: {  	[dreg:$0x3] =	wrdreg s7  }
0xac: {  	[dreg:$0x4] =	wrdreg $0xC0  }
0xad: {  	_ =	task [dreg:s9], $0x5FFFF  }
0xae: {  	[dreg:$0x1] =	wrdreg $0xFFFFFFFF  }
0xaf: {  	[dreg:$0x0] =	wrdreg $0x60  }
0xb0: {  	[dreg:$0x2] =	wrdreg s2  }
0xb1: {  	[dreg:$0x3] =	wrdreg s18  }
0xb2: {  	[dreg:$0x4] =	wrdreg s4  }
0xb3: {  	[dreg:$0x5] =	wrdreg s24  }
0xb4: {  	[dreg:$0x6] =	wrdreg $0x9  }
0xb5: {  	_ =	task.clear_ibuf [dreg:s9], $0x7FFFF;
	_ =	strace $0x90000046  }
0xb6: {  	s29 =	simm.s32 $0x9;
	_ =	strace $0x80000048  }
0xb7: {  	_ =	swait.ge [sflag:s29], $0x1  }
0xb8: {  	[sflag:s29] =	ssyncadd.s32 $0xFFFFFFFF  }
0xb9: {  	_ =	strace $0x90000048  }
0xba: {  	_ =	sfence  }
0xbb: {  	s30 =	sld [smem:$0x0];
	_ =	sdelay $0x2  }
0xbc: {  	s31 =	sshll.u32 s1, $0xD;
	s1 =	sshrl.u32 s1, $0x2  }
0xbd: {  	s3 =	sand.u32 $0x4000, s31;
	s1 =	sadd.s32 s1, s30  }
0xbe: {  	s0 =	sor.u32 s3, s0;
	s1 =	sshll.u32 s1, $0x11  }
0xbf: {  	s0 =	sor.u32 s1, s0  }
0xc0: {  	s0 =	sadd.s32 $0x8F2B, s0  }
0xc1: {  	[sflag:s0] =	ssyncadd.remote.s32 $0x1  }
0xc2: {  	_ =	sfence.sel $0xFFFF  }
0xc3: {  	[dreg:$0x0] =	wrdreg $0xFFFFFFFF;
	(pc) =	sbr.abs _section_cstart, $3  }
0xc4: {  	[dreg:$0x1] =	wrdreg $0xFFFFFFFF  }
0xc5: {  	_ =	task.clear_ibuf [dreg:s9], $0x2FFFF;
	_ =	strace $0x9FFFFFFF  }
0xc6: {  	(tm) =	ssettm $0x7FFFFFFF  }
0xc7: {  	_ =	shalt  }
tec
execute0_lowered:
.L_overlay_start_1:
0x0: {  	(tag) =	ssettag $0x1  }
0x1: {  	s0 =	rddreg [dreg:$0x0]  }
0x2: {  	s1 =	rddreg [dreg:$0x1]  }
0x3: {  	s3 =	rddreg [dreg:$0x2];
	s2 =	srdreg.scid  }
0x4: {  	s13 =	stileid.u32;
	s4 =	rddreg [dreg:$0x3]  }
0x5: {  	s28 =	simm.s32 $0x1;
	s30 =	simm.s32 $0x4;
	s31 =	simm.s32 $0x5  }
0x6: {  	s5 =	sand.u32 $0x1, s2;
	s6 =	sshll.u32 s13, $0x1;
	s2 =	simm.s32 $0x0  }
0x7: {  	s17 =	sadd.s32 $0x30D0, s1;
	s20 =	smul.u32 $0x186A, s13;
	s6 =	sor.u32 s5, s6  }
0x8: {  	[smem:$0x7FF] =	sst s2;
	s26 =	ssub.s32 $0x2, s5;
	s5 =	smul.u32 $0xC35, s5  }
0x9: {  	s7 =	sshll.u32 s6, $0x4;
	s8 =	smul.u32 $0xC35, s6;
	_ =	strace $0x80000047  }
0xa: {  	s9 =	sshrl.u32 s26, $0x1;
	[dreg:$0xa] =	wrdreg s17;
	p0 =	seq.s32 s6, $0x1F  }
0xb: {  	s4 =	sadd.s32 s7, s4;
	s7 =	ssub.s32 s26, s9;
	s11 =	sand.u32 $0x1FF80, s8  }
0xc: {  	s5 =	sadd.s32 s5, s20;
	s10 =	smin.u32 s8, $0x17A4B;
	s29 =	smin.u32 s11, $0x17980  }
0xd: {  	s20 =	smax.u32 s7, $0x1;
	s9 =	sadd.s32 $0xC35, s10;
	s11 =	sadd.s32 $0x380, s29  }
0xe: {  	s14 =	sadd.s32 $0x700, s29;
	s12 =	sshrl.u32 s29, $0x1;
	s16 =	sadd.s32 $0xA80, s29  }
0xf: {  	s10 =	sshrl.u32 s29, $0x3;
	s29 =	sand.u32 $0x3FF80, s5;
	s15 =	sadd.s32 s0, s12  }
0x10: {  	s12 =	sadd.s32 s3, s12;
	s10 =	sadd.s32 s1, s10;
	s18 =	sshrl.u32 s11, $0x1  }
0x11: {  	s11 =	sshrl.u32 s11, $0x3;
	s21 =	sshrl.u32 s14, $0x1;
	[dreg:$0x5] =	wrdreg s15  }
0x12: {  	s24 =	sshrl.u32 s14, $0x3;
	s25 =	sshrl.u32 s16, $0x1;
	[dreg:$0x6] =	wrdreg s12  }
0x13: {  	s26 =	sshrl.u32 s16, $0x3;
	[dreg:$0x7] =	wrdreg s10;
	s12 =	sadd.s32 $0xC340, s0  }
0x14: {  	s15 =	sadd.s32 $0xC340, s3;
	s19 =	sadd.s32 s0, s18;
	[dreg:$0x8] =	wrdreg s12  }
0x15: {  	s10 =	sadd.s32 s3, s18;
	s11 =	sadd.s32 s1, s11;
	[dreg:$0x9] =	wrdreg s15  }
0x16: {  	s22 =	sadd.s32 s0, s21;
	s23 =	sadd.s32 s3, s21;
	[dreg:$0xb] =	wrdreg s19  }
0x17: {  	s14 =	sadd.s32 s1, s24;
	s16 =	sadd.s32 s3, s25;
	[dreg:$0xc] =	wrdreg s10  }
0x18: {  	s17 =	sadd.s32 s1, s26;
	s18 =	sadd.s32 $0x600, s4;
	[dreg:$0xd] =	wrdreg s11  }
0x19: {  	vm0 =	vmxor vm0, vm0;
	v2 =	vlaneseq.u32;
	v3 =	vimm.f32 $0.0e+00;
	s1 =	simm.s32 $0x2;
	s24 =	simm.s32 $0x3;
	[dreg:$0xe] =	wrdreg s22  }
0x1a: {  	vm1 =	vcmask $0x704;
	vm2 =	vcmask $0xB08;
	vm3 =	vcmask $0xF0C;
	[dreg:$0xf] =	wrdreg s23;
	s15 =	sadd.s32 s0, s25;
	s19 =	smin.u32 s29, $0x17980  }
0x1b: {  	vm0 =	vmneg @p0 vm0;
	v0 =	vmov s8;
	v1 =	vmov s9;
	s22 =	simm.s32 $0x6;
	s23 =	simm.s32 $0x0;
	s21 =	sadd.s32 $0xC00, s19  }
.LBB2_1:
0x1c: {  	s0 =	rddreg [dreg:$0x5]  }
0x1d: {  	[tilespmem:s2], [sflag:$0x1] =	stream.linear.gather [hbm4b:s0+s2], $0xE00, $0x38;
	[tilespmem:$0x7A00] =	vst v63  }
0x1e: {  	s26 =	rddreg [dreg:$0x6];
	s3 =	simm.s32 $0xE00  }
0x1f: {  	[tilespmem:s3], [sflag:$0x1] =	stream.linear.gather [hbm4b:s26+s2], $0xE00, $0x38;
	[tilespmem:$0x7A00] =	vst v63  }
0x20: {  	s4 =	rddreg [dreg:$0x7];
	s5 =	simm.s32 $0x1C00  }
0x21: {  	[tilespmem:s5], [sflag:$0x1] =	stream.linear.gather [hbm4b:s4+s2], $0x380, $0x38;
	[tilespmem:$0x7A00] =	vst v63  }
0x22: {  	s6 =	rddreg [dreg:$0x8];
	s7 =	simm.s32 $0x7500  }
0x23: {  	[tilespmem:s7], [sflag:$0x5] =	stream.linear.gather [hbm4b:s6+s2], $0x200, $0x38;
	[tilespmem:$0x7A00] =	vst v63  }
0x24: {  	s8 =	rddreg [dreg:$0x9];
	s9 =	simm.s32 $0x7700  }
0x25: {  	[tilespmem:s9], [sflag:$0x5] =	stream.linear.gather [hbm4b:s8+s2], $0x200, $0x38;
	[tilespmem:$0x7A00] =	vst v63  }
0x26: {  	s10 =	rddreg [dreg:$0xa];
	s11 =	simm.s32 $0x7900  }
0x27: {  	[tilespmem:s11], [sflag:$0x5] =	stream.linear.gather [hbm4b:s10+s2], $0x20, $0x38;
	[tilespmem:$0x7A00] =	vst v63  }
0x28: {  	_ =	swait.ge [sflag:s28], $0xE00  }
0x29: {  	[sflag:s28] =	ssyncset.done $0x0  }
0x2a: {  	[sflag:s28] =	ssyncadd.s32 $0xFFFFF200  }
0x2b: {  	_ =	swait.ge [sflag:s28], $0xE00  }
0x2c: {  	[sflag:s28] =	ssyncset.done $0x0  }
0x2d: {  	[sflag:s28] =	ssyncadd.s32 $0xFFFFF200  }
0x2e: {  	_ =	swait.ge [sflag:s28], $0x380  }
0x2f: {  	[sflag:s28] =	ssyncset.done $0x0  }
0x30: {  	s13 =	simm.s32 $0x1F80;
	s12 =	rddreg [dreg:$0xb];
	[sflag:s28] =	ssyncadd.s32 $0xFFFFFC80  }
0x31: {  	[tilespmem:s13], [sflag:$0x2] =	stream.linear.gather [hbm4b:s12+s2], $0xE00, $0x38;
	[tilespmem:$0x7A00] =	vst v63  }
0x32: {  	s26 =	simm.s32 $0x2D80;
	s6 =	sand.u32 $0xFFFFFE00, s2;
	s25 =	rddreg [dreg:$0xc]  }
0x33: {  	[tilespmem:s26], [sflag:$0x2] =	stream.linear.gather [hbm4b:s25+s2], $0xE00, $0x38;
	[tilespmem:$0x7A00] =	vst v63  }
0x34: {  	s5 =	simm.s32 $0x3B80;
	s0 =	sadd.s32 $0x0, s6;
	s4 =	rddreg [dreg:$0xd]  }
0x35: {  	[tilespmem:s5], [sflag:$0x2] =	stream.linear.gather [hbm4b:s4+s2], $0x380, $0x38;
	[tilespmem:$0x7A00] =	vst v63  }
0x36: {  	s7 =	simm.s32 $0x0;
	s4 =	sor.u32 $0x80, s0  }
0x37: {  	s3 =	sand.u32 $0x70, s7;
	s6 =	sor.u32 $0x180, s0;
	s5 =	sand.u32 $0x200, s2;
	v11 =	vld [tilespmem:s4+$0x0]  }
0x38: {  	s3 =	sor.u32 s3, s5;
	v7 =	vld [tilespmem:s6+$0x0]  }
0x39: {  	v10 =	vld [tilespmem:s3+$0x0]  }
0x3a: {  	v12 =	vld [tilespmem:s3+$0x100];
	_ =	sdelay $0x4  }
0x3b: {  	v4 =	vmax.f32 v10, v11;
	v5 =	vmax.f32 v12, v7  }
0x3c: {  	v13 =	vmax.f32 v4, v5  }
0x3d: {  	v4 =	vsub.f32 v10, v13  }
0x3e: {  	v5 =	vsub.f32 v11, v13  }
0x3f: {  	v6 =	vsub.f32 v12, v13;
	v4 =	vmul.f32 $1.442695020e+00, v4  }
0x40: {  	v8 =	vsub.f32 v7, v13;
	v5 =	vmul.f32 $1.442695020e+00, v5  }
0x41: {  	v6 =	vmul.f32 $1.442695020e+00, v6;
	(erf) = vpow2.f32 v4  }
0x42: {  	v4 =	vmul.f32 $1.442695020e+00, v8;
	(erf) = vpow2.f32 v5  }
0x43: {  	(erf) = vpow2.f32 v6  }
0x44: {  	s26 =	simm.s32 $0x40;
	(erf) = vpow2.f32 v4  }
0x45: {  	s8 =	sand.u32 $0xFFFFFE00, s26;
	s0 =	simm.s32 $0x10  }
0x46: {  	s7 =	sand.u32 $0x200, s26;
	s9 =	sadd.s32 $0x10, s8;
	s8 =	sand.u32 $0x70, s0  }
0x47: {  	s5 =	sor.u32 s8, s7  }
0x48: {  	s29 =	sor.u32 $0x80, s9;
	v8 =	vld [tilespmem:s5+$0x100]  }
0x49: {  	s25 =	sor.u32 $0x180, s9;
	v5 =	vld [tilespmem:s29+$0x0]  }
0x4a: {  	v6 =	vld [tilespmem:s25+$0x0];
	v9 =	vpop (erf)  }
0x4b: {  	v4 =	vld [tilespmem:s5+$0x0];
	v14 =	vpop (erf)  }
0x4c: {  	v15 =	vpop (erf)  }
0x4d: {  	v16 =	vpop (erf)  }
0x4e: {  	v9 =	vadd.f32 v14, v9;
	v14 =	vadd.f32 v16, v15;
	_ =	sdelay $0x1  }
0x4f: {  	v15 =	vmax.f32 v4, v5;
	v16 =	vmax.f32 v8, v6;
	v14 =	vadd.f32 v14, v9  }
0x50: {  	v9 =	vmax.f32 v15, v16  }
0x51: {  	v15 =	vsub.f32 v4, v9;
	v16 =	vand.u32 $0x7FFFFF, v14  }
0x52: {  	v17 =	vsub.f32 v5, v9;
	v18 =	vsub.f32 v8, v9;
	v16 =	vor.u32 $0x3F800000, v16  }
0x53: {  	v19 =	vsub.f32 v6, v9;
	v15 =	vmul.f32 $1.442695020e+00, v15;
	v16 =	vadd.f32 $-1.000000000e+00, v16  }
0x54: {  	v17 =	vmul.f32 $1.442695020e+00, v17;
	v18 =	vmul.f32 $1.442695020e+00, v18  }
0x55: {  	v19 =	vmul.f32 $1.442695020e+00, v19;
	v20 =	vmul.f32 $1.024382840e-02, v16  }
0x56: {  	(erf) = vpow2.f32 v15;
	v15 =	vmul.f32 v16, v16  }
0x57: {  	v21 =	vmul.f32 $3.275117280e-01, v16;
	v22 =	vmul.f32 $1.319896580e-01, v16;
	v20 =	vadd.f32 $-5.326747890e-02, v20  }
0x58: {  	v23 =	vld [tilespmem:s4+$0xE00];
	v14 =	vshra.s32 v14, $0x17;
	(erf) = vpow2.f32 v17;
	v16 =	vmul.f32 $9.999702570e-01, v16  }
0x59: {  	v24 =	vld [tilespmem:s3+$0xE00];
	v21 =	vadd.f32 $-4.993339480e-01, v21;
	v22 =	vadd.f32 $-2.239668970e-01, v22;
	v20 =	vmul.f32 v20, v15  }
0x5a: {  	v25 =	vld [tilespmem:s3+$0xF00];
	v14 =	vadd.s32 $0xFFFFFF81, v14;
	(erf) = vpow2.f32 v18;
	v18 =	vmul.f32 v15, v15  }
0x5b: {  	v17 =	vld [tilespmem:s6+$0xE00];
	v16 =	vadd.f32 $2.215976450e-07, v16;
	v15 =	vmul.f32 v21, v15;
	v20 =	vadd.f32 v20, v22  }
0x5c: {  	v14 =	vcvt.s32.f32 v14  }
0x5d: {  	s10 =	simm.s32 $0x0;
	(erf) = vpow2.f32 v19;
	v15 =	vadd.f32 v15, v16;
	v16 =	vmul.f32 v20, v18  }
0x5e: {  	v14 =	vmul.f32 $6.931471820e-01, v14;
	v20 =	vld [tilespmem:s10+$0x1C00]  }
0x5f: {  	v19 =	vmul.f32 v24, v10;
	v18 =	vmul.f32 v23, v11;
	v15 =	vadd.f32 v16, v15  }
0x60: {  	s4 =	simm.s32 $0x80;
	v16 =	vmul.f32 v17, v7;
	v17 =	vmul.f32 v25, v12  }
0x61: {  	s12 =	sand.u32 $0xFFFFFE00, s4;
	v14 =	vadd.f32 v15, v14;
	v15 =	vadd.f32 v18, v19  }
0x62: {  	s13 =	sadd.s32 $0x20, s12;
	v16 =	vadd.f32 v16, v17  }
0x63: {  	s3 =	simm.s32 $0x20;
	s7 =	sor.u32 $0x80, s13;
	v18 =	vpop (erf);
	vm7 =	veq.s32 v20, $0x2  }
0x64: {  	s9 =	sand.u32 $0x200, s4;
	s8 =	sor.u32 $0x180, s13;
	s10 =	sand.u32 $0x70, s3;
	v21 =	vadd.f32 v14, v13;
	v13 =	vpop (erf);
	v22 =	vsel vm7, v12, v7;
	v12 =	vld [tilespmem:s7+$0x0]  }
0x65: {  	s11 =	sadd.s32 $0x0, s19;
	s6 =	sor.u32 s10, s9;
	v14 =	vadd.f32 v16, v15;
	v7 =	vld [tilespmem:s8+$0x0];
	v15 =	vpop (erf)  }
0x66: {  	v17 =	vor.u32 s11, v2;
	v24 =	vadd.f32 v13, v18;
	v13 =	vld [tilespmem:s6+$0x0];
	v16 =	vpop (erf)  }
0x67: {  	vm4 =	vge.u32 v17, v0;
	vm6 =	vlt.u32 v17, v1;
	v25 =	vadd.f32 v16, v15;
	v16 =	vld [tilespmem:s6+$0x100]  }
0x68: {  	vm5 =	veq.s32 v20, $0x0;
	v17 =	vimm.f32 $0.0e+00;
	vm4 =	vmand vm4, vm6  }
0x69: {  	vm7 =	veq.s32 v20, $0x1;
	vm6 =	vmand vm4, vm5;
	v14 =	vsub.f32 v21, v14  }
0x6a: {  	v18 =	vimm.f32 $0.0e+00;
	v19 =	vsel vm6, $0x3F800000, v3;
	vm6 =	vgt.s32 v20, $0x0  }
0x6b: {  	s9 =	simm.s32 $0x20;
	s10 =	simm.s32 $0xFFFFFF20;
	s11 =	simm.s32 $0xC0;
	v23 =	vmul.f32 v14, v19;
	v15 =	vimm.f32 $0.0e+00;
	v14 =	vimm.f32 $0.0e+00  }
.LBB2_2:
0x6c: {  	p0 =	sne.s32 s11, $0x3C0;
	v26 =	vmax.f32 v13, v12;
	v27 =	vmax.f32 v16, v7;
	v24 =	vadd.f32 v25, v24;
	v20 =	vmovc v16  }
0x6d: {  	v16 =	vsel vm7, v11, v22;
	v11 =	vmovc v5;
	v25 =	vmax.f32 v26, v27;
	v18 =	vadd.f32 v23, v18  }
0x6e: {  	v5 =	vmovc v12;
	v16 =	vsel vm5, v10, v16;
	v10 =	vmovc v4;
	v22 =	vsub.f32 v13, v25;
	v23 =	vand.u32 $0x7FFFFF, v24  }
0x6f: {  	v4 =	vmovc v13;
	v12 =	vsub.f32 v5, v25;
	v26 =	vsub.f32 v20, v25;
	v23 =	vor.u32 $0x3F800000, v23  }
0x70: {  	v13 =	vmul.f32 $1.442695020e+00, v22;
	v22 =	vsub.f32 v7, v25;
	v23 =	vadd.f32 $-1.000000000e+00, v23  }
0x71: {  	v16 =	vsub.f32 v21, v16;
	v12 =	vmul.f32 $1.442695020e+00, v12;
	v26 =	vmul.f32 $1.442695020e+00, v26  }
0x72: {  	vm4 =	vmand vm4, vm6;
	v21 =	vmul.f32 $1.442695020e+00, v22;
	v22 =	vmul.f32 $1.024382840e-02, v23  }
0x73: {  	v28 =	vsel vm4, $0x3F800000, v3;
	v27 =	vmul.f32 v23, v23;
	(erf) = vpow2.f32 v13;
	v13 =	vld [tilespmem:s29+$0xE00];
	s29 =	smov.u32 s7  }
0x74: {  	v29 =	vmul.f32 $3.275117280e-01, v23;
	v30 =	vmul.f32 $1.319896580e-01, v23;
	v22 =	vadd.f32 $-5.326747890e-02, v22  }
0x75: {  	v17 =	vadd.f32 v28, v17;
	v23 =	vmul.f32 $9.999702570e-01, v23;
	(erf) = vpow2.f32 v12;
	v12 =	vld [tilespmem:s25+$0xE00];
	s25 =	smov.u32 s8  }
0x76: {  	v29 =	vadd.f32 $-4.993339480e-01, v29;
	v30 =	vadd.f32 $-2.239668970e-01, v30;
	v31 =	vld [tilespmem:s5+$0xE00];
	v22 =	vmul.f32 v22, v27  }
0x77: {  	v24 =	vshra.s32 v24, $0x17;
	v32 =	vmul.f32 v27, v27;
	(erf) = vpow2.f32 v26;
	v26 =	vld [tilespmem:s5+$0xF00];
	s5 =	smov.u32 s6  }
0x78: {  	v23 =	vadd.f32 $2.215976450e-07, v23;
	v27 =	vmul.f32 v29, v27;
	v22 =	vadd.f32 v22, v30  }
0x79: {  	v13 =	vmul.f32 v13, v11;
	(erf) = vpow2.f32 v21;
	v21 =	vadd.s32 $0xFFFFFF81, v24  }
0x7a: {  	s9 =	sadd.s32 $0x10, s9;
	s6 =	sand.u32 $0xFFFFFE00, s11;
	v23 =	vadd.f32 v27, v23;
	v22 =	vmul.f32 v22, v32;
	v21 =	vcvt.s32.f32 v21  }
0x7b: {  	s10 =	sadd.s32 $0x10, s10;
	v15 =	vadd.f32 v19, v15;
	s8 =	sshra.s32 s26, $0x2;
	s6 =	sadd.s32 s6, s9;
	v27 =	vmul.f32 v12, v6;
	v24 =	vmul.f32 v31, v10  }
0x7c: {  	s12 =	sand.u32 $0x200, s11;
	s26 =	sadd.s32 $0x100, s10;
	s7 =	sor.u32 $0x80, s6;
	v19 =	vpop (erf);
	v29 =	vld [tilespmem:s8+$0x1C00];
	v22 =	vadd.f32 v22, v23;
	v21 =	vmul.f32 $6.931471820e-01, v21;
	v23 =	vmul.f32 v26, v8  }
0x7d: {  	s0 =	sadd.s32 s19, s0;
	v16 =	vmul.f32 v16, v28;
	s13 =	sand.u32 $0x70, s26;
	s8 =	sor.u32 $0x180, s6;
	v12 =	vld [tilespmem:s7+$0x0];
	v24 =	vadd.f32 v13, v24  }
0x7e: {  	s6 =	sor.u32 s13, s12;
	v26 =	vld [tilespmem:s8+$0x0];
	v28 =	vpop (erf);
	v21 =	vadd.f32 v22, v21;
	v22 =	vadd.f32 v27, v23;
	v23 =	vor.u32 s0, v2;
	s0 =	smov.u32 s3;
	s3 =	smov.u32 s26  }
0x7f: {  	v14 =	vadd.f32 v16, v14;
	s26 =	smov.u32 s4;
	s4 =	smov.u32 s11;
	v13 =	vld [tilespmem:s6+$0x0];
	vm4 =	vge.u32 v23, v0  }
.Ltmp0:
0x80: {  	vm6 =	vlt.u32 v23, v1;
	v16 =	vld [tilespmem:s6+$0x100];
	v27 =	vpop (erf);
	v21 =	vadd.f32 v21, v9;
	v24 =	vadd.f32 v22, v24;
	(pc) =	sbr.rel @p0 .LBB2_2-.Ltmp0, $4  }
0x81: {  	vm4 =	vmand vm4, vm6;
	v9 =	vmovc v25;
	vm5 =	veq.s32 v29, $0x0;
	vm7 =	veq.s32 v29, $0x2  }
0x82: {  	v23 =	vpop (erf);
	v22 =	vsel vm7, v8, v6;
	v30 =	vsub.f32 v21, v24;
	vm6 =	vmand vm4, vm5  }
0x83: {  	v24 =	vadd.f32 v28, v19;
	v6 =	vmovc v7;
	v25 =	vadd.f32 v23, v27;
	v19 =	vsel vm6, $0x3F800000, v3;
	v7 =	vmovc v26  }
0x84: {  	s11 =	sadd.s32 $0x40, s11;
	vm7 =	veq.s32 v29, $0x1;
	v8 =	vmovc v20;
	vm6 =	vgt.s32 v29, $0x0;
	v23 =	vmul.f32 v30, v19  }
0x85: {  	v20 =	vmax.f32 v13, v12;
	v26 =	vmax.f32 v16, v7  }
0x86: {  	v20 =	vmax.f32 v20, v26  }
0x87: {  	v24 =	vadd.f32 v25, v24;
	v26 =	vsub.f32 v13, v20;
	_ =	sdelay $0x1  }
0x88: {  	v25 =	vsub.f32 v12, v20;
	v28 =	vand.u32 $0x7FFFFF, v24;
	v26 =	vmul.f32 $1.442695020e+00, v26  }
0x89: {  	v27 =	vsub.f32 v16, v20;
	v29 =	vsub.f32 v7, v20;
	v28 =	vor.u32 $0x3F800000, v28  }
0x8a: {  	v25 =	vmul.f32 $1.442695020e+00, v25;
	(erf) = vpow2.f32 v26;
	v26 =	vadd.f32 $-1.000000000e+00, v28  }
0x8b: {  	v11 =	vsel vm7, v11, v22;
	v27 =	vmul.f32 $1.442695020e+00, v27;
	v28 =	vmul.f32 $1.442695020e+00, v29  }
0x8c: {  	vm4 =	vmand vm4, vm6;
	(erf) = vpow2.f32 v25;
	v25 =	vmul.f32 $1.024382840e-02, v26  }
0x8d: {  	v18 =	vadd.f32 v23, v18;
	v10 =	vsel vm5, v10, v11;
	(erf) = vpow2.f32 v27  }
0x8e: {  	v22 =	vmul.f32 v26, v26;
	(erf) = vpow2.f32 v28;
	v25 =	vadd.f32 $-5.326747890e-02, v25  }
0x8f: {  	v30 =	vld [tilespmem:s25+$0xE00];
	v24 =	vshra.s32 v24, $0x17;
	v23 =	vmul.f32 $3.275117280e-01, v26;
	v27 =	vmul.f32 $1.319896580e-01, v26  }
0x90: {  	v11 =	vld [tilespmem:s29+$0xE00];
	v10 =	vsub.f32 v21, v10;
	v26 =	vmul.f32 $9.999702570e-01, v26;
	v25 =	vmul.f32 v25, v22  }
0x91: {  	v21 =	vadd.s32 $0xFFFFFF81, v24;
	v28 =	vld [tilespmem:s5+$0xE00];
	v23 =	vadd.f32 $-4.993339480e-01, v23;
	v27 =	vadd.f32 $-2.239668970e-01, v27  }
0x92: {  	v32 =	vld [tilespmem:s5+$0xF00];
	v21 =	vcvt.s32.f32 v21;
	v29 =	vsel vm4, $0x3F800000, v3;
	v26 =	vadd.f32 $2.215976450e-07, v26  }
0x93: {  	v31 =	vmul.f32 v22, v22;
	v22 =	vmul.f32 v23, v22;
	v23 =	vadd.f32 v25, v27  }
0x94: {  	v21 =	vmul.f32 $6.931471820e-01, v21;
	v17 =	vadd.f32 v29, v17;
	v25 =	vpop (erf)  }
0x95: {  	v27 =	vmul.f32 v11, v5;
	v22 =	vadd.f32 v22, v26;
	v23 =	vmul.f32 v23, v31;
	v24 =	vpop (erf)  }
0x96: {  	s25 =	sshra.s32 s26, $0x2;
	v28 =	vmul.f32 v28, v4;
	v11 =	vadd.f32 v19, v15;
	v19 =	vmul.f32 v30, v6;
	v26 =	vpop (erf)  }
0x97: {  	v24 =	vadd.f32 v24, v25;
	v25 =	vld [tilespmem:s25+$0x1C00];
	v22 =	vadd.f32 v23, v22;
	v23 =	vmul.f32 v32, v8;
	v15 =	vpop (erf)  }
0x98: {  	s0 =	sadd.s32 s19, s0;
	v10 =	vmul.f32 v10, v29;
	v15 =	vadd.f32 v15, v26;
	v26 =	vadd.f32 v27, v28  }
0x99: {  	v21 =	vadd.f32 v22, v21;
	v19 =	vadd.f32 v19, v23;
	v22 =	vor.u32 s0, v2  }
0x9a: {  	vm4 =	vge.u32 v22, v0;
	v24 =	vadd.f32 v15, v24;
	v15 =	vadd.f32 v10, v14  }
0x9b: {  	vm5 =	vlt.u32 v22, v1;
	v9 =	vadd.f32 v21, v9;
	v14 =	vadd.f32 v19, v26  }
0x9c: {  	vm4 =	vmand vm4, vm5;
	vm6 =	veq.s32 v25, $0x2;
	vm7 =	veq.s32 v25, $0x0  }
0x9d: {  	v10 =	vand.u32 $0x7FFFFF, v24;
	v8 =	vsel vm6, v8, v6;
	v14 =	vsub.f32 v9, v14  }
0x9e: {  	vm5 =	vmand vm4, vm7;
	vm6 =	vgt.s32 v25, $0x0;
	v10 =	vor.u32 $0x3F800000, v10  }
0x9f: {  	s0 =	simm.s32 $0x100;
	v24 =	vshra.s32 v24, $0x17;
	v6 =	vsel vm5, $0x3F800000, v3;
	v10 =	vadd.f32 $-1.000000000e+00, v10  }
0xa0: {  	v26 =	vld [tilespmem:s8+$0xE00];
	s8 =	sand.u32 $0x60, s0;
	vm5 =	veq.s32 v25, $0x1;
	vm4 =	vmand vm4, vm6;
	v14 =	vmul.f32 v14, v6  }
0xa1: {  	s0 =	sand.u32 $0x380, s0;
	s11 =	sor.u32 $0x10, s8;
	v25 =	vld [tilespmem:s7+$0xE00];
	v5 =	vsel vm5, v5, v8;
	v6 =	vadd.f32 v6, v11;
	v19 =	vmul.f32 $1.024382840e-02, v10  }
0xa2: {  	s0 =	sor.u32 s11, s0;
	v4 =	vsel vm7, v4, v5;
	v21 =	vmul.f32 v10, v10;
	v22 =	vmul.f32 $3.275117280e-01, v10  }
0xa3: {  	v36 =	vld [tilespmem:s0+$0x1C00];
	v5 =	vadd.s32 $0xFFFFFF81, v24;
	v23 =	vmul.f32 $1.319896580e-01, v10;
	v10 =	vmul.f32 $9.999702570e-01, v10  }
0xa4: {  	s7 =	simm.s32 $0x400;
	v8 =	vld [tilespmem:s6+$0xE00];
	v18 =	vadd.f32 v14, v18;
	v5 =	vcvt.s32.f32 v5;
	v19 =	vadd.f32 $-5.326747890e-02, v19  }
0xa5: {  	v28 =	vld [tilespmem:s6+$0xF00];
	s10 =	sand.u32 $0xE00, s7;
	v4 =	vsub.f32 v9, v4;
	v22 =	vadd.f32 $-4.993339480e-01, v22;
	v27 =	vmul.f32 v21, v21  }
0xa6: {  	s26 =	simm.s32 $0x0;
	s7 =	sor.u32 s8, s10;
	v23 =	vadd.f32 $-2.239668970e-01, v23;
	v9 =	vmul.f32 v25, v12;
	v19 =	vmul.f32 v19, v21  }
0xa7: {  	s6 =	sand.u32 $0x3, s26;
	v29 =	vld [tilespmem:s7+$0x100];
	v10 =	vadd.f32 $2.215976450e-07, v10;
	v5 =	vmul.f32 $6.931471820e-01, v5;
	v21 =	vmul.f32 v22, v21  }
0xa8: {  	s6 =	sshll.u32 s6, $0x5;
	v57 =	vld [tilespmem:s7+$0xF00];
	vm8 =	vgt.s32 v36, $0x0;
	vm9 =	veq.s32 v36, $0x1;
	v19 =	vadd.f32 v19, v23  }
0xa9: {  	s4 =	sshra.s32 s4, $0x2;
	s6 =	sadd.s32 $0x0, s6;
	v31 =	vld [tilespmem:s7+$0xE80];
	v8 =	vmul.f32 v8, v13;
	v22 =	vmul.f32 v26, v7;
	v10 =	vadd.f32 v21, v10  }
0xaa: {  	s9 =	sadd.s32 $0x410, s6;
	v21 =	vsel vm4, $0x3F800000, v3;
	v23 =	vmul.f32 v28, v16;
	v14 =	vmul.f32 v19, v27;
	v19 =	vld [tilespmem:s4+$0x1C00]  }
0xab: {  	s3 =	sadd.s32 s19, s3;
	s13 =	sor.u32 $0x180, s9;
	v8 =	vadd.f32 v9, v8;
	v17 =	vadd.f32 v21, v17;
	v21 =	vmul.f32 v4, v21;
	v27 =	vld [tilespmem:s7+$0x80]  }
0xac: {  	s12 =	sor.u32 s10, s11;
	v28 =	vld [tilespmem:s13+$0x0];
	v9 =	vadd.f32 v22, v23;
	v22 =	vor.u32 s3, v2;
	v14 =	vadd.f32 v14, v10  }
0xad: {  	vm10 =	veq.s32 v36, $0x2;
	v32 =	vmul.f32 v57, v29;
	v23 =	vld [tilespmem:s12+$0x100];
	vm4 =	vge.u32 v22, v0  }
0xae: {  	vm5 =	vlt.u32 v22, v1;
	v21 =	vadd.f32 v21, v15;
	v10 =	vld [tilespmem:s12+$0x0];
	v5 =	vadd.f32 v14, v5  }
0xaf: {  	vm4 =	vmand vm4, vm5;
	v14 =	vld [tilespmem:s12+$0x80];
	vm6 =	veq.s32 v19, $0x2;
	vm7 =	veq.s32 v19, $0x0  }
0xb0: {  	s6 =	sadd.s32 $0x400, s6;
	v31 =	vmul.f32 v31, v27;
	v4 =	vadd.f32 v5, v20;
	v5 =	vadd.f32 v9, v8  }
0xb1: {  	v25 =	vld [tilespmem:s7+$0x0];
	s6 =	sor.u32 $0x180, s6;
	v7 =	vsel vm6, v16, v7;
	vm5 =	vmand vm4, vm7;
	vm6 =	veq.s32 v19, $0x1  }
0xb2: {  	s26 =	simm.s32 $0x100;
	v8 =	vsel vm5, $0x3F800000, v3;
	vm5 =	vgt.s32 v19, $0x0;
	v7 =	vsel vm6, v12, v7;
	v12 =	vld [tilespmem:s6+$0x0]  }
0xb3: {  	v19 =	vld [tilespmem:s26+$0x1C00];
	v5 =	vsub.f32 v4, v5;
	v7 =	vsel vm7, v13, v7;
	v13 =	vmax.f32 v23, v28  }
0xb4: {  	vm4 =	vmand vm4, vm5;
	v9 =	vmax.f32 v10, v14;
	v4 =	vsub.f32 v4, v7  }
0xb5: {  	v24 =	vmax.f32 v9, v13;
	v9 =	vmul.f32 v5, v8;
	v13 =	vsel vm4, $0x3F800000, v3  }
0xb6: {  	v5 =	vsub.f32 v10, v24;
	v20 =	vmul.f32 v4, v13;
	v4 =	vmax.f32 v25, v27  }
0xb7: {  	v7 =	vsub.f32 v14, v24;
	v30 =	vsub.f32 v23, v24;
	v16 =	vmax.f32 v29, v12  }
0xb8: {  	v59 =	vld [tilespmem:s12+$0xE00];
	v15 =	vadd.f32 v9, v18;
	vm5 =	veq.s32 v19, $0x0;
	v5 =	vmul.f32 $1.442695020e+00, v5  }
0xb9: {  	s25 =	simm.s32 $0x120;
	v61 =	vld [tilespmem:s12+$0xE80];
	v26 =	vmax.f32 v4, v16;
	v16 =	vsub.f32 v28, v24;
	v7 =	vmul.f32 $1.442695020e+00, v7  }
0xba: {  	s10 =	sand.u32 $0x60, s25;
	s9 =	simm.s32 $0x480;
	v39 =	vld [tilespmem:s13+$0xE00];
	v30 =	vmul.f32 $1.442695020e+00, v30;
	v33 =	vsub.f32 v25, v26;
	(erf) = vpow2.f32 v5  }
0xbb: {  	s29 =	sor.u32 $0x10, s10;
	s8 =	sand.u32 $0xE00, s9;
	v41 =	vld [tilespmem:s6+$0xE00];
	v34 =	vsub.f32 v27, v26;
	v16 =	vmul.f32 $1.442695020e+00, v16;
	(erf) = vpow2.f32 v7  }
0xbc: {  	s0 =	sor.u32 s8, s29;
	v22 =	vld [tilespmem:s7+$0xE00];
	v35 =	vsub.f32 v29, v26;
	v33 =	vmul.f32 $1.442695020e+00, v33;
	(erf) = vpow2.f32 v30  }
0xbd: {  	s26 =	sor.u32 s10, s8;
	v9 =	vld [tilespmem:s0+$0x100];
	v58 =	vsub.f32 v12, v26;
	v30 =	vmul.f32 $1.442695020e+00, v34;
	(erf) = vpow2.f32 v16  }
0xbe: {  	s5 =	simm.s32 $0x1;
	vm6 =	veq.s32 v19, $0x1;
	v4 =	vld [tilespmem:s26+$0x0];
	v11 =	vmul.f32 $1.442695020e+00, v35;
	(erf) = vpow2.f32 v33  }
0xbf: {  	s11 =	sand.u32 $0x3, s5;
	vm4 =	vgt.s32 v19, $0x0;
	v5 =	vld [tilespmem:s26+$0x80];
	v60 =	vmul.f32 $1.442695020e+00, v58;
	(erf) = vpow2.f32 v30  }
0xc0: {  	s4 =	sshll.u32 s11, $0x5;
	vm7 =	veq.s32 v19, $0x2;
	v49 =	vmul.f32 v41, v12;
	v7 =	vld [tilespmem:s26+$0x100];
	(erf) = vpow2.f32 v11  }
0xc1: {  	s4 =	sadd.s32 $0x80, s4;
	v16 =	vadd.f32 v13, v17;
	v17 =	vadd.f32 v8, v6;
	v8 =	vld [tilespmem:s0+$0x0];
	(erf) = vpow2.f32 v60  }
0xc2: {  	v18 =	vadd.f32 v20, v21;
	v21 =	vmul.f32 v22, v25;
	v19 =	vsel vm4, $0x3F800000, v3;
	v30 =	vld [tilespmem:s12+$0xF00];
	s12 =	sadd.s32 $0x410, s4;
	s4 =	sadd.s32 $0x400, s4  }
0xc3: {  	vm4 =	veq.s32 v36, $0x0;
	v22 =	vsel vm8, $0x3F800000, v3;
	v20 =	vsub.f32 $1.000000000e+00, v19;
	v6 =	vld [tilespmem:s0+$0x80];
	s4 =	sor.u32 $0x180, s4;
	v62 =	vpop (erf)  }
0xc4: {  	v29 =	vsel vm7, v29, v12;
	v35 =	vmul.f32 v59, v10;
	v34 =	vmul.f32 v61, v14;
	s3 =	sor.u32 $0x180, s12;
	v13 =	vld [tilespmem:s4+$0x0];
	v37 =	vpop (erf)  }
0xc5: {  	v32 =	vadd.f32 v49, v32;
	v44 =	vadd.f32 v31, v21;
	v27 =	vsel vm6, v27, v29;
	v11 =	vld [tilespmem:s3+$0x0];
	v40 =	vpop (erf)  }
0xc6: {  	v21 =	vsub.f32 $1.000000000e+00, v22;
	v25 =	vsel vm5, v25, v27;
	v34 =	vadd.f32 v34, v35;
	v42 =	vpop (erf)  }
0xc7: {  	v38 =	vmax.f32 v4, v5;
	v30 =	vmul.f32 v30, v23;
	v23 =	vsel vm10, v23, v28;
	v63 =	vpop (erf)  }
0xc8: {  	v28 =	vmul.f32 v39, v28;
	v33 =	vadd.f32 v37, v62;
	v47 =	vadd.f32 v42, v40;
	v31 =	vpop (erf)  }
0xc9: {  	v43 =	vmax.f32 v8, v6;
	v23 =	vsel vm9, v14, v23;
	v50 =	vmax.f32 v7, v13;
	v46 =	vpop (erf)  }
0xca: {  	v12 =	vmax.f32 v9, v11;
	v28 =	vadd.f32 v28, v30;
	v29 =	vadd.f32 v47, v33;
	v48 =	vpop (erf)  }
0xcb: {  	v12 =	vmax.f32 v43, v12;
	v31 =	vadd.f32 v31, v63;
	v35 =	vadd.f32 v48, v46  }
0xcc: {  	v30 =	vsub.f32 v8, v12;
	v52 =	vsub.f32 v9, v12;
	v33 =	vand.u32 $0x7FFFFF, v29  }
0xcd: {  	v29 =	vshra.s32 v29, $0x17;
	v33 =	vor.u32 $0x3F800000, v33;
	v31 =	vadd.f32 v35, v31  }
0xce: {  	v53 =	vsub.f32 v11, v12;
	v29 =	vadd.s32 $0xFFFFFF81, v29;
	v33 =	vadd.f32 $-1.000000000e+00, v33  }
0xcf: {  	v35 =	vsub.f32 v6, v12;
	v29 =	vcvt.s32.f32 v29;
	v14 =	vand.u32 $0x7FFFFF, v31  }
0xd0: {  	v54 =	vmul.f32 $9.999702570e-01, v33;
	v31 =	vshra.s32 v31, $0x17;
	v51 =	vor.u32 $0x3F800000, v14  }
0xd1: {  	v55 =	vmul.f32 v33, v33;
	v56 =	vmul.f32 $3.275117280e-01, v33;
	v36 =	vadd.f32 $-1.000000000e+00, v51  }
0xd2: {  	v58 =	vmul.f32 $1.319896580e-01, v33;
	v33 =	vmul.f32 $1.024382840e-02, v33;
	v31 =	vadd.s32 $0xFFFFFF81, v31  }
0xd3: {  	v39 =	vadd.f32 $2.215976450e-07, v54;
	v41 =	vadd.f32 $-4.993339480e-01, v56;
	v45 =	vmul.f32 $1.024382840e-02, v36  }
0xd4: {  	v33 =	vadd.f32 $-5.326747890e-02, v33;
	v27 =	vmul.f32 $9.999702570e-01, v36;
	v57 =	vmul.f32 v36, v36  }
0xd5: {  	v46 =	vmul.f32 $3.275117280e-01, v36;
	v36 =	vmul.f32 $1.319896580e-01, v36;
	v45 =	vadd.f32 $-5.326747890e-02, v45  }
0xd6: {  	v47 =	vmul.f32 v55, v55;
	v43 =	vadd.f32 $-2.239668970e-01, v58;
	v33 =	vmul.f32 v33, v55  }
0xd7: {  	v46 =	vadd.f32 $-4.993339480e-01, v46;
	v36 =	vadd.f32 $-2.239668970e-01, v36;
	v45 =	vmul.f32 v45, v57  }
0xd8: {  	v40 =	vmul.f32 v41, v55;
	v48 =	vmul.f32 v57, v57;
	v27 =	vadd.f32 $2.215976450e-07, v27  }
0xd9: {  	v33 =	vadd.f32 v33, v43;
	v59 =	vmul.f32 v46, v57;
	v36 =	vadd.f32 v45, v36  }
0xda: {  	v14 =	vmax.f32 v38, v50;
	v31 =	vcvt.s32.f32 v31;
	v39 =	vadd.f32 v40, v39  }
0xdb: {  	v33 =	vmul.f32 v33, v47;
	v27 =	vadd.f32 v59, v27;
	v36 =	vmul.f32 v36, v48  }
0xdc: {  	v29 =	vmul.f32 $6.931471820e-01, v29;
	v38 =	vadd.f32 v32, v44;
	v60 =	vsub.f32 v4, v14  }
0xdd: {  	v62 =	vmul.f32 $6.931471820e-01, v31;
	v33 =	vadd.f32 v33, v39;
	v27 =	vadd.f32 v36, v27  }
0xde: {  	v35 =	vmul.f32 $1.442695020e+00, v35;
	v61 =	vsub.f32 v5, v14;
	v31 =	vadd.f32 v28, v34  }
0xdf: {  	v34 =	vmul.f32 $1.442695020e+00, v52;
	v33 =	vadd.f32 v33, v29;
	v28 =	vadd.f32 v27, v62  }
0xe0: {  	s13 =	simm.s32 $0x120;
	v63 =	vsub.f32 v7, v14;
	v32 =	vmul.f32 $1.442695020e+00, v61;
	v29 =	vmul.f32 $1.442695020e+00, v60  }
0xe1: {  	s9 =	simm.s32 $0x140;
	v36 =	vmul.f32 $1.442695020e+00, v30;
	v33 =	vadd.f32 v33, v24;
	v27 =	vld [tilespmem:s13+$0x1C00];
	v37 =	vadd.f32 v28, v26  }
0xe2: {  	s7 =	simm.s32 $0x12;
	s6 =	simm.s32 $0x80;
	s8 =	simm.s32 $0x500;
	v30 =	vmul.f32 $1.442695020e+00, v53;
	v24 =	vsub.f32 v13, v14;
	v26 =	vld [tilespmem:s26+$0xE00];
	v28 =	vmul.f32 $1.442695020e+00, v63  }
.LBB2_4:
0xe3: {  	s10 =	sand.u32 $0x60, s9;
	s11 =	sand.u32 $0xE00, s8;
	v39 =	vld [tilespmem:s26+$0xE80];
	(erf) = vpow2.f32 v36;
	v36 =	vsub.f32 v37, v38;
	v31 =	vsub.f32 v33, v31  }
0xe4: {  	v25 =	vsub.f32 v37, v25;
	v38 =	vld [tilespmem:s26+$0xF00];
	s26 =	sor.u32 s10, s11;
	v40 =	vmul.f32 $1.442695020e+00, v24;
	(erf) = vpow2.f32 v35  }
0xe5: {  	v23 =	vsel vm4, v10, v23;
	v10 =	vmovc v8;
	v24 =	vld [tilespmem:s26+$0x0];
	v35 =	vmul.f32 v36, v19;
	v37 =	vmul.f32 v31, v22  }
0xe6: {  	s12 =	sand.u32 $0x380, s25;
	s25 =	smov.u32 s9;
	v23 =	vsub.f32 v33, v23;
	v8 =	vmul.f32 v25, v19;
	v41 =	vld [tilespmem:s26+$0x80];
	(erf) = vpow2.f32 v34  }
0xe7: {  	s12 =	sor.u32 s29, s12;
	v25 =	vld [tilespmem:s26+$0x100];
	(erf) = vpow2.f32 v30;
	v30 =	vsub.f32 v36, v35;
	v31 =	vsub.f32 v31, v37  }
0xe8: {  	v16 =	vadd.f32 v19, v16;
	v8 =	vadd.f32 v8, v18;
	v18 =	vmul.f32 v23, v22;
	v33 =	vld [tilespmem:s12+$0x1C00]  }
0xe9: {  	v17 =	vadd.f32 v20, v17;
	v23 =	vld [tilespmem:s0+$0xE00];
	(erf) = vpow2.f32 v29;
	v15 =	vadd.f32 v30, v15  }
0xea: {  	s29 =	sor.u32 $0x10, s10;
	v16 =	vadd.f32 v22, v16;
	v18 =	vadd.f32 v18, v8;
	v29 =	vld [tilespmem:s0+$0xE80];
	(erf) = vpow2.f32 v32  }
0xeb: {  	s5 =	sadd.s32 $0x1, s5;
	v17 =	vadd.f32 v21, v17;
	v22 =	vld [tilespmem:s0+$0xF00];
	s0 =	sor.u32 s11, s29;
	(erf) = vpow2.f32 v28;
	v15 =	vadd.f32 v31, v15  }
0xec: {  	s10 =	sand.u32 $0x3, s5;
	v8 =	vld [tilespmem:s0+$0x0];
	(erf) = vpow2.f32 v40;
	v28 =	vpop (erf)  }
0xed: {  	s6 =	sadd.s32 $0x80, s6;
	s10 =	sshll.u32 s10, $0x5;
	vm5 =	veq.s32 v27, $0x0;
	vm6 =	veq.s32 v27, $0x1;
	vm4 =	vgt.s32 v27, $0x0;
	v30 =	vld [tilespmem:s0+$0x80];
	v31 =	vpop (erf)  }
0xee: {  	s10 =	sadd.s32 s10, s6;
	vm7 =	veq.s32 v27, $0x2;
	v21 =	vmul.f32 v26, v4;
	v19 =	vsel vm4, $0x3F800000, v3;
	v32 =	vld [tilespmem:s0+$0x100]  }
0xef: {  	v27 =	vmul.f32 v39, v5;
	v34 =	vmul.f32 v38, v7;
	v26 =	vmax.f32 v24, v41;
	s11 =	sadd.s32 $0x410, s10;
	v35 =	vld [tilespmem:s3+$0xE00];
	v36 =	vpop (erf)  }
0xf0: {  	v20 =	vsub.f32 $1.000000000e+00, v19;
	s10 =	sadd.s32 $0x400, s10;
	vm4 =	veq.s32 v33, $0x0;
	vm8 =	vgt.s32 v33, $0x0;
	s3 =	sor.u32 $0x180, s11;
	v37 =	vld [tilespmem:s4+$0xE00];
	v38 =	vpop (erf)  }
0xf1: {  	vm9 =	veq.s32 v33, $0x1;
	vm10 =	veq.s32 v33, $0x2;
	v23 =	vmul.f32 v23, v10;
	s4 =	sor.u32 $0x180, s10;
	v39 =	vld [tilespmem:s3+$0x0]  }
0xf2: {  	v29 =	vmul.f32 v29, v6;
	v40 =	vmul.f32 v22, v9;
	v22 =	vsel vm8, $0x3F800000, v3;
	v33 =	vld [tilespmem:s4+$0x0];
	v42 =	vpop (erf)  }
0xf3: {  	v27 =	vadd.f32 v27, v21;
	v21 =	vsub.f32 $1.000000000e+00, v22;
	v43 =	vmax.f32 v8, v30;
	v44 =	vpop (erf)  }
0xf4: {  	v45 =	vsel vm7, v7, v13;
	v9 =	vsel vm10, v9, v11;
	v29 =	vadd.f32 v29, v23;
	v7 =	vpop (erf)  }
0xf5: {  	v28 =	vadd.f32 v31, v28;
	v31 =	vadd.f32 v38, v36;
	v11 =	vmul.f32 v35, v11;
	v23 =	vpop (erf)  }
0xf6: {  	v35 =	vadd.f32 v44, v42;
	v13 =	vmul.f32 v37, v13;
	v36 =	vadd.f32 v23, v7;
	v7 =	vmovc v25  }
0xf7: {  	v37 =	vmax.f32 v32, v39;
	v23 =	vsel vm9, v6, v9;
	v6 =	vmovc v30;
	v25 =	vmax.f32 v7, v33  }
0xf8: {  	v28 =	vadd.f32 v31, v28;
	v30 =	vadd.f32 v36, v35;
	v35 =	vsel vm6, v5, v45;
	v5 =	vmovc v41  }
0xf9: {  	v31 =	vadd.f32 v11, v40;
	v9 =	vmovc v32;
	v41 =	vmax.f32 v43, v37;
	v37 =	vadd.f32 v13, v34  }
0xfa: {  	v36 =	vand.u32 $0x7FFFFF, v28;
	v11 =	vmovc v39;
	v32 =	vsub.f32 v8, v41;
	v13 =	vmovc v33;
	v34 =	vand.u32 $0x7FFFFF, v30  }
0xfb: {  	v33 =	vsub.f32 v6, v41;
	v36 =	vor.u32 $0x3F800000, v36;
	v34 =	vor.u32 $0x3F800000, v34  }
0xfc: {  	v26 =	vmax.f32 v26, v25;
	v36 =	vadd.f32 $-1.000000000e+00, v36;
	v34 =	vadd.f32 $-1.000000000e+00, v34  }
0xfd: {  	v38 =	vsub.f32 v9, v41;
	v39 =	vsub.f32 v11, v41;
	v25 =	vsel vm5, v4, v35;
	v4 =	vmovc v24  }
0xfe: {  	v28 =	vshra.s32 v28, $0x17;
	v35 =	vmul.f32 $9.999702570e-01, v36;
	v24 =	vmul.f32 $9.999702570e-01, v34  }
0xff: {  	v30 =	vshra.s32 v30, $0x17;
	v40 =	vmul.f32 v36, v36;
	v42 =	vmul.f32 $3.275117280e-01, v36  }
0x100: {  	v28 =	vadd.s32 $0xFFFFFF81, v28;
	v44 =	vmul.f32 $1.319896580e-01, v36;
	v43 =	vmul.f32 v34, v34  }
0x101: {  	v30 =	vadd.s32 $0xFFFFFF81, v30;
	v36 =	vmul.f32 $1.024382840e-02, v36;
	v45 =	vmul.f32 $1.024382840e-02, v34  }
0x102: {  	v46 =	vmul.f32 $3.275117280e-01, v34;
	v35 =	vadd.f32 $2.215976450e-07, v35;
	v42 =	vadd.f32 $-4.993339480e-01, v42  }
0x103: {  	v34 =	vmul.f32 $1.319896580e-01, v34;
	v36 =	vadd.f32 $-5.326747890e-02, v36;
	v45 =	vadd.f32 $-5.326747890e-02, v45  }
0x104: {  	v47 =	vmul.f32 v40, v40;
	v44 =	vadd.f32 $-2.239668970e-01, v44;
	v46 =	vadd.f32 $-4.993339480e-01, v46  }
0x105: {  	v34 =	vadd.f32 $-2.239668970e-01, v34;
	v36 =	vmul.f32 v36, v40;
	v45 =	vmul.f32 v45, v43  }
0x106: {  	v48 =	vmul.f32 v43, v43;
	v24 =	vadd.f32 $2.215976450e-07, v24;
	v40 =	vmul.f32 v42, v40  }
0x107: {  	v42 =	vmul.f32 v46, v43;
	v36 =	vadd.f32 v36, v44;
	v34 =	vadd.f32 v45, v34  }
0x108: {  	v28 =	vcvt.s32.f32 v28;
	v30 =	vcvt.s32.f32 v30;
	v35 =	vadd.f32 v40, v35  }
0x109: {  	v24 =	vadd.f32 v42, v24;
	v36 =	vmul.f32 v36, v47;
	v34 =	vmul.f32 v34, v48  }
0x10a: {  	s7 =	sadd.s32 $0x2, s7;
	v28 =	vmul.f32 $6.931471820e-01, v28;
	v40 =	vsub.f32 v4, v26;
	v42 =	vsub.f32 v5, v26  }
0x10b: {  	p0 =	slt.u32 s7, $0x36;
	v30 =	vmul.f32 $6.931471820e-01, v30;
	v24 =	vadd.f32 v34, v24;
	v34 =	vadd.f32 v36, v35  }
.Ltmp1:
0x10c: {  	v31 =	vadd.f32 v31, v29;
	v43 =	vsub.f32 v7, v26;
	v36 =	vmul.f32 $1.442695020e+00, v32;
	(pc) =	sbr.rel @p0 .LBB2_4-.Ltmp1, $4  }
0x10d: {  	v35 =	vmul.f32 $1.442695020e+00, v33;
	v24 =	vadd.f32 v24, v30;
	v28 =	vadd.f32 v34, v28  }
0x10e: {  	s10 =	sshra.s32 s8, $0x2;
	v34 =	vmul.f32 $1.442695020e+00, v38;
	v30 =	vmul.f32 $1.442695020e+00, v39;
	v38 =	vadd.f32 v37, v27  }
0x10f: {  	v29 =	vmul.f32 $1.442695020e+00, v40;
	v37 =	vadd.f32 v24, v14;
	v33 =	vadd.f32 v28, v12;
	v12 =	vmovc v41;
	v14 =	vmovc v26;
	v27 =	vld [tilespmem:s10+$0x1C00]  }
0x110: {  	s9 =	sadd.s32 $0x20, s9;
	s8 =	sadd.s32 $0x80, s8;
	v32 =	vmul.f32 $1.442695020e+00, v42;
	v28 =	vmul.f32 $1.442695020e+00, v43;
	v24 =	vsub.f32 v13, v14;
	v26 =	vld [tilespmem:s26+$0xE00]  }
0x111: {  	(erf) = vpow2.f32 v36  }
0x112: {  	(erf) = vpow2.f32 v35  }
0x113: {  	(erf) = vpow2.f32 v34  }
0x114: {  	(erf) = vpow2.f32 v30  }
0x115: {  	(erf) = vpow2.f32 v29  }
0x116: {  	v24 =	vmul.f32 $1.442695020e+00, v24;
	(erf) = vpow2.f32 v32  }
0x117: {  	v25 =	vsub.f32 v37, v25;
	(erf) = vpow2.f32 v28  }
0x118: {  	v10 =	vsel vm4, v10, v23;
	(erf) = vpow2.f32 v24;
	v24 =	vsub.f32 v37, v38  }
0x119: {  	v10 =	vsub.f32 v33, v10;
	v25 =	vmul.f32 v25, v19  }
0x11a: {  	v28 =	vsub.f32 v33, v31;
	v30 =	vmul.f32 v24, v19  }
0x11b: {  	v20 =	vadd.f32 v20, v17;
	v10 =	vmul.f32 v10, v22;
	v18 =	vadd.f32 v25, v18;
	v29 =	vpop (erf)  }
0x11c: {  	v16 =	vadd.f32 v19, v16;
	s5 =	sand.u32 $0x380, s25;
	v62 =	vld [tilespmem:s4+$0xE00];
	v23 =	vmul.f32 v28, v22;
	v31 =	vpop (erf);
	v24 =	vsub.f32 v24, v30  }
0x11d: {  	s5 =	sor.u32 s29, s5;
	v25 =	vld [tilespmem:s26+$0xE80];
	v17 =	vadd.f32 v10, v18;
	v10 =	vadd.f32 v21, v20;
	v61 =	vpop (erf)  }
0x11e: {  	v21 =	vld [tilespmem:s5+$0x1C00];
	v23 =	vsub.f32 v28, v23;
	v28 =	vpop (erf);
	v15 =	vadd.f32 v24, v15  }
0x11f: {  	v16 =	vadd.f32 v22, v16;
	vm4 =	veq.s32 v27, $0x0;
	vm6 =	veq.s32 v27, $0x1;
	v22 =	vld [tilespmem:s26+$0xF00];
	v19 =	vpop (erf)  }
0x120: {  	vm5 =	vgt.s32 v27, $0x0;
	v24 =	vpop (erf);
	v15 =	vadd.f32 v23, v15;
	v23 =	vadd.f32 v31, v29  }
0x121: {  	vm7 =	veq.s32 v27, $0x2;
	v18 =	vpop (erf);
	v19 =	vadd.f32 v24, v19;
	v24 =	vadd.f32 v28, v61  }
0x122: {  	v26 =	vmul.f32 v26, v4;
	v27 =	vsel vm5, $0x3F800000, v3;
	v32 =	vmul.f32 v62, v13;
	v28 =	vld [tilespmem:s0+$0xE80];
	v20 =	vpop (erf)  }
0x123: {  	v25 =	vmul.f32 v25, v5;
	v18 =	vadd.f32 v20, v18;
	v20 =	vld [tilespmem:s0+$0xE00];
	v23 =	vadd.f32 v24, v23  }
0x124: {  	vm5 =	veq.s32 v21, $0x0;
	vm8 =	vgt.s32 v21, $0x0;
	v22 =	vmul.f32 v22, v7  }
0x125: {  	v25 =	vadd.f32 v25, v26;
	v18 =	vadd.f32 v18, v19;
	v30 =	vand.u32 $0x7FFFFF, v23  }
0x126: {  	v31 =	vld [tilespmem:s3+$0xE00];
	v22 =	vadd.f32 v32, v22;
	v23 =	vshra.s32 v23, $0x17;
	v30 =	vor.u32 $0x3F800000, v30  }
0x127: {  	v19 =	vld [tilespmem:s0+$0xF00];
	_ =	swait.ge [sflag:s1], $0xE00;
	v28 =	vmul.f32 v28, v6;
	v24 =	vand.u32 $0x7FFFFF, v18;
	v30 =	vadd.f32 $-1.000000000e+00, v30  }
0x128: {  	[sflag:s1] =	ssyncset.done $0x0;
	v23 =	vadd.s32 $0xFFFFFF81, v23;
	v24 =	vor.u32 $0x3F800000, v24;
	v20 =	vmul.f32 v20, v8  }
0x129: {  	[sflag:s1] =	ssyncadd.s32 $0xFFFFF200;
	v24 =	vadd.f32 $-1.000000000e+00, v24;
	v63 =	vmul.f32 v30, v30;
	v41 =	vmul.f32 $3.275117280e-01, v30  }
0x12a: {  	_ =	swait.ge [sflag:s1], $0xE00;
	v43 =	vmul.f32 $1.319896580e-01, v30;
	v20 =	vadd.f32 v28, v20;
	v28 =	vmul.f32 $9.999702570e-01, v30  }
0x12b: {  	v18 =	vshra.s32 v18, $0x17;
	[sflag:s1] =	ssyncset.done $0x0;
	v30 =	vmul.f32 $1.024382840e-02, v30;
	v26 =	vmul.f32 $9.999702570e-01, v24  }
0x12c: {  	v18 =	vadd.s32 $0xFFFFFF81, v18;
	[sflag:s1] =	ssyncadd.s32 $0xFFFFF200;
	v44 =	vmul.f32 $1.024382840e-02, v24;
	v45 =	vmul.f32 $3.275117280e-01, v24  }
0x12d: {  	v42 =	vmul.f32 v24, v24;
	v34 =	vadd.f32 $-4.993339480e-01, v41;
	_ =	swait.ge [sflag:s1], $0x380;
	v36 =	vadd.f32 $-2.239668970e-01, v43  }
0x12e: {  	s4 =	simm.s32 $0x0;
	s6 =	simm.s32 $0x3F00;
	v24 =	vmul.f32 $1.319896580e-01, v24;
	v30 =	vadd.f32 $-5.326747890e-02, v30;
	[sflag:s1] =	ssyncset.done $0x0;
	v37 =	vadd.f32 $-5.326747890e-02, v44  }
0x12f: {  	s8 =	simm.s32 $0x4D00;
	v46 =	vmul.f32 v63, v63;
	v28 =	vadd.f32 $2.215976450e-07, v28;
	s5 =	rddreg [dreg:$0xe];
	v38 =	vadd.f32 $-4.993339480e-01, v45;
	[sflag:s1] =	ssyncadd.s32 $0xFFFFFC80  }
0x130: {  	v24 =	vadd.f32 $-2.239668970e-01, v24;
	v30 =	vmul.f32 v30, v63;
	[tilespmem:s6], [sflag:$0x3] =	stream.linear.gather [hbm4b:s5+s4], $0xE00, $0x38;
	v37 =	vmul.f32 v37, v42;
	[tilespmem:$0x7A00] =	vst v63  }
0x131: {  	s10 =	sand.u32 $0x60, s4;
	s11 =	sand.u32 $0xE00, s4;
	s7 =	rddreg [dreg:$0xf];
	v39 =	vmul.f32 v42, v42;
	v26 =	vadd.f32 $2.215976450e-07, v26;
	v33 =	vmul.f32 v34, v63  }
0x132: {  	v35 =	vmul.f32 v38, v42;
	v30 =	vadd.f32 v30, v36;
	[tilespmem:s8], [sflag:$0x3] =	stream.linear.gather [hbm4b:s7+s4], $0xE00, $0x38;
	v24 =	vadd.f32 v37, v24;
	[tilespmem:$0x7A00] =	vst v63  }
0x133: {  	s9 =	simm.s32 $0x5B00;
	s12 =	sor.u32 s10, s11;
	v23 =	vcvt.s32.f32 v23;
	v18 =	vcvt.s32.f32 v18;
	v28 =	vadd.f32 v33, v28  }
0x134: {  	v26 =	vadd.f32 v35, v26;
	v30 =	vmul.f32 v30, v46;
	[tilespmem:s9], [sflag:$0x3] =	stream.linear.gather [hbm4b:s14+s4], $0x380, $0x38;
	v24 =	vmul.f32 v24, v39;
	[tilespmem:$0x7A00] =	vst v63  }
0x135: {  	v7 =	vsel vm7, v7, v13;
	v13 =	vadd.f32 v22, v25;
	v23 =	vmul.f32 $6.931471820e-01, v23;
	s6 =	sand.u32 $0x3, s4;
	s9 =	sor.u32 $0x10, s10;
	s4 =	sand.u32 $0x380, s4  }
0x136: {  	v18 =	vmul.f32 $6.931471820e-01, v18;
	v22 =	vld [tilespmem:s12+$0x1F80];
	s4 =	sor.u32 s9, s4;
	v28 =	vadd.f32 v30, v28;
	v24 =	vadd.f32 v24, v26  }
0x137: {  	vm9 =	veq.s32 v21, $0x1;
	v19 =	vmul.f32 v19, v9;
	s8 =	sor.u32 s11, s9;
	v48 =	vld [tilespmem:s4+$0x3B80];
	v26 =	vmul.f32 v31, v11  }
0x138: {  	vm10 =	veq.s32 v21, $0x2;
	s6 =	sshll.u32 s6, $0x5;
	v50 =	vld [tilespmem:s8+$0x2D80];
	v21 =	vadd.f32 v28, v23;
	v18 =	vadd.f32 v24, v18  }
0x139: {  	v5 =	vsel vm6, v5, v7;
	v29 =	vsub.f32 $1.000000000e+00, v27;
	s6 =	sadd.s32 $0x0, s6;
	v23 =	vld [tilespmem:s8+$0x1F80];
	v19 =	vadd.f32 v26, v19  }
0x13a: {  	v9 =	vsel vm10, v9, v11;
	s7 =	sor.u32 $0x180, s6;
	v14 =	vadd.f32 v18, v14;
	v18 =	vadd.f32 v21, v12;
	v12 =	vld [tilespmem:s12+$0x2000]  }
0x13b: {  	v4 =	vsel vm4, v4, v5;
	v6 =	vsel vm9, v6, v9;
	v7 =	vadd.f32 v19, v20;
	v20 =	vld [tilespmem:s7+$0x1F80]  }
0x13c: {  	v10 =	vadd.f32 v29, v10;
	v6 =	vsel vm5, v8, v6;
	v5 =	vsub.f32 v14, v13;
	v13 =	vld [tilespmem:s12+$0x2080]  }
0x13d: {  	v52 =	vld [tilespmem:s8+$0x2E80];
	v19 =	vsel vm8, $0x3F800000, v3;
	vm13 =	vgt.s32 v48, $0x0;
	v7 =	vsub.f32 v18, v7  }
0x13e: {  	s13 =	sadd.s32 $0x10, s6;
	v28 =	vld [tilespmem:s8+$0x2080];
	v4 =	vsub.f32 v14, v4;
	v6 =	vsub.f32 v18, v6;
	v9 =	vmul.f32 v5, v27  }
0x13f: {  	s6 =	sor.u32 $0x180, s13;
	v26 =	vld [tilespmem:s8+$0x2000];
	v11 =	vsub.f32 $1.000000000e+00, v19;
	v56 =	vmul.f32 v50, v23;
	v8 =	vmul.f32 v7, v19  }
0x140: {  	v30 =	vld [tilespmem:s6+$0x1F80];
	v4 =	vmul.f32 v4, v27;
	v6 =	vmul.f32 v6, v19;
	v5 =	vsub.f32 v5, v9  }
0x141: {  	v7 =	vsub.f32 v7, v8;
	v8 =	vmax.f32 v22, v12;
	v14 =	vmax.f32 v13, v20  }
0x142: {  	v4 =	vadd.f32 v4, v17;
	v9 =	vadd.f32 v27, v16;
	v24 =	vmax.f32 v8, v14  }
0x143: {  	v36 =	vmul.f32 v52, v28;
	v16 =	vadd.f32 v5, v15;
	v5 =	vsub.f32 v22, v24  }
0x144: {  	v14 =	vadd.f32 v6, v4;
	v4 =	vmax.f32 v23, v26;
	v6 =	vsub.f32 v12, v24  }
0x145: {  	v29 =	vld [tilespmem:s12+$0x2E80];
	v8 =	vmax.f32 v28, v30;
	v15 =	vsub.f32 v13, v24;
	v5 =	vmul.f32 $1.442695020e+00, v5  }
0x146: {  	v40 =	vld [tilespmem:s6+$0x2D80];
	v25 =	vmax.f32 v4, v8;
	v8 =	vsub.f32 v20, v24;
	v6 =	vmul.f32 $1.442695020e+00, v6  }
0x147: {  	v51 =	vld [tilespmem:s8+$0x2E00];
	v17 =	vsub.f32 v23, v25;
	v15 =	vmul.f32 $1.442695020e+00, v15;
	(erf) = vpow2.f32 v5  }
0x148: {  	s25 =	simm.s32 $0x0;
	s26 =	simm.s32 $0x80;
	s0 =	simm.s32 $0x20;
	v21 =	vld [tilespmem:s12+$0x2D80];
	v31 =	vsub.f32 v26, v25;
	v47 =	vmul.f32 $1.442695020e+00, v8;
	(erf) = vpow2.f32 v6  }
0x149: {  	s10 =	sand.u32 $0x60, s0;
	s11 =	sand.u32 $0xE00, s26;
	v18 =	vld [tilespmem:s25+$0x3B80];
	v17 =	vmul.f32 $1.442695020e+00, v17;
	v6 =	vsub.f32 v28, v25;
	(erf) = vpow2.f32 v15  }
0x14a: {  	s29 =	sor.u32 $0x10, s10;
	s3 =	sor.u32 s10, s11;
	v27 =	vld [tilespmem:s12+$0x2E00];
	v49 =	vsub.f32 v30, v25;
	v31 =	vmul.f32 $1.442695020e+00, v31;
	(erf) = vpow2.f32 v47  }
0x14b: {  	s5 =	simm.s32 $0x1;
	s25 =	sor.u32 s11, s29;
	v4 =	vld [tilespmem:s3+$0x1F80];
	v15 =	vadd.f32 v19, v9;
	v9 =	vmul.f32 $1.442695020e+00, v6;
	(erf) = vpow2.f32 v17  }
0x14c: {  	s10 =	sand.u32 $0x3, s5;
	v16 =	vadd.f32 v7, v16;
	v7 =	vld [tilespmem:s25+$0x2000];
	v19 =	vmul.f32 $1.442695020e+00, v49;
	(erf) = vpow2.f32 v31  }
0x14d: {  	s4 =	sshll.u32 s10, $0x5;
	vm14 =	veq.s32 v48, $0x1;
	v32 =	vmul.f32 v51, v26;
	v8 =	vld [tilespmem:s3+$0x2080];
	(erf) = vpow2.f32 v9  }
0x14e: {  	vm15 =	veq.s32 v48, $0x2;
	s11 =	sadd.s32 $0x80, s4;
	v21 =	vmul.f32 v21, v22;
	v5 =	vld [tilespmem:s3+$0x2000];
	(erf) = vpow2.f32 v19  }
0x14f: {  	s4 =	sor.u32 $0x180, s11;
	v32 =	vadd.f32 v32, v56;
	vm4 =	veq.s32 v18, $0x0;
	vm6 =	veq.s32 v18, $0x1;
	v6 =	vld [tilespmem:s25+$0x1F80]  }
0x150: {  	s12 =	sadd.s32 $0x10, s11;
	vm5 =	vgt.s32 v18, $0x0;
	v27 =	vmul.f32 v27, v12;
	v17 =	vadd.f32 v11, v10;
	v11 =	vld [tilespmem:s4+$0x1F80];
	v53 =	vpop (erf)  }
0x151: {  	vm12 =	veq.s32 v18, $0x2;
	v29 =	vmul.f32 v29, v13;
	s26 =	sor.u32 $0x180, s12;
	v18 =	vsel vm5, $0x3F800000, v3;
	v31 =	vld [tilespmem:s7+$0x2D80];
	v55 =	vpop (erf)  }
0x152: {  	vm5 =	veq.s32 v48, $0x0;
	v28 =	vsel vm15, v28, v30;
	v30 =	vmul.f32 v40, v30;
	v10 =	vld [tilespmem:s26+$0x1F80];
	v57 =	vpop (erf)  }
0x153: {  	v13 =	vsel vm12, v13, v20;
	v42 =	vadd.f32 v27, v21;
	v21 =	vsel vm13, $0x3F800000, v3;
	v9 =	vld [tilespmem:s25+$0x2080];
	v41 =	vpop (erf)  }
0x154: {  	v26 =	vsel vm14, v26, v28;
	v30 =	vadd.f32 v30, v36;
	v19 =	vsub.f32 $1.000000000e+00, v18;
	v27 =	vpop (erf)  }
0x155: {  	v54 =	vmax.f32 v4, v5;
	v34 =	vadd.f32 v55, v53;
	v35 =	vadd.f32 v41, v57;
	v44 =	vpop (erf)  }
0x156: {  	v58 =	vmax.f32 v6, v7;
	v43 =	vmax.f32 v8, v11;
	v31 =	vmul.f32 v31, v20;
	v59 =	vpop (erf)  }
0x157: {  	v41 =	vsel vm6, v12, v13;
	v13 =	vadd.f32 v44, v27;
	v27 =	vadd.f32 v35, v34;
	v12 =	vpop (erf)  }
0x158: {  	v20 =	vsub.f32 $1.000000000e+00, v21;
	v61 =	vmax.f32 v9, v10;
	v60 =	vadd.f32 v12, v59  }
0x159: {  	v29 =	vadd.f32 v31, v29;
	v12 =	vmax.f32 v54, v43;
	v28 =	vand.u32 $0x7FFFFF, v27  }
0x15a: {  	v33 =	vsub.f32 v4, v12;
	v28 =	vor.u32 $0x3F800000, v28;
	v31 =	vadd.f32 v60, v13  }
0x15b: {  	v27 =	vshra.s32 v27, $0x17;
	v34 =	vsub.f32 v5, v12;
	v28 =	vadd.f32 $-1.000000000e+00, v28  }
0x15c: {  	v37 =	vsub.f32 v8, v12;
	v27 =	vadd.s32 $0xFFFFFF81, v27;
	v62 =	vand.u32 $0x7FFFFF, v31  }
0x15d: {  	v63 =	vmul.f32 v28, v28;
	v51 =	vmul.f32 $9.999702570e-01, v28;
	v35 =	vor.u32 $0x3F800000, v62  }
0x15e: {  	v52 =	vmul.f32 $3.275117280e-01, v28;
	v31 =	vshra.s32 v31, $0x17;
	v35 =	vadd.f32 $-1.000000000e+00, v35  }
0x15f: {  	v53 =	vmul.f32 $1.319896580e-01, v28;
	v28 =	vmul.f32 $1.024382840e-02, v28;
	v31 =	vadd.s32 $0xFFFFFF81, v31  }
0x160: {  	v39 =	vadd.f32 $2.215976450e-07, v51;
	v40 =	vadd.f32 $-4.993339480e-01, v52;
	v46 =	vmul.f32 $1.024382840e-02, v35  }
0x161: {  	v28 =	vadd.f32 $-5.326747890e-02, v28;
	v54 =	vmul.f32 $9.999702570e-01, v35;
	v45 =	vmul.f32 v35, v35  }
0x162: {  	v47 =	vmul.f32 $3.275117280e-01, v35;
	v35 =	vmul.f32 $1.319896580e-01, v35;
	v46 =	vadd.f32 $-5.326747890e-02, v46  }
0x163: {  	v48 =	vmul.f32 v63, v63;
	v43 =	vadd.f32 $-2.239668970e-01, v53;
	v28 =	vmul.f32 v28, v63  }
0x164: {  	v47 =	vadd.f32 $-4.993339480e-01, v47;
	v35 =	vadd.f32 $-2.239668970e-01, v35;
	v46 =	vmul.f32 v46, v45  }
0x165: {  	v38 =	vmul.f32 v40, v63;
	v55 =	vmul.f32 v45, v45;
	v44 =	vadd.f32 $2.215976450e-07, v54  }
0x166: {  	v28 =	vadd.f32 v28, v43;
	v56 =	vmul.f32 v47, v45;
	v35 =	vadd.f32 v46, v35  }
0x167: {  	v27 =	vcvt.s32.f32 v27;
	v31 =	vcvt.s32.f32 v31;
	v38 =	vadd.f32 v38, v39  }
0x168: {  	v28 =	vmul.f32 v28, v48;
	v57 =	vadd.f32 v56, v44;
	v35 =	vmul.f32 v35, v55  }
0x169: {  	v13 =	vmax.f32 v58, v61;
	v58 =	vsub.f32 v11, v12;
	v59 =	vmul.f32 $6.931471820e-01, v27  }
0x16a: {  	v31 =	vmul.f32 $6.931471820e-01, v31;
	v60 =	vadd.f32 v28, v38;
	v35 =	vadd.f32 v35, v57  }
0x16b: {  	v26 =	vsel vm5, v23, v26;
	v61 =	vsub.f32 v6, v13;
	v36 =	vsub.f32 v9, v13  }
0x16c: {  	v27 =	vsel vm4, v22, v41;
	v22 =	vadd.f32 v60, v59;
	v35 =	vadd.f32 v35, v31  }
0x16d: {  	v62 =	vadd.f32 v29, v42;
	v29 =	vmul.f32 $1.442695020e+00, v58;
	v63 =	vadd.f32 v30, v32  }
0x16e: {  	s13 =	simm.s32 $0x20;
	v23 =	vmul.f32 $1.442695020e+00, v61;
	v22 =	vadd.f32 v22, v24;
	v30 =	vadd.f32 v35, v25  }
0x16f: {  	v32 =	vmul.f32 $1.442695020e+00, v37;
	v28 =	vsub.f32 v7, v13;
	v24 =	vld [tilespmem:s13+$0x3B80];
	v31 =	vmul.f32 $1.442695020e+00, v33  }
0x170: {  	s6 =	simm.s32 $0x2;
	s8 =	simm.s32 $0x40;
	s7 =	simm.s32 $0x100;
	v33 =	vmul.f32 $1.442695020e+00, v34;
	v34 =	vsub.f32 v22, v62;
	v25 =	vld [tilespmem:s3+$0x2D80];
	v35 =	vsub.f32 v30, v63  }
.LBB2_6:
0x171: {  	s9 =	sand.u32 $0x60, s8;
	s10 =	sand.u32 $0xE00, s7;
	v37 =	vld [tilespmem:s3+$0x2E00];
	v28 =	vmul.f32 $1.442695020e+00, v28;
	v36 =	vmul.f32 $1.442695020e+00, v36;
	v27 =	vsub.f32 v22, v27  }
0x172: {  	v39 =	vsub.f32 v10, v13;
	v38 =	vld [tilespmem:s3+$0x2E80];
	s3 =	sor.u32 s9, s10;
	v40 =	vmul.f32 v34, v18;
	v41 =	vmul.f32 v35, v21  }
0x173: {  	v26 =	vsub.f32 v30, v26;
	v22 =	vld [tilespmem:s3+$0x1F80];
	(erf) = vpow2.f32 v31;
	v27 =	vmul.f32 v27, v18  }
0x174: {  	s11 =	sand.u32 $0x380, s0;
	s0 =	smov.u32 s8;
	v30 =	vld [tilespmem:s3+$0x2000];
	(erf) = vpow2.f32 v33;
	v31 =	vsub.f32 v34, v40;
	v33 =	vsub.f32 v35, v41  }
0x175: {  	v15 =	vadd.f32 v18, v15;
	s11 =	sor.u32 s29, s11;
	v18 =	vmul.f32 v26, v21;
	v34 =	vld [tilespmem:s3+$0x2080];
	v14 =	vadd.f32 v27, v14  }
0x176: {  	v17 =	vadd.f32 v19, v17;
	v26 =	vld [tilespmem:s11+$0x3B80];
	(erf) = vpow2.f32 v32;
	v16 =	vadd.f32 v31, v16  }
0x177: {  	v15 =	vadd.f32 v21, v15;
	v27 =	vld [tilespmem:s25+$0x2D80];
	(erf) = vpow2.f32 v29;
	v14 =	vadd.f32 v18, v14  }
0x178: {  	s5 =	sadd.s32 $0x1, s5;
	s29 =	sor.u32 $0x10, s9;
	v17 =	vadd.f32 v20, v17;
	v21 =	vld [tilespmem:s25+$0x2E00];
	(erf) = vpow2.f32 v23;
	v16 =	vadd.f32 v33, v16  }
0x179: {  	s9 =	sand.u32 $0x3, s5;
	v18 =	vmul.f32 $1.442695020e+00, v39;
	v20 =	vld [tilespmem:s25+$0x2E80];
	s25 =	sor.u32 s10, s29;
	(erf) = vpow2.f32 v28  }
0x17a: {  	s9 =	sshll.u32 s9, $0x5;
	vm4 =	veq.s32 v24, $0x0;
	v23 =	vld [tilespmem:s25+$0x1F80];
	(erf) = vpow2.f32 v36  }
0x17b: {  	s9 =	sadd.s32 s9, s7;
	vm6 =	veq.s32 v24, $0x1;
	vm5 =	vgt.s32 v24, $0x0;
	v28 =	vld [tilespmem:s25+$0x2000];
	(erf) = vpow2.f32 v18  }
0x17c: {  	vm8 =	veq.s32 v24, $0x2;
	v24 =	vmul.f32 v25, v4;
	v18 =	vsel vm5, $0x3F800000, v3;
	v29 =	vld [tilespmem:s4+$0x2D80];
	s4 =	sor.u32 $0x180, s9;
	v25 =	vpop (erf)  }
0x17d: {  	v35 =	vmul.f32 v38, v8;
	v33 =	vmul.f32 v37, v5;
	v32 =	vmax.f32 v22, v30;
	v31 =	vld [tilespmem:s4+$0x1F80];
	v36 =	vpop (erf)  }
0x17e: {  	vm5 =	veq.s32 v26, $0x0;
	vm9 =	vgt.s32 v26, $0x0;
	v19 =	vsub.f32 $1.000000000e+00, v18  }
0x17f: {  	vm7 =	veq.s32 v26, $0x1;
	vm10 =	veq.s32 v26, $0x2;
	s9 =	sadd.s32 $0x10, s9;
	v26 =	vmul.f32 v27, v6;
	v37 =	vld [tilespmem:s25+$0x2080];
	v27 =	vpop (erf)  }
0x180: {  	v40 =	vmul.f32 v21, v7;
	v41 =	vmul.f32 v20, v9;
	v38 =	vmax.f32 v23, v28;
	v39 =	vld [tilespmem:s26+$0x2D80];
	s26 =	sor.u32 $0x180, s9;
	v42 =	vpop (erf)  }
0x181: {  	v8 =	vsel vm8, v8, v11;
	v24 =	vadd.f32 v33, v24;
	v21 =	vsel vm9, $0x3F800000, v3;
	v43 =	vld [tilespmem:s26+$0x1F80];
	v33 =	vpop (erf)  }
0x182: {  	v20 =	vsub.f32 $1.000000000e+00, v21;
	v11 =	vmul.f32 v29, v11;
	v44 =	vmax.f32 v34, v31;
	v29 =	vpop (erf)  }
0x183: {  	v25 =	vadd.f32 v36, v25;
	v9 =	vsel vm10, v9, v10;
	v27 =	vadd.f32 v42, v27;
	v36 =	vpop (erf)  }
0x184: {  	v42 =	vsel vm6, v5, v8;
	v29 =	vadd.f32 v29, v33;
	v33 =	vadd.f32 v40, v26;
	v5 =	vpop (erf)  }
0x185: {  	v25 =	vadd.f32 v27, v25;
	v26 =	vadd.f32 v5, v36;
	v27 =	vmul.f32 v39, v10;
	v5 =	vmovc v30  }
0x186: {  	v8 =	vmovc v34;
	v32 =	vmax.f32 v32, v44;
	v30 =	vsel vm7, v7, v9;
	v39 =	vmax.f32 v37, v43  }
0x187: {  	v34 =	vadd.f32 v11, v35;
	v36 =	vand.u32 $0x7FFFFF, v25;
	v7 =	vmovc v28;
	v11 =	vmovc v31;
	v26 =	vadd.f32 v26, v29  }
0x188: {  	v9 =	vmovc v37;
	v28 =	vor.u32 $0x3F800000, v36;
	v10 =	vmovc v43;
	v29 =	vsub.f32 v22, v32;
	v35 =	vmax.f32 v38, v39  }
0x189: {  	v36 =	vsub.f32 v5, v32;
	v28 =	vadd.f32 $-1.000000000e+00, v28;
	v31 =	vand.u32 $0x7FFFFF, v26  }
0x18a: {  	v25 =	vshra.s32 v25, $0x17;
	v37 =	vsub.f32 v8, v32;
	v31 =	vor.u32 $0x3F800000, v31  }
0x18b: {  	v38 =	vmul.f32 v28, v28;
	v39 =	vmul.f32 $9.999702570e-01, v28;
	v31 =	vadd.f32 $-1.000000000e+00, v31  }
0x18c: {  	v40 =	vmul.f32 $3.275117280e-01, v28;
	v43 =	vmul.f32 $1.319896580e-01, v28;
	v26 =	vshra.s32 v26, $0x17  }
0x18d: {  	v25 =	vadd.s32 $0xFFFFFF81, v25;
	v28 =	vmul.f32 $1.024382840e-02, v28;
	v44 =	vmul.f32 $9.999702570e-01, v31  }
0x18e: {  	v26 =	vadd.s32 $0xFFFFFF81, v26;
	v45 =	vmul.f32 v31, v31;
	v46 =	vmul.f32 $1.024382840e-02, v31  }
0x18f: {  	v39 =	vadd.f32 $2.215976450e-07, v39;
	v40 =	vadd.f32 $-4.993339480e-01, v40;
	v47 =	vmul.f32 $3.275117280e-01, v31  }
0x190: {  	v28 =	vadd.f32 $-5.326747890e-02, v28;
	v31 =	vmul.f32 $1.319896580e-01, v31;
	v46 =	vadd.f32 $-5.326747890e-02, v46  }
0x191: {  	v48 =	vmul.f32 v38, v38;
	v43 =	vadd.f32 $-2.239668970e-01, v43;
	v47 =	vadd.f32 $-4.993339480e-01, v47  }
0x192: {  	v28 =	vmul.f32 v28, v38;
	v31 =	vadd.f32 $-2.239668970e-01, v31;
	v46 =	vmul.f32 v46, v45  }
0x193: {  	v38 =	vmul.f32 v40, v38;
	v40 =	vmul.f32 v45, v45;
	v44 =	vadd.f32 $2.215976450e-07, v44  }
0x194: {  	v28 =	vadd.f32 v28, v43;
	v43 =	vmul.f32 v47, v45;
	v31 =	vadd.f32 v46, v31  }
0x195: {  	v25 =	vcvt.s32.f32 v25;
	v26 =	vcvt.s32.f32 v26;
	v38 =	vadd.f32 v38, v39  }
0x196: {  	v28 =	vmul.f32 v28, v48;
	v39 =	vadd.f32 v43, v44;
	v31 =	vmul.f32 v31, v40  }
0x197: {  	v41 =	vadd.f32 v27, v41;
	v25 =	vmul.f32 $6.931471820e-01, v25;
	v40 =	vsub.f32 v11, v32  }
0x198: {  	s6 =	sadd.s32 $0x2, s6;
	v26 =	vmul.f32 $6.931471820e-01, v26;
	v38 =	vadd.f32 v28, v38;
	v31 =	vadd.f32 v31, v39  }
0x199: {  	p0 =	slt.u32 s6, $0x36;
	v27 =	vsel vm4, v4, v42;
	v4 =	vmovc v22;
	v28 =	vsub.f32 v7, v35;
	v39 =	vsub.f32 v23, v35  }
.Ltmp2:
0x19a: {  	v22 =	vadd.f32 v38, v25;
	v25 =	vadd.f32 v31, v26;
	v26 =	vsel vm5, v6, v30;
	v6 =	vmovc v23;
	(pc) =	sbr.rel @p0 .LBB2_6-.Ltmp2, $4  }
0x19b: {  	v34 =	vadd.f32 v34, v24;
	v38 =	vadd.f32 v41, v33;
	v31 =	vmul.f32 $1.442695020e+00, v29  }
0x19c: {  	s9 =	sshra.s32 s7, $0x2;
	v33 =	vmul.f32 $1.442695020e+00, v36;
	v22 =	vadd.f32 v22, v12;
	v12 =	vmovc v32;
	v30 =	vadd.f32 v25, v13;
	v13 =	vmovc v35  }
0x19d: {  	v32 =	vmul.f32 $1.442695020e+00, v37;
	v29 =	vmul.f32 $1.442695020e+00, v40;
	v36 =	vsub.f32 v9, v13;
	v24 =	vld [tilespmem:s9+$0x3B80]  }
0x19e: {  	s8 =	sadd.s32 $0x20, s8;
	s7 =	sadd.s32 $0x80, s7;
	v23 =	vmul.f32 $1.442695020e+00, v39;
	v34 =	vsub.f32 v22, v34;
	v35 =	vsub.f32 v30, v38;
	v25 =	vld [tilespmem:s3+$0x2D80]  }
0x19f: {  	(erf) = vpow2.f32 v31  }
0x1a0: {  	(erf) = vpow2.f32 v33  }
0x1a1: {  	(erf) = vpow2.f32 v32  }
0x1a2: {  	v28 =	vmul.f32 $1.442695020e+00, v28;
	v31 =	vsub.f32 v10, v13;
	(erf) = vpow2.f32 v29  }
0x1a3: {  	v29 =	vmul.f32 $1.442695020e+00, v36;
	(erf) = vpow2.f32 v23  }
0x1a4: {  	v22 =	vsub.f32 v22, v27;
	v23 =	vmul.f32 $1.442695020e+00, v31;
	(erf) = vpow2.f32 v28  }
0x1a5: {  	v28 =	vmul.f32 v35, v21;
	(erf) = vpow2.f32 v29  }
0x1a6: {  	v22 =	vmul.f32 v22, v18;
	(erf) = vpow2.f32 v23;
	v23 =	vsub.f32 v30, v26  }
0x1a7: {  	s0 =	sand.u32 $0x380, s0;
	v27 =	vmul.f32 v34, v18  }
0x1a8: {  	v15 =	vadd.f32 v18, v15;
	v19 =	vadd.f32 v19, v17;
	s0 =	sor.u32 s29, s0;
	v18 =	vmul.f32 v23, v21  }
0x1a9: {  	v31 =	vld [tilespmem:s0+$0x3B80];
	v26 =	vsub.f32 v34, v27;
	v27 =	vsub.f32 v35, v28;
	v28 =	vpop (erf)  }
0x1aa: {  	v14 =	vadd.f32 v22, v14;
	v29 =	vld [tilespmem:s3+$0x2E00];
	v22 =	vpop (erf)  }
0x1ab: {  	vm4 =	veq.s32 v24, $0x0;
	v26 =	vadd.f32 v26, v16;
	v16 =	vadd.f32 v21, v15;
	v30 =	vpop (erf)  }
0x1ac: {  	vm6 =	veq.s32 v24, $0x1;
	v23 =	vld [tilespmem:s3+$0x2E80];
	v17 =	vadd.f32 v18, v14;
	v14 =	vadd.f32 v20, v19;
	v18 =	vpop (erf)  }
0x1ad: {  	vm5 =	vgt.s32 v24, $0x0;
	v21 =	vld [tilespmem:s25+$0x2D80];
	v22 =	vadd.f32 v22, v28;
	v19 =	vpop (erf);
	v18 =	vadd.f32 v18, v30  }
0x1ae: {  	vm7 =	veq.s32 v24, $0x2;
	v25 =	vmul.f32 v25, v4;
	vm8 =	vgt.s32 v31, $0x0;
	v20 =	vld [tilespmem:s25+$0x2E00];
	v24 =	vpop (erf)  }
0x1af: {  	v15 =	vadd.f32 v27, v26;
	v26 =	vld [tilespmem:s25+$0x2E80];
	v29 =	vmul.f32 v29, v5;
	v27 =	vpop (erf);
	v18 =	vadd.f32 v18, v22  }
0x1b0: {  	vm9 =	veq.s32 v31, $0x1;
	vm10 =	veq.s32 v31, $0x2;
	v19 =	vadd.f32 v24, v19;
	v24 =	vpop (erf)  }
0x1b1: {  	v25 =	vadd.f32 v29, v25;
	v22 =	vadd.f32 v24, v27;
	v24 =	vand.u32 $0x7FFFFF, v18  }
0x1b2: {  	v29 =	vld [tilespmem:s26+$0x2D80];
	v23 =	vmul.f32 v23, v8;
	v21 =	vmul.f32 v21, v6;
	v24 =	vor.u32 $0x3F800000, v24  }
0x1b3: {  	v30 =	vld [tilespmem:s4+$0x2D80];
	v20 =	vmul.f32 v20, v7;
	v18 =	vshra.s32 v18, $0x17;
	_ =	swait.ge [sflag:s24], $0xE00;
	v24 =	vadd.f32 $-1.000000000e+00, v24  }
0x1b4: {  	[sflag:s24] =	ssyncset.done $0x0;
	v18 =	vadd.s32 $0xFFFFFF81, v18;
	v19 =	vadd.f32 v22, v19;
	v22 =	vmul.f32 v26, v9  }
0x1b5: {  	v20 =	vadd.f32 v20, v21;
	[sflag:s24] =	ssyncadd.s32 $0xFFFFF200;
	v18 =	vcvt.s32.f32 v18;
	v59 =	vmul.f32 v24, v24  }
0x1b6: {  	v26 =	vand.u32 $0x7FFFFF, v19;
	v60 =	vmul.f32 $9.999702570e-01, v24;
	v61 =	vmul.f32 $3.275117280e-01, v24  }
0x1b7: {  	_ =	swait.ge [sflag:s24], $0xE00;
	v62 =	vmul.f32 $1.319896580e-01, v24;
	v24 =	vmul.f32 $1.024382840e-02, v24;
	v26 =	vor.u32 $0x3F800000, v26  }
0x1b8: {  	v30 =	vmul.f32 v30, v11;
	[sflag:s24] =	ssyncset.done $0x0;
	v18 =	vmul.f32 $6.931471820e-01, v18;
	v26 =	vadd.f32 $-1.000000000e+00, v26  }
0x1b9: {  	v8 =	vsel vm7, v8, v11;
	[sflag:s24] =	ssyncadd.s32 $0xFFFFF200;
	v33 =	vadd.f32 $2.215976450e-07, v60;
	v24 =	vadd.f32 $-5.326747890e-02, v24  }
0x1ba: {  	v23 =	vadd.f32 v30, v23;
	_ =	swait.ge [sflag:s24], $0x380;
	v63 =	vmul.f32 $9.999702570e-01, v26;
	v37 =	vmul.f32 $1.024382840e-02, v26  }
0x1bb: {  	s3 =	simm.s32 $0x0;
	v34 =	vadd.f32 $-4.993339480e-01, v61;
	[sflag:s24] =	ssyncset.done $0x0;
	v38 =	vmul.f32 $3.275117280e-01, v26;
	v39 =	vmul.f32 v26, v26  }
0x1bc: {  	s10 =	simm.s32 $0x5E80;
	s13 =	sand.u32 $0x60, s3;
	v35 =	vadd.f32 $-2.239668970e-01, v62;
	v26 =	vmul.f32 $1.319896580e-01, v26;
	v24 =	vmul.f32 v24, v59;
	[sflag:s24] =	ssyncadd.s32 $0xFFFFFC80  }
0x1bd: {  	v19 =	vshra.s32 v19, $0x17;
	v40 =	vmul.f32 v59, v59;
	[tilespmem:s10], [sflag:$0x4] =	stream.linear.gather [hbm4b:s15+s3], $0xA00, $0x38;
	v37 =	vadd.f32 $-5.326747890e-02, v37;
	[tilespmem:$0x7A00] =	vst v63  }
0x1be: {  	s11 =	simm.s32 $0x6880;
	s25 =	sand.u32 $0xE00, s3;
	s9 =	sor.u32 $0x10, s13;
	v32 =	vmul.f32 v34, v59;
	v38 =	vadd.f32 $-4.993339480e-01, v38;
	v24 =	vadd.f32 v24, v35  }
0x1bf: {  	v19 =	vadd.s32 $0xFFFFFF81, v19;
	v26 =	vadd.f32 $-2.239668970e-01, v26;
	[tilespmem:s11], [sflag:$0x4] =	stream.linear.gather [hbm4b:s16+s3], $0xA00, $0x38;
	v37 =	vmul.f32 v37, v39;
	[tilespmem:$0x7A00] =	vst v63  }
0x1c0: {  	s12 =	simm.s32 $0x7280;
	s8 =	sor.u32 s25, s9;
	v41 =	vmul.f32 v39, v39;
	v32 =	vadd.f32 v32, v33;
	v24 =	vmul.f32 v24, v40  }
0x1c1: {  	v42 =	vadd.f32 $2.215976450e-07, v63;
	v43 =	vmul.f32 v38, v39;
	[tilespmem:s12], [sflag:$0x4] =	stream.linear.gather [hbm4b:s17+s3], $0x280, $0x38;
	v26 =	vadd.f32 v37, v26;
	[tilespmem:$0x7A00] =	vst v63  }
0x1c2: {  	v11 =	vadd.f32 v23, v25;
	v19 =	vcvt.s32.f32 v19;
	v21 =	vadd.f32 v24, v32;
	v23 =	vld [tilespmem:s8+$0x3F00]  }
0x1c3: {  	v44 =	vadd.f32 v43, v42;
	v24 =	vmul.f32 v29, v10;
	v29 =	vld [tilespmem:s8+$0x3F80];
	v26 =	vmul.f32 v26, v41  }
0x1c4: {  	v28 =	vsel vm5, $0x3F800000, v3;
	v5 =	vsel vm6, v5, v8;
	v48 =	vld [tilespmem:s8+$0x4D00];
	v18 =	vadd.f32 v21, v18  }
0x1c5: {  	s6 =	sand.u32 $0x3, s3;
	s5 =	sor.u32 s13, s25;
	v19 =	vmul.f32 $6.931471820e-01, v19;
	v49 =	vld [tilespmem:s8+$0x4D80];
	v21 =	vadd.f32 v24, v22;
	v26 =	vadd.f32 v26, v44  }
0x1c6: {  	vm5 =	veq.s32 v31, $0x0;
	s6 =	sshll.u32 s6, $0x5;
	v4 =	vsel vm4, v4, v5;
	v18 =	vadd.f32 v18, v12;
	v12 =	vld [tilespmem:s5+$0x3F80]  }
0x1c7: {  	s6 =	sadd.s32 $0x0, s6;
	v9 =	vsel vm10, v9, v10;
	v8 =	vadd.f32 v21, v20;
	v21 =	vld [tilespmem:s5+$0x4D80];
	v19 =	vadd.f32 v26, v19  }
0x1c8: {  	s7 =	sor.u32 $0x180, s6;
	v27 =	vsub.f32 $1.000000000e+00, v28;
	v7 =	vsel vm9, v7, v9;
	v20 =	vld [tilespmem:s5+$0x4000];
	v5 =	vsub.f32 v18, v11  }
0x1c9: {  	v6 =	vsel vm5, v6, v7;
	v4 =	vsub.f32 v18, v4;
	v26 =	vld [tilespmem:s7+$0x3F00];
	v13 =	vadd.f32 v19, v13  }
0x1ca: {  	s26 =	sadd.s32 $0x10, s6;
	v22 =	vld [tilespmem:s5+$0x3F00];
	v54 =	vmul.f32 v48, v23;
	v32 =	vmul.f32 v49, v29;
	v19 =	vsel vm8, $0x3F800000, v3  }
0x1cb: {  	s6 =	sor.u32 $0x180, s26;
	v9 =	vmul.f32 v5, v28;
	v4 =	vmul.f32 v4, v28;
	v8 =	vsub.f32 v13, v8  }
0x1cc: {  	v30 =	vld [tilespmem:s6+$0x3F00];
	v10 =	vsub.f32 $1.000000000e+00, v19;
	v21 =	vmul.f32 v21, v12;
	v6 =	vsub.f32 v13, v6  }
0x1cd: {  	v5 =	vsub.f32 v5, v9;
	v13 =	vld [tilespmem:s8+$0x4000];
	v4 =	vadd.f32 v4, v17;
	v7 =	vmul.f32 v8, v19  }
0x1ce: {  	v9 =	vadd.f32 v28, v16;
	v17 =	vadd.f32 v27, v14;
	v11 =	vmax.f32 v20, v26  }
0x1cf: {  	v6 =	vmul.f32 v6, v19;
	v7 =	vsub.f32 v8, v7;
	v8 =	vmax.f32 v22, v12  }
0x1d0: {  	v16 =	vadd.f32 v5, v15;
	v17 =	vadd.f32 v10, v17;
	v24 =	vmax.f32 v8, v11  }
0x1d1: {  	v14 =	vadd.f32 v6, v4;
	v4 =	vmax.f32 v23, v29;
	v5 =	vsub.f32 v22, v24  }
0x1d2: {  	s4 =	simm.s32 $0x0;
	v8 =	vmax.f32 v13, v30;
	v6 =	vsub.f32 v12, v24;
	v15 =	vsub.f32 v20, v24  }
0x1d3: {  	s10 =	simm.s32 $0x80;
	v11 =	vld [tilespmem:s4+$0x5B00];
	v25 =	vmax.f32 v4, v8;
	v8 =	vsub.f32 v26, v24;
	v5 =	vmul.f32 $1.442695020e+00, v5  }
0x1d4: {  	s25 =	simm.s32 $0x20;
	s10 =	sand.u32 $0xE00, s10;
	s3 =	sand.u32 $0x380, s3;
	v18 =	vld [tilespmem:s5+$0x4D00];
	v16 =	vadd.f32 v7, v16;
	v28 =	vsub.f32 v23, v25;
	v6 =	vmul.f32 $1.442695020e+00, v6  }
0x1d5: {  	s11 =	sand.u32 $0x60, s25;
	s3 =	sor.u32 s9, s3;
	v27 =	vld [tilespmem:s5+$0x4E00];
	s5 =	simm.s32 $0x1;
	v31 =	vsub.f32 v29, v25;
	v15 =	vmul.f32 $1.442695020e+00, v15;
	(erf) = vpow2.f32 v5  }
0x1d6: {  	s0 =	sor.u32 s11, s10;
	s26 =	sor.u32 $0x10, s11;
	v46 =	vld [tilespmem:s3+$0x5B00];
	s12 =	sand.u32 $0x3, s5;
	v47 =	vsub.f32 v30, v25;
	v45 =	vmul.f32 $1.442695020e+00, v8;
	(erf) = vpow2.f32 v6  }
0x1d7: {  	s3 =	sshll.u32 s12, $0x5;
	s4 =	sor.u32 s10, s26;
	v4 =	vld [tilespmem:s0+$0x3F00];
	v28 =	vmul.f32 $1.442695020e+00, v28;
	v6 =	vsub.f32 v13, v25;
	(erf) = vpow2.f32 v15  }
0x1d8: {  	s3 =	sadd.s32 $0x80, s3;
	v7 =	vld [tilespmem:s4+$0x3F80];
	v31 =	vmul.f32 $1.442695020e+00, v31;
	vm4 =	veq.s32 v11, $0x0;
	(erf) = vpow2.f32 v45  }
0x1d9: {  	s29 =	sor.u32 $0x180, s3;
	s3 =	sadd.s32 $0x10, s3;
	v10 =	vld [tilespmem:s4+$0x4000];
	v15 =	vadd.f32 v19, v9;
	v9 =	vmul.f32 $1.442695020e+00, v6;
	(erf) = vpow2.f32 v28  }
0x1da: {  	s3 =	sor.u32 $0x180, s3;
	v5 =	vld [tilespmem:s0+$0x3F80];
	vm6 =	veq.s32 v11, $0x1;
	v19 =	vmul.f32 $1.442695020e+00, v47;
	(erf) = vpow2.f32 v31  }
0x1db: {  	vm5 =	vgt.s32 v11, $0x0;
	vm12 =	veq.s32 v11, $0x2;
	v11 =	vld [tilespmem:s3+$0x3F00];
	(erf) = vpow2.f32 v9  }
0x1dc: {  	v50 =	vmul.f32 v18, v22;
	v6 =	vld [tilespmem:s4+$0x3F00];
	(erf) = vpow2.f32 v19  }
0x1dd: {  	vm13 =	vgt.s32 v46, $0x0;
	vm14 =	veq.s32 v46, $0x1;
	v28 =	vld [tilespmem:s8+$0x4E00]  }
0x1de: {  	vm15 =	veq.s32 v46, $0x2;
	v32 =	vadd.f32 v32, v54;
	v34 =	vadd.f32 v21, v50;
	v31 =	vld [tilespmem:s7+$0x4D00];
	v51 =	vpop (erf)  }
0x1df: {  	v57 =	vld [tilespmem:s6+$0x4D00];
	v21 =	vsel vm13, $0x3F800000, v3;
	v27 =	vmul.f32 v27, v20;
	v18 =	vsel vm5, $0x3F800000, v3;
	v53 =	vpop (erf)  }
0x1e0: {  	v8 =	vld [tilespmem:s0+$0x4000];
	vm5 =	veq.s32 v46, $0x0;
	v42 =	vsel vm12, v20, v26;
	v20 =	vsub.f32 $1.000000000e+00, v21;
	v55 =	vpop (erf)  }
0x1e1: {  	v52 =	vmax.f32 v4, v5;
	v61 =	vmax.f32 v10, v11;
	v9 =	vld [tilespmem:s29+$0x3F00];
	v19 =	vsub.f32 $1.000000000e+00, v18;
	v41 =	vpop (erf)  }
0x1e2: {  	v56 =	vmax.f32 v6, v7;
	v28 =	vmul.f32 v28, v13;
	v13 =	vsel vm15, v13, v30;
	v43 =	vpop (erf)  }
0x1e3: {  	v26 =	vmul.f32 v31, v26;
	v36 =	vadd.f32 v53, v51;
	v35 =	vadd.f32 v41, v55;
	v31 =	vpop (erf)  }
0x1e4: {  	v30 =	vmul.f32 v57, v30;
	v29 =	vsel vm14, v29, v13;
	v13 =	vmax.f32 v56, v61;
	v58 =	vpop (erf)  }
0x1e5: {  	v63 =	vadd.f32 v26, v27;
	v41 =	vsel vm6, v12, v42;
	v59 =	vadd.f32 v35, v36;
	v12 =	vpop (erf)  }
0x1e6: {  	v44 =	vmax.f32 v8, v9;
	v31 =	vadd.f32 v31, v43;
	v60 =	vadd.f32 v12, v58  }
0x1e7: {  	v30 =	vadd.f32 v30, v28;
	v28 =	vsub.f32 v7, v13;
	v62 =	vand.u32 $0x7FFFFF, v59  }
0x1e8: {  	v34 =	vadd.f32 v63, v34;
	v27 =	vor.u32 $0x3F800000, v62;
	v26 =	vadd.f32 v60, v31  }
0x1e9: {  	v63 =	vadd.f32 v30, v32;
	v33 =	vshra.s32 v59, $0x17;
	v27 =	vadd.f32 $-1.000000000e+00, v27  }
0x1ea: {  	v12 =	vmax.f32 v52, v44;
	v33 =	vadd.s32 $0xFFFFFF81, v33;
	v51 =	vand.u32 $0x7FFFFF, v26  }
0x1eb: {  	v53 =	vmul.f32 v27, v27;
	v54 =	vmul.f32 $9.999702570e-01, v27;
	v36 =	vor.u32 $0x3F800000, v51  }
0x1ec: {  	v55 =	vmul.f32 $3.275117280e-01, v27;
	v26 =	vshra.s32 v26, $0x17;
	v36 =	vadd.f32 $-1.000000000e+00, v36  }
0x1ed: {  	v56 =	vmul.f32 $1.319896580e-01, v27;
	v27 =	vmul.f32 $1.024382840e-02, v27;
	v26 =	vadd.s32 $0xFFFFFF81, v26  }
0x1ee: {  	v40 =	vadd.f32 $2.215976450e-07, v54;
	v42 =	vadd.f32 $-4.993339480e-01, v55;
	v46 =	vmul.f32 $1.024382840e-02, v36  }
0x1ef: {  	v27 =	vadd.f32 $-5.326747890e-02, v27;
	v57 =	vmul.f32 $9.999702570e-01, v36;
	v45 =	vmul.f32 v36, v36  }
0x1f0: {  	v47 =	vmul.f32 $3.275117280e-01, v36;
	v36 =	vmul.f32 $1.319896580e-01, v36;
	v46 =	vadd.f32 $-5.326747890e-02, v46  }
0x1f1: {  	v48 =	vmul.f32 v53, v53;
	v43 =	vadd.f32 $-2.239668970e-01, v56;
	v27 =	vmul.f32 v27, v53  }
0x1f2: {  	v47 =	vadd.f32 $-4.993339480e-01, v47;
	v36 =	vadd.f32 $-2.239668970e-01, v36;
	v46 =	vmul.f32 v46, v45  }
0x1f3: {  	v39 =	vmul.f32 v42, v53;
	v58 =	vmul.f32 v45, v45;
	v44 =	vadd.f32 $2.215976450e-07, v57  }
0x1f4: {  	v27 =	vadd.f32 v27, v43;
	v59 =	vmul.f32 v47, v45;
	v36 =	vadd.f32 v46, v36  }
0x1f5: {  	v33 =	vcvt.s32.f32 v33;
	v26 =	vcvt.s32.f32 v26;
	v39 =	vadd.f32 v39, v40  }
0x1f6: {  	v27 =	vmul.f32 v27, v48;
	v60 =	vadd.f32 v59, v44;
	v36 =	vmul.f32 v36, v58  }
0x1f7: {  	v35 =	vsub.f32 v5, v12;
	v52 =	vsub.f32 v8, v12;
	v33 =	vmul.f32 $6.931471820e-01, v33  }
0x1f8: {  	v26 =	vmul.f32 $6.931471820e-01, v26;
	v39 =	vadd.f32 v27, v39;
	v36 =	vadd.f32 v36, v60  }
0x1f9: {  	v61 =	vsub.f32 v9, v12;
	v31 =	vsub.f32 v4, v12  }
0x1fa: {  	v27 =	vsel vm4, v22, v41;
	v22 =	vadd.f32 v39, v33;
	v36 =	vadd.f32 v36, v26  }
0x1fb: {  	v62 =	vsub.f32 v6, v13;
	v32 =	vmul.f32 $1.442695020e+00, v52;
	v31 =	vmul.f32 $1.442695020e+00, v31  }
0x1fc: {  	s13 =	simm.s32 $0x20;
	v33 =	vmul.f32 $1.442695020e+00, v35;
	v22 =	vadd.f32 v22, v24;
	v30 =	vadd.f32 v36, v25  }
0x1fd: {  	v24 =	vld [tilespmem:s13+$0x5B00];
	v26 =	vsel vm5, v23, v29;
	v29 =	vmul.f32 $1.442695020e+00, v61;
	v36 =	vsub.f32 v10, v13  }
0x1fe: {  	s6 =	simm.s32 $0x2;
	s8 =	simm.s32 $0x40;
	s7 =	simm.s32 $0x100;
	v23 =	vmul.f32 $1.442695020e+00, v62;
	v35 =	vsub.f32 v22, v34;
	v25 =	vld [tilespmem:s0+$0x4D00];
	v34 =	vsub.f32 v30, v63  }
.LBB2_8:
0x1ff: {  	s9 =	sand.u32 $0x60, s8;
	s10 =	sand.u32 $0xE00, s7;
	v37 =	vld [tilespmem:s0+$0x4D80];
	v28 =	vmul.f32 $1.442695020e+00, v28;
	v36 =	vmul.f32 $1.442695020e+00, v36;
	v27 =	vsub.f32 v22, v27  }
0x200: {  	v39 =	vsub.f32 v11, v13;
	v38 =	vld [tilespmem:s0+$0x4E00];
	s0 =	sor.u32 s9, s10;
	v40 =	vmul.f32 v35, v18;
	v41 =	vmul.f32 v34, v21  }
0x201: {  	v26 =	vsub.f32 v30, v26;
	v22 =	vld [tilespmem:s0+$0x3F00];
	(erf) = vpow2.f32 v31;
	v27 =	vmul.f32 v27, v18  }
0x202: {  	s11 =	sand.u32 $0x380, s25;
	s25 =	smov.u32 s8;
	v30 =	vld [tilespmem:s0+$0x3F80];
	(erf) = vpow2.f32 v33;
	v31 =	vsub.f32 v35, v40;
	v33 =	vsub.f32 v34, v41  }
0x203: {  	v15 =	vadd.f32 v18, v15;
	s11 =	sor.u32 s26, s11;
	v18 =	vmul.f32 v26, v21;
	v34 =	vld [tilespmem:s0+$0x4000];
	v14 =	vadd.f32 v27, v14  }
0x204: {  	v17 =	vadd.f32 v19, v17;
	v26 =	vld [tilespmem:s11+$0x5B00];
	(erf) = vpow2.f32 v32;
	v16 =	vadd.f32 v31, v16  }
0x205: {  	v15 =	vadd.f32 v21, v15;
	v27 =	vld [tilespmem:s4+$0x4D00];
	(erf) = vpow2.f32 v29;
	v14 =	vadd.f32 v18, v14  }
0x206: {  	s5 =	sadd.s32 $0x1, s5;
	s26 =	sor.u32 $0x10, s9;
	v17 =	vadd.f32 v20, v17;
	v21 =	vld [tilespmem:s4+$0x4D80];
	(erf) = vpow2.f32 v23;
	v16 =	vadd.f32 v33, v16  }
0x207: {  	s9 =	sand.u32 $0x3, s5;
	v18 =	vmul.f32 $1.442695020e+00, v39;
	v20 =	vld [tilespmem:s4+$0x4E00];
	s4 =	sor.u32 s10, s26;
	(erf) = vpow2.f32 v28  }
0x208: {  	s9 =	sshll.u32 s9, $0x5;
	vm4 =	veq.s32 v24, $0x0;
	v23 =	vld [tilespmem:s4+$0x3F00];
	(erf) = vpow2.f32 v36  }
0x209: {  	s9 =	sadd.s32 s9, s7;
	vm6 =	veq.s32 v24, $0x1;
	vm5 =	vgt.s32 v24, $0x0;
	v28 =	vld [tilespmem:s4+$0x3F80];
	(erf) = vpow2.f32 v18  }
0x20a: {  	vm8 =	veq.s32 v24, $0x2;
	v24 =	vmul.f32 v25, v4;
	v18 =	vsel vm5, $0x3F800000, v3;
	v29 =	vld [tilespmem:s29+$0x4D00];
	s29 =	sor.u32 $0x180, s9;
	v25 =	vpop (erf)  }
0x20b: {  	v35 =	vmul.f32 v38, v8;
	v33 =	vmul.f32 v37, v5;
	v32 =	vmax.f32 v22, v30;
	v31 =	vld [tilespmem:s29+$0x3F00];
	v36 =	vpop (erf)  }
0x20c: {  	vm5 =	veq.s32 v26, $0x0;
	vm9 =	vgt.s32 v26, $0x0;
	v19 =	vsub.f32 $1.000000000e+00, v18  }
0x20d: {  	vm7 =	veq.s32 v26, $0x1;
	vm10 =	veq.s32 v26, $0x2;
	s9 =	sadd.s32 $0x10, s9;
	v26 =	vmul.f32 v27, v6;
	v37 =	vld [tilespmem:s4+$0x4000];
	v27 =	vpop (erf)  }
0x20e: {  	v40 =	vmul.f32 v21, v7;
	v41 =	vmul.f32 v20, v10;
	v38 =	vmax.f32 v23, v28;
	v39 =	vld [tilespmem:s3+$0x4D00];
	s3 =	sor.u32 $0x180, s9;
	v42 =	vpop (erf)  }
0x20f: {  	v8 =	vsel vm8, v8, v9;
	v24 =	vadd.f32 v33, v24;
	v21 =	vsel vm9, $0x3F800000, v3;
	v43 =	vld [tilespmem:s3+$0x3F00];
	v33 =	vpop (erf)  }
0x210: {  	v20 =	vsub.f32 $1.000000000e+00, v21;
	v9 =	vmul.f32 v29, v9;
	v44 =	vmax.f32 v34, v31;
	v29 =	vpop (erf)  }
0x211: {  	v25 =	vadd.f32 v36, v25;
	v10 =	vsel vm10, v10, v11;
	v27 =	vadd.f32 v42, v27;
	v36 =	vpop (erf)  }
0x212: {  	v42 =	vsel vm6, v5, v8;
	v29 =	vadd.f32 v29, v33;
	v33 =	vadd.f32 v40, v26;
	v5 =	vpop (erf)  }
0x213: {  	v25 =	vadd.f32 v27, v25;
	v26 =	vadd.f32 v5, v36;
	v27 =	vmul.f32 v39, v11;
	v5 =	vmovc v30  }
0x214: {  	v8 =	vmovc v34;
	v32 =	vmax.f32 v32, v44;
	v30 =	vsel vm7, v7, v10;
	v39 =	vmax.f32 v37, v43  }
0x215: {  	v34 =	vadd.f32 v9, v35;
	v36 =	vand.u32 $0x7FFFFF, v25;
	v7 =	vmovc v28;
	v9 =	vmovc v31;
	v26 =	vadd.f32 v26, v29  }
0x216: {  	v10 =	vmovc v37;
	v28 =	vor.u32 $0x3F800000, v36;
	v11 =	vmovc v43;
	v29 =	vsub.f32 v22, v32;
	v35 =	vmax.f32 v38, v39  }
0x217: {  	v36 =	vsub.f32 v5, v32;
	v28 =	vadd.f32 $-1.000000000e+00, v28;
	v31 =	vand.u32 $0x7FFFFF, v26  }
0x218: {  	v25 =	vshra.s32 v25, $0x17;
	v37 =	vsub.f32 v8, v32;
	v31 =	vor.u32 $0x3F800000, v31  }
0x219: {  	v38 =	vmul.f32 v28, v28;
	v39 =	vmul.f32 $9.999702570e-01, v28;
	v31 =	vadd.f32 $-1.000000000e+00, v31  }
0x21a: {  	v40 =	vmul.f32 $3.275117280e-01, v28;
	v43 =	vmul.f32 $1.319896580e-01, v28;
	v26 =	vshra.s32 v26, $0x17  }
0x21b: {  	v25 =	vadd.s32 $0xFFFFFF81, v25;
	v28 =	vmul.f32 $1.024382840e-02, v28;
	v44 =	vmul.f32 $9.999702570e-01, v31  }
0x21c: {  	v26 =	vadd.s32 $0xFFFFFF81, v26;
	v45 =	vmul.f32 v31, v31;
	v46 =	vmul.f32 $1.024382840e-02, v31  }
0x21d: {  	v39 =	vadd.f32 $2.215976450e-07, v39;
	v40 =	vadd.f32 $-4.993339480e-01, v40;
	v47 =	vmul.f32 $3.275117280e-01, v31  }
0x21e: {  	v28 =	vadd.f32 $-5.326747890e-02, v28;
	v31 =	vmul.f32 $1.319896580e-01, v31;
	v46 =	vadd.f32 $-5.326747890e-02, v46  }
0x21f: {  	v48 =	vmul.f32 v38, v38;
	v43 =	vadd.f32 $-2.239668970e-01, v43;
	v47 =	vadd.f32 $-4.993339480e-01, v47  }
0x220: {  	v28 =	vmul.f32 v28, v38;
	v31 =	vadd.f32 $-2.239668970e-01, v31;
	v46 =	vmul.f32 v46, v45  }
0x221: {  	v38 =	vmul.f32 v40, v38;
	v40 =	vmul.f32 v45, v45;
	v44 =	vadd.f32 $2.215976450e-07, v44  }
0x222: {  	v28 =	vadd.f32 v28, v43;
	v43 =	vmul.f32 v47, v45;
	v31 =	vadd.f32 v46, v31  }
0x223: {  	v25 =	vcvt.s32.f32 v25;
	v26 =	vcvt.s32.f32 v26;
	v38 =	vadd.f32 v38, v39  }
0x224: {  	v28 =	vmul.f32 v28, v48;
	v39 =	vadd.f32 v43, v44;
	v31 =	vmul.f32 v31, v40  }
0x225: {  	v41 =	vadd.f32 v27, v41;
	v25 =	vmul.f32 $6.931471820e-01, v25;
	v40 =	vsub.f32 v9, v32  }
0x226: {  	s6 =	sadd.s32 $0x2, s6;
	v26 =	vmul.f32 $6.931471820e-01, v26;
	v38 =	vadd.f32 v28, v38;
	v31 =	vadd.f32 v31, v39  }
0x227: {  	p0 =	slt.u32 s6, $0x36;
	v27 =	vsel vm4, v4, v42;
	v4 =	vmovc v22;
	v28 =	vsub.f32 v7, v35;
	v39 =	vsub.f32 v23, v35  }
.Ltmp3:
0x228: {  	v22 =	vadd.f32 v38, v25;
	v25 =	vadd.f32 v31, v26;
	v26 =	vsel vm5, v6, v30;
	v6 =	vmovc v23;
	(pc) =	sbr.rel @p0 .LBB2_8-.Ltmp3, $4  }
0x229: {  	v34 =	vadd.f32 v34, v24;
	v38 =	vadd.f32 v41, v33;
	v31 =	vmul.f32 $1.442695020e+00, v29  }
0x22a: {  	s9 =	sshra.s32 s7, $0x2;
	v33 =	vmul.f32 $1.442695020e+00, v36;
	v22 =	vadd.f32 v22, v12;
	v12 =	vmovc v32;
	v30 =	vadd.f32 v25, v13;
	v13 =	vmovc v35  }
0x22b: {  	v32 =	vmul.f32 $1.442695020e+00, v37;
	v29 =	vmul.f32 $1.442695020e+00, v40;
	v36 =	vsub.f32 v10, v13;
	v24 =	vld [tilespmem:s9+$0x5B00]  }
0x22c: {  	s8 =	sadd.s32 $0x20, s8;
	s7 =	sadd.s32 $0x80, s7;
	v23 =	vmul.f32 $1.442695020e+00, v39;
	v35 =	vsub.f32 v22, v34;
	v34 =	vsub.f32 v30, v38;
	v25 =	vld [tilespmem:s0+$0x4D00]  }
0x22d: {  	(erf) = vpow2.f32 v31  }
0x22e: {  	v28 =	vmul.f32 $1.442695020e+00, v28;
	v22 =	vsub.f32 v22, v27;
	(erf) = vpow2.f32 v33  }
0x22f: {  	v27 =	vmul.f32 v35, v18;
	(erf) = vpow2.f32 v32  }
0x230: {  	v31 =	vsub.f32 v11, v13;
	v22 =	vmul.f32 v22, v18;
	(erf) = vpow2.f32 v29  }
0x231: {  	v26 =	vsub.f32 v30, v26;
	v29 =	vmul.f32 $1.442695020e+00, v36;
	(erf) = vpow2.f32 v23  }
0x232: {  	v27 =	vsub.f32 v35, v27;
	v23 =	vmul.f32 $1.442695020e+00, v31;
	(erf) = vpow2.f32 v28  }
0x233: {  	vm4 =	veq.s32 v24, $0x0;
	vm5 =	veq.s32 v24, $0x1;
	(erf) = vpow2.f32 v29  }
0x234: {  	v30 =	vld [tilespmem:s0+$0x4E00];
	vm7 =	vgt.s32 v24, $0x0;
	vm6 =	veq.s32 v24, $0x2;
	(erf) = vpow2.f32 v23  }
0x235: {  	s13 =	sand.u32 $0x380, s25;
	v14 =	vadd.f32 v22, v14;
	v22 =	vmul.f32 v26, v21;
	v24 =	vmul.f32 v25, v4;
	v25 =	vld [tilespmem:s29+$0x4D00]  }
0x236: {  	v15 =	vadd.f32 v18, v15;
	v29 =	vld [tilespmem:s0+$0x4D80];
	s0 =	sor.u32 s26, s13;
	v23 =	vmul.f32 v34, v21;
	v28 =	vpop (erf)  }
0x237: {  	v19 =	vadd.f32 v19, v17;
	v38 =	vld [tilespmem:s0+$0x5B00];
	v26 =	vpop (erf)  }
0x238: {  	v16 =	vadd.f32 v27, v16;
	v23 =	vsub.f32 v34, v23;
	v27 =	vpop (erf)  }
0x239: {  	v18 =	vadd.f32 v21, v15;
	v17 =	vadd.f32 v22, v14;
	v22 =	vpop (erf)  }
0x23a: {  	v14 =	vadd.f32 v23, v16;
	v16 =	vadd.f32 v20, v19;
	v15 =	vpop (erf)  }
0x23b: {  	v21 =	vld [tilespmem:s4+$0x4D80];
	v23 =	vadd.f32 v26, v28;
	v22 =	vadd.f32 v22, v27;
	v19 =	vpop (erf)  }
0x23c: {  	v31 =	vld [tilespmem:s4+$0x4D00];
	v25 =	vmul.f32 v25, v9;
	vm15 =	veq.s32 v38, $0x0;
	v26 =	vpop (erf)  }
0x23d: {  	v20 =	vld [tilespmem:s4+$0x4E00];
	vm8 =	vgt.s32 v38, $0x0;
	v15 =	vadd.f32 v19, v15;
	v22 =	vadd.f32 v22, v23;
	v19 =	vpop (erf)  }
0x23e: {  	vm9 =	veq.s32 v38, $0x2;
	v23 =	vmul.f32 v29, v5;
	v19 =	vadd.f32 v19, v26  }
0x23f: {  	v26 =	vmul.f32 v30, v8;
	v30 =	vand.u32 $0x7FFFFF, v22;
	v22 =	vshra.s32 v22, $0x17  }
0x240: {  	v15 =	vadd.f32 v19, v15;
	v19 =	vmul.f32 v21, v7;
	v21 =	vor.u32 $0x3F800000, v30  }
0x241: {  	v29 =	vmul.f32 v31, v6;
	v22 =	vadd.s32 $0xFFFFFF81, v22;
	v21 =	vadd.f32 $-1.000000000e+00, v21  }
0x242: {  	v20 =	vmul.f32 v20, v10;
	v23 =	vadd.f32 v23, v24;
	v22 =	vcvt.s32.f32 v22  }
0x243: {  	v24 =	vand.u32 $0x7FFFFF, v15;
	v15 =	vshra.s32 v15, $0x17;
	v30 =	vmul.f32 v21, v21  }
0x244: {  	v24 =	vor.u32 $0x3F800000, v24;
	v31 =	vmul.f32 $9.999702570e-01, v21;
	v42 =	vmul.f32 $3.275117280e-01, v21  }
0x245: {  	v43 =	vmul.f32 $1.319896580e-01, v21;
	v21 =	vmul.f32 $1.024382840e-02, v21;
	v24 =	vadd.f32 $-1.000000000e+00, v24  }
0x246: {  	v15 =	vadd.s32 $0xFFFFFF81, v15;
	v31 =	vadd.f32 $2.215976450e-07, v31;
	v32 =	vadd.f32 $-4.993339480e-01, v42  }
0x247: {  	v21 =	vadd.f32 $-5.326747890e-02, v21;
	v44 =	vmul.f32 $9.999702570e-01, v24;
	v46 =	vmul.f32 $1.024382840e-02, v24  }
0x248: {  	v33 =	vadd.f32 $-2.239668970e-01, v43;
	v45 =	vmul.f32 v24, v24;
	v37 =	vmul.f32 $3.275117280e-01, v24  }
0x249: {  	v40 =	vld [tilespmem:s3+$0x4D00];
	_ =	swait.ge [sflag:s30], $0xA00;
	v24 =	vmul.f32 $1.319896580e-01, v24;
	v21 =	vmul.f32 v21, v30;
	v36 =	vadd.f32 $-5.326747890e-02, v46  }
0x24a: {  	[sflag:s30] =	ssyncset.done $0x0;
	v39 =	vmul.f32 v30, v30;
	v30 =	vmul.f32 v32, v30;
	v37 =	vadd.f32 $-4.993339480e-01, v37  }
0x24b: {  	[sflag:s30] =	ssyncadd.s32 $0xFFFFF600;
	v24 =	vadd.f32 $-2.239668970e-01, v24;
	v21 =	vadd.f32 v21, v33;
	v36 =	vmul.f32 v36, v45  }
0x24c: {  	_ =	swait.ge [sflag:s30], $0xA00;
	v47 =	vmul.f32 v45, v45;
	v34 =	vadd.f32 $2.215976450e-07, v44;
	v30 =	vadd.f32 v30, v31  }
0x24d: {  	[sflag:s30] =	ssyncset.done $0x0;
	v48 =	vmul.f32 v37, v45;
	v21 =	vmul.f32 v21, v39;
	v24 =	vadd.f32 v36, v24  }
0x24e: {  	vm11 =	veq.s32 v38, $0x1;
	v22 =	vmul.f32 $6.931471820e-01, v22;
	[sflag:s30] =	ssyncadd.s32 $0xFFFFF600;
	v15 =	vcvt.s32.f32 v15  }
0x24f: {  	s5 =	simm.s32 $0x0;
	_ =	swait.ge [sflag:s30], $0x280;
	v31 =	vadd.f32 v48, v34;
	v21 =	vadd.f32 v21, v30;
	v24 =	vmul.f32 v24, v47  }
0x250: {  	s25 =	sand.u32 $0x60, s5;
	s26 =	sand.u32 $0x600, s5;
	v25 =	vadd.f32 v25, v26;
	v19 =	vadd.f32 v19, v29;
	v29 =	vmul.f32 v40, v11;
	[sflag:s30] =	ssyncset.done $0x0  }
0x251: {  	s4 =	sor.u32 s25, s26;
	v15 =	vmul.f32 $6.931471820e-01, v15;
	[sflag:s30] =	ssyncadd.s32 $0xFFFFFD80;
	v21 =	vadd.f32 v21, v22;
	v24 =	vadd.f32 v24, v31  }
0x252: {  	s7 =	sor.u32 $0x10, s25;
	v8 =	vsel vm6, v8, v9;
	v20 =	vadd.f32 v29, v20;
	v9 =	vld [tilespmem:s4+$0x5E80];
	v22 =	vadd.f32 v25, v23  }
0x253: {  	s3 =	sor.u32 s26, s7;
	v5 =	vsel vm5, v5, v8;
	v8 =	vld [tilespmem:s4+$0x5F00];
	v12 =	vadd.f32 v21, v12;
	v15 =	vadd.f32 v24, v15  }
0x254: {  	s6 =	sor.u32 s5, s5;
	v10 =	vsel vm9, v10, v11;
	v4 =	vsel vm4, v4, v5;
	v19 =	vadd.f32 v20, v19;
	v26 =	vld [tilespmem:s3+$0x5F80]  }
0x255: {  	s8 =	sor.u32 $0x180, s6;
	v7 =	vsel vm11, v7, v10;
	v29 =	vld [tilespmem:s4+$0x6900];
	v5 =	vsub.f32 v12, v22;
	v13 =	vadd.f32 v15, v13  }
0x256: {  	v27 =	vsel vm7, $0x3F800000, v3;
	v6 =	vsel vm15, v6, v7;
	v23 =	vld [tilespmem:s8+$0x5E80];
	v4 =	vsub.f32 v12, v4  }
0x257: {  	s12 =	sand.u32 $0x3, s5;
	v20 =	vsel vm8, $0x3F800000, v3;
	v7 =	vmul.f32 v5, v27;
	v11 =	vsub.f32 v13, v19;
	v19 =	vld [tilespmem:s4+$0x5F80]  }
0x258: {  	s0 =	sshll.u32 s12, $0x5;
	v28 =	vsub.f32 $1.000000000e+00, v27;
	v25 =	vsub.f32 $1.000000000e+00, v20;
	v21 =	vld [tilespmem:s3+$0x5E80];
	v4 =	vmul.f32 v4, v27  }
0x259: {  	s0 =	sadd.s32 $0x10, s0;
	v15 =	vld [tilespmem:s3+$0x5F00];
	v6 =	vsub.f32 v13, v6;
	v5 =	vsub.f32 v5, v7;
	v10 =	vmul.f32 v11, v20  }
0x25a: {  	s13 =	sor.u32 $0x180, s0;
	v4 =	vadd.f32 v4, v17;
	v17 =	vadd.f32 v28, v16;
	v28 =	vld [tilespmem:s4+$0x6880]  }
0x25b: {  	v29 =	vmul.f32 v29, v8;
	v7 =	vsub.f32 v11, v10;
	v10 =	vadd.f32 v27, v18;
	v27 =	vld [tilespmem:s13+$0x5E80]  }
0x25c: {  	v6 =	vmul.f32 v6, v20;
	v11 =	vmax.f32 v9, v8;
	v12 =	vmax.f32 v19, v23  }
0x25d: {  	v5 =	vadd.f32 v5, v14;
	v17 =	vadd.f32 v25, v17;
	v22 =	vmax.f32 v11, v12  }
0x25e: {  	v13 =	vadd.f32 v6, v4;
	v6 =	vmax.f32 v21, v15;
	v4 =	vsub.f32 v9, v22  }
0x25f: {  	v14 =	vadd.f32 v20, v10;
	v28 =	vmul.f32 v28, v9;
	v10 =	vsub.f32 v8, v22  }
0x260: {  	v11 =	vsub.f32 v19, v22;
	v12 =	vmax.f32 v26, v27;
	v16 =	vmul.f32 $1.442695020e+00, v4  }
0x261: {  	v30 =	vld [tilespmem:s8+$0x6880];
	v31 =	vsub.f32 v23, v22;
	v24 =	vmax.f32 v6, v12;
	v6 =	vmul.f32 $1.442695020e+00, v10  }
0x262: {  	s9 =	simm.s32 $0x80;
	s26 =	simm.s32 $0x0;
	s25 =	simm.s32 $0x20;
	v25 =	vld [tilespmem:s3+$0x6900];
	v12 =	vmul.f32 $1.442695020e+00, v11;
	v49 =	vsub.f32 v21, v24;
	(erf) = vpow2.f32 v16  }
0x263: {  	s11 =	sand.u32 $0x600, s9;
	s10 =	sand.u32 $0x60, s25;
	v18 =	vld [tilespmem:s26+$0x7280];
	v31 =	vmul.f32 $1.442695020e+00, v31;
	v16 =	vsub.f32 v15, v24;
	(erf) = vpow2.f32 v6  }
0x264: {  	s0 =	sor.u32 s10, s11;
	v20 =	vld [tilespmem:s4+$0x6980];
	v6 =	vsub.f32 v26, v24;
	(erf) = vpow2.f32 v12;
	v32 =	vmul.f32 $1.442695020e+00, v49  }
0x265: {  	v4 =	vld [tilespmem:s0+$0x5E80];
	v50 =	vsub.f32 v27, v24;
	v51 =	vmul.f32 $1.442695020e+00, v16;
	(erf) = vpow2.f32 v31  }
0x266: {  	s9 =	sor.u32 s25, s9;
	v10 =	vld [tilespmem:s0+$0x5F00];
	v16 =	vadd.f32 v7, v5;
	v5 =	vmul.f32 $1.442695020e+00, v6;
	(erf) = vpow2.f32 v32  }
0x267: {  	s5 =	sand.u32 $0x180, s5;
	s4 =	sor.u32 $0x180, s9;
	v11 =	vld [tilespmem:s0+$0x5F80];
	v6 =	vmul.f32 $1.442695020e+00, v50;
	(erf) = vpow2.f32 v51  }
0x268: {  	s5 =	sor.u32 s7, s5;
	v12 =	vld [tilespmem:s4+$0x5E80];
	(erf) = vpow2.f32 v5  }
0x269: {  	v25 =	vmul.f32 v25, v15;
	v28 =	vadd.f32 v29, v28;
	v31 =	vld [tilespmem:s5+$0x7280];
	(erf) = vpow2.f32 v6  }
0x26a: {  	vm12 =	veq.s32 v18, $0x0;
	vm4 =	vgt.s32 v18, $0x0;
	vm5 =	veq.s32 v18, $0x2;
	v7 =	vld [tilespmem:s3+$0x6880]  }
0x26b: {  	vm13 =	veq.s32 v18, $0x1;
	v18 =	vsel vm4, $0x3F800000, v3;
	v54 =	vsel vm5, v19, v23;
	v53 =	vpop (erf)  }
0x26c: {  	v52 =	vld [tilespmem:s3+$0x6980];
	v23 =	vmul.f32 v30, v23;
	v55 =	vmul.f32 v20, v19;
	v34 =	vsel vm13, v8, v54;
	v20 =	vpop (erf)  }
0x26d: {  	v19 =	vsub.f32 $1.000000000e+00, v18;
	v37 =	vsel vm12, v9, v34;
	v30 =	vmax.f32 v4, v10;
	v57 =	vpop (erf)  }
0x26e: {  	v59 =	vld [tilespmem:s13+$0x6880];
	v56 =	vmax.f32 v11, v12;
	vm4 =	veq.s32 v31, $0x0;
	vm5 =	veq.s32 v31, $0x1;
	v58 =	vpop (erf)  }
0x26f: {  	s29 =	sor.u32 $0x10, s10;
	vm14 =	vgt.s32 v31, $0x0;
	vm15 =	veq.s32 v31, $0x2;
	v31 =	vmul.f32 v7, v21;
	v41 =	vpop (erf)  }
0x270: {  	s26 =	sor.u32 s11, s29;
	v7 =	vmax.f32 v30, v56;
	v30 =	vadd.f32 v20, v53;
	v60 =	vadd.f32 v58, v57;
	v61 =	vpop (erf)  }
0x271: {  	v33 =	vadd.f32 v23, v55;
	v32 =	vmul.f32 v52, v26;
	v5 =	vld [tilespmem:s26+$0x5E80];
	v63 =	vsub.f32 v10, v7;
	v29 =	vpop (erf)  }
0x272: {  	v6 =	vld [tilespmem:s26+$0x5F00];
	v23 =	vsel vm15, v26, v27;
	v52 =	vsub.f32 v11, v7;
	v30 =	vadd.f32 v60, v30;
	v26 =	vpop (erf)  }
0x273: {  	v27 =	vmul.f32 v59, v27;
	v62 =	vadd.f32 v61, v41;
	v26 =	vadd.f32 v26, v29  }
0x274: {  	v25 =	vadd.f32 v25, v31;
	v20 =	vsel vm14, $0x3F800000, v3;
	v51 =	vand.u32 $0x7FFFFF, v30  }
0x275: {  	v53 =	vsub.f32 v12, v7;
	v36 =	vor.u32 $0x3F800000, v51;
	v26 =	vadd.f32 v26, v62  }
0x276: {  	v27 =	vadd.f32 v27, v32;
	v30 =	vshra.s32 v30, $0x17;
	v54 =	vadd.f32 $-1.000000000e+00, v36  }
0x277: {  	v40 =	vmax.f32 v5, v6;
	v30 =	vadd.s32 $0xFFFFFF81, v30;
	v56 =	vand.u32 $0x7FFFFF, v26  }
0x278: {  	v42 =	vmul.f32 $9.999702570e-01, v54;
	v26 =	vshra.s32 v26, $0x17;
	v41 =	vor.u32 $0x3F800000, v56  }
0x279: {  	s5 =	simm.s32 $0x1;
	v43 =	vmul.f32 v54, v54;
	v44 =	vmul.f32 $3.275117280e-01, v54;
	v41 =	vadd.f32 $-1.000000000e+00, v41  }
0x27a: {  	s11 =	sand.u32 $0x3, s5;
	v45 =	vmul.f32 $1.319896580e-01, v54;
	v34 =	vmul.f32 $1.024382840e-02, v54;
	v26 =	vadd.s32 $0xFFFFFF81, v26  }
0x27b: {  	s12 =	sshll.u32 s11, $0x5;
	v46 =	vmul.f32 v43, v43;
	v42 =	vadd.f32 $2.215976450e-07, v42;
	v47 =	vmul.f32 $1.024382840e-02, v41  }
0x27c: {  	s3 =	sadd.s32 $0x90, s12;
	v44 =	vadd.f32 $-4.993339480e-01, v44;
	v34 =	vadd.f32 $-5.326747890e-02, v34;
	v48 =	vmul.f32 v41, v41  }
0x27d: {  	v49 =	vmul.f32 $3.275117280e-01, v41;
	v50 =	vmul.f32 $1.319896580e-01, v41;
	v47 =	vadd.f32 $-5.326747890e-02, v47  }
0x27e: {  	v8 =	vld [tilespmem:s26+$0x5F80];
	s3 =	sor.u32 $0x180, s3;
	v45 =	vadd.f32 $-2.239668970e-01, v45;
	v41 =	vmul.f32 $9.999702570e-01, v41;
	v34 =	vmul.f32 v34, v43  }
0x27f: {  	v9 =	vld [tilespmem:s3+$0x5E80];
	v49 =	vadd.f32 $-4.993339480e-01, v49;
	v50 =	vadd.f32 $-2.239668970e-01, v50;
	v47 =	vmul.f32 v47, v48  }
0x280: {  	v43 =	vmul.f32 v44, v43;
	v57 =	vmul.f32 v48, v48;
	v41 =	vadd.f32 $2.215976450e-07, v41  }
0x281: {  	v34 =	vadd.f32 v34, v45;
	v58 =	vmul.f32 v49, v48;
	v47 =	vadd.f32 v47, v50  }
0x282: {  	v30 =	vcvt.s32.f32 v30;
	v26 =	vcvt.s32.f32 v26;
	v42 =	vadd.f32 v43, v42  }
0x283: {  	v34 =	vmul.f32 v34, v46;
	v41 =	vadd.f32 v58, v41;
	v59 =	vmul.f32 v47, v57  }
0x284: {  	v55 =	vmax.f32 v8, v9;
	v25 =	vadd.f32 v27, v25;
	v30 =	vmul.f32 $6.931471820e-01, v30  }
0x285: {  	v26 =	vmul.f32 $6.931471820e-01, v26;
	v34 =	vadd.f32 v34, v42;
	v41 =	vadd.f32 v59, v41  }
0x286: {  	v60 =	vsel vm5, v15, v23;
	v23 =	vsub.f32 $1.000000000e+00, v20;
	v29 =	vsub.f32 v4, v7  }
0x287: {  	v15 =	vmax.f32 v40, v55;
	v31 =	vadd.f32 v34, v30;
	v61 =	vadd.f32 v41, v26  }
0x288: {  	v62 =	vmul.f32 $1.442695020e+00, v29;
	v29 =	vadd.f32 v33, v28;
	v28 =	vsub.f32 v5, v15  }
0x289: {  	s13 =	simm.s32 $0x20;
	v30 =	vmul.f32 $1.442695020e+00, v63;
	v63 =	vadd.f32 v31, v22;
	v27 =	vadd.f32 v61, v24  }
0x28a: {  	(erf) = vpow2.f32 v62;
	v22 =	vld [tilespmem:s13+$0x7280];
	v26 =	vsel vm4, v21, v60;
	v21 =	vsub.f32 v6, v15  }
0x28b: {  	s7 =	simm.s32 $0x90;
	v34 =	vmul.f32 $1.442695020e+00, v52;
	v32 =	vsub.f32 v63, v29;
	v24 =	vld [tilespmem:s0+$0x6880];
	v33 =	vsub.f32 v27, v25  }
0x28c: {  	s10 =	simm.s32 $0x40;
	s8 =	simm.s32 $0x2;
	s9 =	simm.s32 $0x100;
	v31 =	vmul.f32 $1.442695020e+00, v53;
	v29 =	vsub.f32 v8, v15;
	v35 =	vsub.f32 v63, v37;
	v25 =	vld [tilespmem:s0+$0x6900]  }
.LBB2_10:
0x28d: {  	s11 =	sand.u32 $0x60, s10;
	s12 =	sand.u32 $0x600, s9;
	v36 =	vld [tilespmem:s0+$0x6980];
	v37 =	vsub.f32 v9, v15;
	v38 =	vmul.f32 v32, v18;
	v39 =	vmul.f32 v33, v20  }
0x28e: {  	v26 =	vsub.f32 v27, v26;
	s0 =	sor.u32 s11, s12;
	v40 =	vld [tilespmem:s4+$0x6880];
	(erf) = vpow2.f32 v30;
	v30 =	vmul.f32 v35, v18  }
0x28f: {  	v27 =	vld [tilespmem:s0+$0x5E80];
	(erf) = vpow2.f32 v34;
	v32 =	vsub.f32 v32, v38;
	v33 =	vsub.f32 v33, v39  }
0x290: {  	v14 =	vadd.f32 v18, v14;
	s4 =	sor.u32 s10, s9;
	v18 =	vmul.f32 v26, v20;
	v34 =	vld [tilespmem:s0+$0x5F00];
	v13 =	vadd.f32 v30, v13  }
0x291: {  	s6 =	sand.u32 $0x180, s25;
	v17 =	vadd.f32 v19, v17;
	s25 =	smov.u32 s10;
	s4 =	sor.u32 $0x180, s4;
	v26 =	vld [tilespmem:s0+$0x5F80];
	(erf) = vpow2.f32 v31;
	v16 =	vadd.f32 v32, v16  }
0x292: {  	v19 =	vmul.f32 $1.442695020e+00, v28;
	s6 =	sor.u32 s29, s6;
	v14 =	vadd.f32 v20, v14;
	v30 =	vld [tilespmem:s4+$0x5E80];
	v13 =	vadd.f32 v18, v13  }
0x293: {  	v17 =	vadd.f32 v23, v17;
	v18 =	vmul.f32 $1.442695020e+00, v21;
	v20 =	vld [tilespmem:s6+$0x7280];
	v16 =	vadd.f32 v33, v16;
	s6 =	simm.s32 $0x600  }
0x294: {  	v21 =	vmul.f32 $1.442695020e+00, v29;
	v23 =	vld [tilespmem:s26+$0x6880];
	(erf) = vpow2.f32 v19  }
0x295: {  	s29 =	sor.u32 $0x10, s11;
	v19 =	vmul.f32 $1.442695020e+00, v37;
	v28 =	vld [tilespmem:s26+$0x6900];
	v29 =	vpop (erf);
	(erf) = vpow2.f32 v18  }
0x296: {  	vm6 =	veq.s32 v22, $0x0;
	vm4 =	vgt.s32 v22, $0x0;
	v31 =	vld [tilespmem:s26+$0x6980];
	s26 =	sor.u32 s12, s29;
	(erf) = vpow2.f32 v21  }
0x297: {  	vm7 =	veq.s32 v22, $0x1;
	vm5 =	veq.s32 v22, $0x2;
	v21 =	vld [tilespmem:s26+$0x5E80];
	v32 =	vpop (erf);
	(erf) = vpow2.f32 v19  }
0x298: {  	v24 =	vmul.f32 v24, v4;
	v25 =	vmul.f32 v25, v10;
	v18 =	vsel vm4, $0x3F800000, v3;
	v22 =	vld [tilespmem:s26+$0x5F00];
	v33 =	vpop (erf)  }
0x299: {  	v35 =	vsel vm5, v11, v12;
	v36 =	vmul.f32 v36, v11;
	v37 =	vmul.f32 v40, v12;
	v11 =	vmovc v26  }
0x29a: {  	v26 =	vmax.f32 v27, v34;
	v38 =	vmax.f32 v11, v30;
	v19 =	vsub.f32 $1.000000000e+00, v18;
	v39 =	vpop (erf)  }
0x29b: {  	s5 =	sadd.s32 $0x1, s5;
	v12 =	vmovc v30;
	vm4 =	veq.s32 v20, $0x0;
	vm5 =	veq.s32 v20, $0x1;
	vm8 =	vgt.s32 v20, $0x0  }
0x29c: {  	s11 =	sand.u32 $0x3, s5;
	v30 =	vsel vm7, v10, v35;
	v10 =	vmovc v34;
	vm7 =	veq.s32 v20, $0x2;
	v40 =	vmul.f32 v23, v5;
	v35 =	vld [tilespmem:s3+$0x6880]  }
0x29d: {  	s7 =	sadd.s32 $0x80, s7;
	v28 =	vmul.f32 v28, v6;
	v31 =	vmul.f32 v31, v8;
	s3 =	sshll.u32 s11, $0x5;
	v34 =	vmax.f32 v21, v22;
	v23 =	vpop (erf)  }
0x29e: {  	v38 =	vmax.f32 v26, v38;
	v26 =	vadd.f32 v32, v29;
	v29 =	vadd.f32 v39, v33;
	s3 =	sadd.s32 s3, s7;
	v32 =	vpop (erf)  }
0x29f: {  	v24 =	vadd.f32 v25, v24;
	v20 =	vsel vm8, $0x3F800000, v3;
	v39 =	vsel vm6, v4, v30;
	s3 =	sor.u32 $0x180, s3;
	v33 =	vld [tilespmem:s26+$0x5F80];
	v4 =	vpop (erf)  }
0x2a0: {  	v30 =	vsel vm7, v8, v9;
	v26 =	vadd.f32 v29, v26;
	v29 =	vadd.f32 v37, v36;
	v25 =	vld [tilespmem:s3+$0x5E80];
	v8 =	vpop (erf)  }
0x2a1: {  	v23 =	vadd.f32 v32, v23;
	v42 =	vadd.f32 v8, v4;
	v32 =	vmul.f32 v35, v9;
	v4 =	vmovc v27  }
0x2a2: {  	v35 =	vsub.f32 v10, v38;
	v9 =	vand.u32 $0x7FFFFF, v26;
	v27 =	vsub.f32 v4, v38  }
0x2a3: {  	v36 =	vsub.f32 v11, v38;
	v43 =	vor.u32 $0x3F800000, v9;
	v23 =	vadd.f32 v42, v23  }
0x2a4: {  	v37 =	vsub.f32 v12, v38;
	v26 =	vshra.s32 v26, $0x17;
	v41 =	vadd.f32 $-1.000000000e+00, v43;
	v8 =	vmovc v33  }
0x2a5: {  	v26 =	vadd.s32 $0xFFFFFF81, v26;
	v33 =	vmax.f32 v8, v25;
	v42 =	vand.u32 $0x7FFFFF, v23;
	v9 =	vmovc v25  }
0x2a6: {  	v25 =	vmul.f32 $9.999702570e-01, v41;
	v23 =	vshra.s32 v23, $0x17;
	v42 =	vor.u32 $0x3F800000, v42  }
0x2a7: {  	v43 =	vmul.f32 v41, v41;
	v44 =	vmul.f32 $3.275117280e-01, v41;
	v42 =	vadd.f32 $-1.000000000e+00, v42  }
0x2a8: {  	v45 =	vmul.f32 $1.319896580e-01, v41;
	v41 =	vmul.f32 $1.024382840e-02, v41;
	v23 =	vadd.s32 $0xFFFFFF81, v23  }
0x2a9: {  	v46 =	vmul.f32 v43, v43;
	v25 =	vadd.f32 $2.215976450e-07, v25;
	v47 =	vmul.f32 $1.024382840e-02, v42  }
0x2aa: {  	v44 =	vadd.f32 $-4.993339480e-01, v44;
	v48 =	vmul.f32 v42, v42;
	v49 =	vmul.f32 $3.275117280e-01, v42  }
0x2ab: {  	v41 =	vadd.f32 $-5.326747890e-02, v41;
	v50 =	vmul.f32 $1.319896580e-01, v42;
	v47 =	vadd.f32 $-5.326747890e-02, v47  }
0x2ac: {  	v45 =	vadd.f32 $-2.239668970e-01, v45;
	v42 =	vmul.f32 $9.999702570e-01, v42;
	v49 =	vadd.f32 $-4.993339480e-01, v49  }
0x2ad: {  	v41 =	vmul.f32 v41, v43;
	v50 =	vadd.f32 $-2.239668970e-01, v50;
	v47 =	vmul.f32 v47, v48  }
0x2ae: {  	v43 =	vmul.f32 v44, v43;
	v44 =	vmul.f32 v48, v48;
	v42 =	vadd.f32 $2.215976450e-07, v42  }
0x2af: {  	v41 =	vadd.f32 v41, v45;
	v45 =	vmul.f32 v49, v48;
	v47 =	vadd.f32 v47, v50  }
0x2b0: {  	v26 =	vcvt.s32.f32 v26;
	v25 =	vadd.f32 v43, v25;
	v43 =	vcvt.s32.f32 v23  }
0x2b1: {  	v41 =	vmul.f32 v41, v46;
	v42 =	vadd.f32 v45, v42;
	v44 =	vmul.f32 v47, v44  }
0x2b2: {  	v30 =	vsel vm5, v6, v30;
	v6 =	vmovc v22;
	v26 =	vmul.f32 $6.931471820e-01, v26;
	v23 =	vsub.f32 $1.000000000e+00, v20  }
0x2b3: {  	v22 =	vadd.f32 v41, v25;
	v41 =	vmul.f32 $6.931471820e-01, v43;
	v25 =	vadd.f32 v44, v42  }
0x2b4: {  	s8 =	sadd.s32 $0x2, s8;
	v28 =	vadd.f32 v28, v40;
	v31 =	vadd.f32 v32, v31;
	v33 =	vmax.f32 v34, v33  }
0x2b5: {  	p0 =	slt.u32 s8, $0x16;
	v22 =	vadd.f32 v22, v26;
	v26 =	vsel vm4, v5, v30;
	v5 =	vmovc v21;
	v25 =	vadd.f32 v25, v41  }
.Ltmp4:
0x2b6: {  	v29 =	vadd.f32 v29, v24;
	v40 =	vmul.f32 $1.442695020e+00, v27;
	v41 =	vadd.f32 v31, v28;
	(pc) =	sbr.rel @p0 .LBB2_10-.Ltmp4, $4  }
0x2b7: {  	s11 =	sshra.s32 s9, $0x2;
	v30 =	vmul.f32 $1.442695020e+00, v35;
	v35 =	vadd.f32 v22, v7;
	v7 =	vmovc v38;
	v27 =	vadd.f32 v25, v15;
	v15 =	vmovc v33  }
0x2b8: {  	v34 =	vmul.f32 $1.442695020e+00, v36;
	v22 =	vld [tilespmem:s11+$0x7280];
	v28 =	vsub.f32 v5, v15;
	v21 =	vsub.f32 v6, v15  }
0x2b9: {  	v31 =	vmul.f32 $1.442695020e+00, v37;
	v32 =	vsub.f32 v35, v29;
	v24 =	vld [tilespmem:s0+$0x6880];
	v33 =	vsub.f32 v27, v41  }
0x2ba: {  	s10 =	sadd.s32 $0x20, s10;
	s9 =	sadd.s32 $0x80, s9;
	v35 =	vsub.f32 v35, v39;
	v29 =	vsub.f32 v8, v15;
	v25 =	vld [tilespmem:s0+$0x6900];
	(erf) = vpow2.f32 v40  }
0x2bb: {  	(erf) = vpow2.f32 v30  }
0x2bc: {  	v28 =	vmul.f32 $1.442695020e+00, v28;
	(erf) = vpow2.f32 v34  }
0x2bd: {  	v51 =	vsub.f32 v9, v15;
	v21 =	vmul.f32 $1.442695020e+00, v21;
	(erf) = vpow2.f32 v31  }
0x2be: {  	v29 =	vmul.f32 $1.442695020e+00, v29;
	(erf) = vpow2.f32 v28  }
0x2bf: {  	v52 =	vmul.f32 $1.442695020e+00, v51;
	(erf) = vpow2.f32 v21  }
0x2c0: {  	v21 =	vmul.f32 v32, v18;
	(erf) = vpow2.f32 v29  }
0x2c1: {  	v26 =	vsub.f32 v27, v26;
	(erf) = vpow2.f32 v52  }
0x2c2: {  	v21 =	vsub.f32 v32, v21  }
0x2c3: {  	v45 =	vld [tilespmem:s26+$0x6880];
	v55 =	vmul.f32 v35, v18;
	v26 =	vmul.f32 v26, v20;
	v53 =	vpop (erf)  }
0x2c4: {  	v54 =	vmul.f32 v33, v20;
	v19 =	vadd.f32 v19, v17;
	v38 =	vld [tilespmem:s26+$0x6900];
	v18 =	vadd.f32 v18, v14;
	v27 =	vpop (erf)  }
0x2c5: {  	v47 =	vld [tilespmem:s26+$0x6980];
	vm4 =	veq.s32 v22, $0x0;
	v13 =	vadd.f32 v55, v13;
	v16 =	vadd.f32 v21, v16;
	v56 =	vpop (erf)  }
0x2c6: {  	vm5 =	vgt.s32 v22, $0x0;
	vm6 =	veq.s32 v22, $0x1;
	v18 =	vadd.f32 v20, v18;
	v20 =	vld [tilespmem:s0+$0x6980];
	v21 =	vpop (erf)  }
0x2c7: {  	vm7 =	veq.s32 v22, $0x2;
	v29 =	vsub.f32 v33, v54;
	v14 =	vadd.f32 v26, v13;
	v26 =	vpop (erf)  }
0x2c8: {  	v22 =	vmul.f32 v25, v10;
	v27 =	vadd.f32 v27, v53;
	v21 =	vadd.f32 v21, v56;
	v57 =	vpop (erf)  }
0x2c9: {  	v13 =	vadd.f32 v23, v19;
	v50 =	vmul.f32 v45, v5;
	v17 =	vadd.f32 v29, v16;
	v16 =	vpop (erf)  }
0x2ca: {  	v51 =	vmul.f32 v38, v6;
	v52 =	vmul.f32 v47, v8;
	v23 =	vadd.f32 v21, v27;
	v27 =	vld [tilespmem:s4+$0x6880];
	v19 =	vpop (erf)  }
0x2cb: {  	v21 =	vadd.f32 v57, v26;
	v26 =	vmul.f32 v20, v11;
	v16 =	vadd.f32 v19, v16  }
0x2cc: {  	v19 =	vmul.f32 v24, v4;
	v24 =	vand.u32 $0x7FFFFF, v23;
	v23 =	vshra.s32 v23, $0x17  }
0x2cd: {  	s8 =	simm.s32 $0x180;
	v24 =	vor.u32 $0x3F800000, v24;
	v23 =	vadd.s32 $0xFFFFFF81, v23;
	v25 =	vadd.f32 v16, v21  }
0x2ce: {  	s9 =	sand.u32 $0xE00, s6;
	s0 =	sand.u32 $0x70, s8;
	v16 =	vsel vm7, v11, v12;
	v20 =	vadd.f32 $-1.000000000e+00, v24;
	v22 =	vadd.f32 v22, v19  }
0x2cf: {  	s0 =	sor.u32 s0, s9;
	v23 =	vcvt.s32.f32 v23;
	v12 =	vmul.f32 v27, v12;
	v24 =	vsel vm6, v10, v16  }
0x2d0: {  	v19 =	vld [tilespmem:s0+$0x6000];
	v11 =	vand.u32 $0x7FFFFF, v25;
	v27 =	vmul.f32 $9.999702570e-01, v20;
	v58 =	vmul.f32 v20, v20  }
0x2d1: {  	v10 =	vld [tilespmem:s0+$0x5E80];
	v60 =	vmul.f32 $3.275117280e-01, v20;
	v61 =	vmul.f32 $1.319896580e-01, v20;
	v11 =	vor.u32 $0x3F800000, v11  }
0x2d2: {  	v16 =	vld [tilespmem:s0+$0x5F80];
	v20 =	vmul.f32 $1.024382840e-02, v20;
	v25 =	vshra.s32 v25, $0x17;
	v59 =	vadd.f32 $-1.000000000e+00, v11  }
0x2d3: {  	v25 =	vadd.s32 $0xFFFFFF81, v25;
	v11 =	vld [tilespmem:s0+$0x5F00];
	v27 =	vadd.f32 $2.215976450e-07, v27;
	v28 =	vmul.f32 v58, v58  }
0x2d4: {  	v30 =	vadd.f32 $-4.993339480e-01, v60;
	v25 =	vcvt.s32.f32 v25;
	v62 =	vmul.f32 $1.024382840e-02, v59  }
0x2d5: {  	v20 =	vadd.f32 $-5.326747890e-02, v20;
	v63 =	vmul.f32 v59, v59;
	v40 =	vmul.f32 $3.275117280e-01, v59  }
0x2d6: {  	v31 =	vadd.f32 $-2.239668970e-01, v61;
	v41 =	vmul.f32 $1.319896580e-01, v59;
	v29 =	vmul.f32 $9.999702570e-01, v59  }
0x2d7: {  	v20 =	vmul.f32 v20, v58;
	v30 =	vmul.f32 v30, v58;
	v37 =	vmax.f32 v16, v19  }
0x2d8: {  	v32 =	vadd.f32 $-5.326747890e-02, v62;
	v34 =	vadd.f32 $-4.993339480e-01, v40;
	v36 =	vmax.f32 v10, v11  }
0x2d9: {  	v35 =	vadd.f32 $-2.239668970e-01, v41;
	v31 =	vadd.f32 v20, v31;
	v20 =	vmax.f32 v36, v37  }
0x2da: {  	v27 =	vadd.f32 v30, v27;
	v32 =	vmul.f32 v32, v63;
	v43 =	vsub.f32 v10, v20  }
0x2db: {  	v33 =	vmul.f32 v63, v63;
	v34 =	vmul.f32 v34, v63;
	v44 =	vsub.f32 v11, v20  }
0x2dc: {  	s10 =	sand.u32 $0x180, s25;
	v46 =	vsub.f32 v16, v20;
	v32 =	vadd.f32 v32, v35;
	v35 =	vmul.f32 $1.442695020e+00, v43  }
0x2dd: {  	v49 =	vld [tilespmem:s3+$0x6880];
	s4 =	sor.u32 s29, s10;
	v28 =	vmul.f32 v31, v28;
	v48 =	vsub.f32 v19, v20;
	v30 =	vmul.f32 $1.442695020e+00, v44  }
0x2de: {  	v42 =	vld [tilespmem:s4+$0x7280];
	v29 =	vadd.f32 $2.215976450e-07, v29;
	v31 =	vmul.f32 $1.442695020e+00, v46;
	(erf) = vpow2.f32 v35  }
0x2df: {  	v26 =	vadd.f32 v12, v26;
	(erf) = vpow2.f32 v30;
	v30 =	vmul.f32 $1.442695020e+00, v48  }
0x2e0: {  	v29 =	vadd.f32 v34, v29;
	v32 =	vmul.f32 v32, v33;
	(erf) = vpow2.f32 v31  }
0x2e1: {  	s3 =	simm.s32 $0x640;
	s11 =	simm.s32 $0x190;
	v12 =	vmul.f32 $6.931471820e-01, v23;
	v23 =	vadd.f32 v28, v27;
	(erf) = vpow2.f32 v30  }
0x2e2: {  	s5 =	sand.u32 $0xE00, s3;
	v54 =	vadd.f32 v51, v50;
	s4 =	sand.u32 $0x70, s11;
	v25 =	vmul.f32 $6.931471820e-01, v25;
	v53 =	vadd.f32 v32, v29  }
0x2e3: {  	s4 =	sor.u32 s4, s5;
	vm8 =	veq.s32 v42, $0x2;
	v27 =	vmul.f32 v49, v9;
	v23 =	vadd.f32 v23, v12  }
0x2e4: {  	v22 =	vadd.f32 v26, v22;
	v9 =	vsel vm8, v8, v9;
	v8 =	vld [tilespmem:s4+$0x6000];
	v25 =	vadd.f32 v53, v25  }
0x2e5: {  	v21 =	vsel vm5, $0x3F800000, v3;
	v27 =	vadd.f32 v27, v52;
	v23 =	vadd.f32 v23, v7;
	v7 =	vld [tilespmem:s4+$0x5F80]  }
0x2e6: {  	vm5 =	veq.s32 v42, $0x0;
	vm6 =	veq.s32 v42, $0x1;
	vm7 =	vgt.s32 v42, $0x0  }
0x2e7: {  	v24 =	vsel vm4, v4, v24;
	v4 =	vld [tilespmem:s4+$0x5F00];
	v27 =	vadd.f32 v27, v54;
	v22 =	vsub.f32 v23, v22;
	v26 =	vpop (erf)  }
0x2e8: {  	v6 =	vsel vm6, v6, v9;
	v12 =	vld [tilespmem:s4+$0x5E80];
	v23 =	vsub.f32 v23, v24;
	v15 =	vadd.f32 v25, v15;
	v25 =	vpop (erf)  }
0x2e9: {  	v39 =	vsub.f32 $1.000000000e+00, v21;
	v55 =	vsel vm7, $0x3F800000, v3;
	v5 =	vsel vm5, v5, v6;
	v56 =	vpop (erf)  }
0x2ea: {  	v23 =	vmul.f32 v23, v21;
	v57 =	vmax.f32 v7, v8;
	v6 =	vsub.f32 v15, v27;
	v24 =	vpop (erf)  }
0x2eb: {  	v27 =	vmul.f32 v22, v21;
	v25 =	vadd.f32 v25, v26;
	v24 =	vadd.f32 v24, v56  }
0x2ec: {  	v5 =	vsub.f32 v15, v5;
	v14 =	vadd.f32 v23, v14;
	v26 =	vmul.f32 v6, v55  }
0x2ed: {  	v15 =	vmax.f32 v12, v4;
	v22 =	vsub.f32 v22, v27;
	v24 =	vadd.f32 v24, v25  }
0x2ee: {  	v5 =	vmul.f32 v5, v55;
	v25 =	vsub.f32 v6, v26;
	v6 =	vmax.f32 v15, v57  }
0x2ef: {  	v15 =	vsub.f32 v12, v6;
	v27 =	vsub.f32 v4, v6;
	v26 =	vand.u32 $0x7FFFFF, v24  }
0x2f0: {  	v29 =	vsub.f32 v7, v6;
	v58 =	vsub.f32 v8, v6;
	v26 =	vor.u32 $0x3F800000, v26  }
0x2f1: {  	v15 =	vmul.f32 $1.442695020e+00, v15;
	v23 =	vmul.f32 $1.442695020e+00, v27;
	v26 =	vadd.f32 $-1.000000000e+00, v26  }
0x2f2: {  	v18 =	vadd.f32 v21, v18;
	v27 =	vmul.f32 $1.442695020e+00, v29;
	v21 =	vmul.f32 $1.442695020e+00, v58  }
0x2f3: {  	v62 =	vadd.f32 v39, v13;
	(erf) = vpow2.f32 v15;
	v59 =	vmul.f32 $1.024382840e-02, v26  }
0x2f4: {  	v17 =	vadd.f32 v22, v17;
	v15 =	vld [tilespmem:s0+$0x6880];
	v22 =	vmul.f32 v26, v26;
	v60 =	vmul.f32 $3.275117280e-01, v26  }
0x2f5: {  	v61 =	vmul.f32 $1.319896580e-01, v26;
	(erf) = vpow2.f32 v23;
	v23 =	vld [tilespmem:s0+$0x6900];
	v29 =	vadd.f32 $-5.326747890e-02, v59  }
0x2f6: {  	v24 =	vshra.s32 v24, $0x17;
	v13 =	vmul.f32 $9.999702570e-01, v26;
	v26 =	vld [tilespmem:s0+$0x6980];
	v30 =	vadd.f32 $-4.993339480e-01, v60  }
0x2f7: {  	(erf) = vpow2.f32 v27;
	v27 =	vld [tilespmem:s0+$0x6A00];
	v31 =	vadd.f32 $-2.239668970e-01, v61;
	v29 =	vmul.f32 v29, v22  }
0x2f8: {  	v63 =	vmul.f32 v22, v22;
	v13 =	vadd.f32 $2.215976450e-07, v13;
	v22 =	vmul.f32 v30, v22  }
0x2f9: {  	(erf) = vpow2.f32 v21;
	v21 =	vadd.s32 $0xFFFFFF81, v24;
	v29 =	vadd.f32 v29, v31  }
0x2fa: {  	v21 =	vcvt.s32.f32 v21;
	v24 =	vmul.f32 v15, v10;
	v15 =	vadd.f32 v22, v13  }
0x2fb: {  	s12 =	simm.s32 $0x180;
	v13 =	vadd.f32 v5, v14;
	v5 =	vmul.f32 v23, v11;
	v22 =	vmul.f32 v29, v63  }
0x2fc: {  	v9 =	vsub.f32 $1.000000000e+00, v55;
	v14 =	vmul.f32 v26, v16;
	v23 =	vld [tilespmem:s12+$0x7280];
	v26 =	vmul.f32 v27, v19  }
0x2fd: {  	s6 =	simm.s32 $0x680;
	s25 =	simm.s32 $0x1A0;
	v21 =	vmul.f32 $6.931471820e-01, v21;
	v5 =	vadd.f32 v5, v24;
	v22 =	vadd.f32 v22, v15  }
0x2fe: {  	s26 =	sand.u32 $0x70, s25;
	s29 =	sand.u32 $0xE00, s6;
	v14 =	vadd.f32 v26, v14;
	v15 =	vadd.f32 v55, v18  }
0x2ff: {  	s7 =	sor.u32 s26, s29;
	v18 =	vadd.f32 v25, v17;
	v21 =	vadd.f32 v22, v21  }
0x300: {  	s13 =	sadd.s32 $0x0, s21;
	v17 =	vadd.f32 v9, v62;
	v5 =	vadd.f32 v14, v5;
	v9 =	vld [tilespmem:s7+$0x5E80]  }
0x301: {  	v14 =	vld [tilespmem:s7+$0x5F00];
	vm7 =	veq.s32 v23, $0x2;
	v22 =	vor.u32 s13, v2;
	v21 =	vadd.f32 v21, v20  }
0x302: {  	v24 =	vpop (erf);
	vm4 =	vge.u32 v22, v0;
	vm6 =	vlt.u32 v22, v1;
	v22 =	vsel vm7, v16, v19;
	v16 =	vld [tilespmem:s7+$0x6000]  }
0x303: {  	v25 =	vpop (erf);
	v19 =	vsub.f32 v21, v5;
	v5 =	vld [tilespmem:s7+$0x5F80]  }
0x304: {  	vm5 =	veq.s32 v23, $0x0;
	v20 =	vpop (erf);
	vm4 =	vmand vm4, vm6  }
0x305: {  	v26 =	vpop (erf);
	vm6 =	vmand vm4, vm5  }
0x306: {  	s8 =	simm.s32 $0x20;
	v24 =	vadd.f32 v25, v24;
	v25 =	vadd.f32 v26, v20;
	v20 =	vsel vm6, $0x3F800000, v3  }
0x307: {  	s9 =	simm.s32 $0x6C0;
	s5 =	simm.s32 $0x10;
	s0 =	simm.s32 $0x20;
	vm7 =	veq.s32 v23, $0x1;
	vm6 =	vgt.s32 v23, $0x0;
	v23 =	vmul.f32 v19, v20  }
.LBB2_12:
0x308: {  	p0 =	sne.s32 s9, $0x9C0;
	v19 =	vmax.f32 v9, v14;
	v26 =	vmax.f32 v5, v16;
	v24 =	vadd.f32 v25, v24;
	v27 =	vmovc v16  }
0x309: {  	v16 =	vsel vm7, v11, v22;
	v11 =	vmovc v4;
	v19 =	vmax.f32 v19, v26;
	v18 =	vadd.f32 v23, v18  }
0x30a: {  	v16 =	vsel vm5, v10, v16;
	v10 =	vmovc v12;
	v12 =	vmovc v9;
	v22 =	vsub.f32 v9, v19;
	v26 =	vand.u32 $0x7FFFFF, v24  }
0x30b: {  	v4 =	vmovc v14;
	v9 =	vsub.f32 v14, v19;
	v23 =	vsub.f32 v5, v19;
	v25 =	vor.u32 $0x3F800000, v26  }
0x30c: {  	v14 =	vmul.f32 $1.442695020e+00, v22;
	v22 =	vsub.f32 v27, v19;
	v25 =	vadd.f32 $-1.000000000e+00, v25  }
0x30d: {  	v16 =	vsub.f32 v21, v16;
	v9 =	vmul.f32 $1.442695020e+00, v9;
	v23 =	vmul.f32 $1.442695020e+00, v23  }
0x30e: {  	vm4 =	vmand vm4, vm6;
	v21 =	vmul.f32 $1.442695020e+00, v22;
	v22 =	vmul.f32 $1.024382840e-02, v25  }
0x30f: {  	v28 =	vsel vm4, $0x3F800000, v3;
	v26 =	vmul.f32 v25, v25;
	(erf) = vpow2.f32 v14;
	v14 =	vld [tilespmem:s4+$0x6880]  }
0x310: {  	v29 =	vmul.f32 $3.275117280e-01, v25;
	v30 =	vmul.f32 $1.319896580e-01, v25;
	v22 =	vadd.f32 $-5.326747890e-02, v22  }
0x311: {  	v15 =	vadd.f32 v28, v15;
	v25 =	vmul.f32 $9.999702570e-01, v25;
	(erf) = vpow2.f32 v9;
	v9 =	vld [tilespmem:s4+$0x6900]  }
0x312: {  	v29 =	vadd.f32 $-4.993339480e-01, v29;
	v30 =	vadd.f32 $-2.239668970e-01, v30;
	v31 =	vld [tilespmem:s4+$0x6980];
	v22 =	vmul.f32 v22, v26  }
0x313: {  	v24 =	vshra.s32 v24, $0x17;
	v32 =	vmul.f32 v26, v26;
	(erf) = vpow2.f32 v23;
	v23 =	vld [tilespmem:s4+$0x6A00];
	s4 =	smov.u32 s7  }
0x314: {  	v25 =	vadd.f32 $2.215976450e-07, v25;
	v26 =	vmul.f32 v29, v26;
	v22 =	vadd.f32 v22, v30  }
0x315: {  	s8 =	sadd.s32 $0x10, s8;
	v14 =	vmul.f32 v14, v10;
	(erf) = vpow2.f32 v21;
	v21 =	vadd.s32 $0xFFFFFF81, v24  }
0x316: {  	s7 =	sadd.s32 $0x180, s8;
	v24 =	vadd.f32 v26, v25;
	v22 =	vmul.f32 v22, v32;
	v21 =	vcvt.s32.f32 v21  }
0x317: {  	s10 =	sand.u32 $0xE00, s9;
	s3 =	sshra.s32 s3, $0x2;
	v17 =	vadd.f32 v20, v17;
	s7 =	sand.u32 $0x70, s7;
	v30 =	vmul.f32 v9, v11;
	v26 =	vmul.f32 v31, v7  }
0x318: {  	s7 =	sor.u32 s7, s10;
	v20 =	vpop (erf);
	v29 =	vld [tilespmem:s3+$0x7280];
	v22 =	vadd.f32 v22, v24;
	v21 =	vmul.f32 $6.931471820e-01, v21;
	v23 =	vmul.f32 v23, v8;
	s3 =	smov.u32 s6;
	s6 =	smov.u32 s9  }
0x319: {  	v16 =	vmul.f32 v16, v28;
	s10 =	sadd.s32 s5, s21;
	s5 =	smov.u32 s0;
	s0 =	smov.u32 s8;
	v24 =	vadd.f32 v30, v14;
	v9 =	vld [tilespmem:s7+$0x5E80]  }
0x31a: {  	v14 =	vld [tilespmem:s7+$0x5F00];
	v25 =	vpop (erf);
	v21 =	vadd.f32 v22, v21;
	v22 =	vadd.f32 v23, v26;
	v23 =	vor.u32 s10, v2  }
0x31b: {  	v13 =	vadd.f32 v16, v13;
	v26 =	vld [tilespmem:s7+$0x5F80];
	vm4 =	vge.u32 v23, v0  }
.Ltmp5:
0x31c: {  	vm6 =	vlt.u32 v23, v1;
	v16 =	vld [tilespmem:s7+$0x6000];
	v28 =	vpop (erf);
	v21 =	vadd.f32 v21, v6;
	v24 =	vadd.f32 v22, v24;
	(pc) =	sbr.rel @p0 .LBB2_12-.Ltmp5, $4  }
0x31d: {  	vm4 =	vmand vm4, vm6;
	v6 =	vmovc v19;
	vm5 =	veq.s32 v29, $0x0;
	vm7 =	veq.s32 v29, $0x2  }
0x31e: {  	v19 =	vpop (erf);
	v22 =	vsel vm7, v7, v8;
	v23 =	vsub.f32 v21, v24;
	vm6 =	vmand vm4, vm5  }
0x31f: {  	v24 =	vadd.f32 v25, v20;
	v7 =	vmovc v5;
	v8 =	vmovc v27;
	v25 =	vadd.f32 v19, v28;
	v20 =	vsel vm6, $0x3F800000, v3  }
0x320: {  	s9 =	sadd.s32 $0x40, s9;
	vm7 =	veq.s32 v29, $0x1;
	vm6 =	vgt.s32 v29, $0x0;
	v23 =	vmul.f32 v23, v20;
	v5 =	vmovc v26  }
0x321: {  	v19 =	vmax.f32 v9, v14;
	v26 =	vmax.f32 v5, v16  }
0x322: {  	v19 =	vmax.f32 v19, v26  }
0x323: {  	v26 =	vsub.f32 v9, v19  }
0x324: {  	v27 =	vsub.f32 v14, v19  }
0x325: {  	v28 =	vsub.f32 v5, v19;
	v26 =	vmul.f32 $1.442695020e+00, v26  }
0x326: {  	v29 =	vsub.f32 v16, v19;
	v27 =	vmul.f32 $1.442695020e+00, v27  }
0x327: {  	v28 =	vmul.f32 $1.442695020e+00, v28;
	(erf) = vpow2.f32 v26  }
0x328: {  	v55 =	vmul.f32 $1.442695020e+00, v29;
	(erf) = vpow2.f32 v27  }
0x329: {  	v24 =	vadd.f32 v25, v24;
	(erf) = vpow2.f32 v28  }
0x32a: {  	(erf) = vpow2.f32 v55  }
0x32b: {  	v57 =	vld [tilespmem:s4+$0x6880];
	v56 =	vand.u32 $0x7FFFFF, v24  }
0x32c: {  	v59 =	vld [tilespmem:s4+$0x6900];
	v11 =	vsel vm7, v11, v22;
	v58 =	vor.u32 $0x3F800000, v56  }
0x32d: {  	v60 =	vld [tilespmem:s4+$0x6980];
	v20 =	vadd.f32 v20, v17;
	vm4 =	vmand vm4, vm6;
	v25 =	vadd.f32 $-1.000000000e+00, v58  }
0x32e: {  	v61 =	vld [tilespmem:s4+$0x6A00];
	s26 =	sadd.s32 s5, s21;
	v23 =	vadd.f32 v23, v18;
	v10 =	vsel vm5, v10, v11;
	v49 =	vsel vm4, $0x3F800000, v3  }
0x32f: {  	v33 =	vld [tilespmem:s7+$0x6880];
	v53 =	vor.u32 s26, v2;
	v24 =	vshra.s32 v24, $0x17;
	v30 =	vmul.f32 $1.024382840e-02, v25  }
0x330: {  	v37 =	vld [tilespmem:s7+$0x6900];
	v10 =	vsub.f32 v21, v10;
	v45 =	vadd.s32 $0xFFFFFF81, v24;
	v32 =	vmul.f32 $3.275117280e-01, v25;
	v36 =	vpop (erf)  }
0x331: {  	v39 =	vld [tilespmem:s7+$0x6980];
	v34 =	vmul.f32 v25, v25;
	v35 =	vmul.f32 $1.319896580e-01, v25;
	v30 =	vadd.f32 $-5.326747890e-02, v30;
	v38 =	vpop (erf)  }
0x332: {  	s3 =	sshra.s32 s3, $0x2;
	v40 =	vld [tilespmem:s7+$0x6A00];
	vm4 =	vge.u32 v53, v0;
	v17 =	vcvt.s32.f32 v45;
	v25 =	vmul.f32 $9.999702570e-01, v25;
	v63 =	vpop (erf)  }
0x333: {  	s25 =	sshra.s32 s6, $0x2;
	v31 =	vld [tilespmem:s3+$0x7280];
	v32 =	vadd.f32 $-4.993339480e-01, v32;
	v62 =	vadd.f32 $-2.239668970e-01, v35;
	v30 =	vmul.f32 v30, v34;
	v41 =	vpop (erf)  }
0x334: {  	v18 =	vld [tilespmem:s25+$0x7280];
	v10 =	vmul.f32 v10, v49;
	v46 =	vmul.f32 v57, v12;
	v25 =	vadd.f32 $2.215976450e-07, v25;
	_ =	swait.ge [sflag:s31], $0x200  }
0x335: {  	v43 =	vmul.f32 v34, v34;
	v32 =	vmul.f32 v32, v34;
	v42 =	vadd.f32 v30, v62;
	[sflag:s31] =	ssyncset.done $0x0  }
0x336: {  	vm5 =	vlt.u32 v53, v1;
	v47 =	vmul.f32 v59, v4;
	v48 =	vmul.f32 v60, v7;
	[sflag:s31] =	ssyncadd.s32 $0xFFFFFE00  }
0x337: {  	v50 =	vmul.f32 v61, v8;
	v44 =	vadd.f32 v32, v25;
	v11 =	vmul.f32 v42, v43;
	_ =	swait.ge [sflag:s31], $0x200  }
0x338: {  	vm4 =	vmand vm4, vm5;
	v53 =	vmul.f32 v37, v14;
	v17 =	vmul.f32 $6.931471820e-01, v17;
	[sflag:s31] =	ssyncset.done $0x0  }
0x339: {  	vm15 =	veq.s32 v31, $0x0;
	vm5 =	veq.s32 v31, $0x2;
	v11 =	vadd.f32 v11, v44;
	[sflag:s31] =	ssyncadd.s32 $0xFFFFFE00  }
0x33a: {  	v26 =	vadd.f32 v10, v13;
	vm10 =	veq.s32 v18, $0x0;
	v27 =	vadd.f32 v49, v15;
	_ =	swait.ge [sflag:s31], $0x20  }
0x33b: {  	vm11 =	veq.s32 v18, $0x2;
	v51 =	vadd.f32 v47, v46;
	v11 =	vadd.f32 v11, v17;
	[sflag:s31] =	ssyncset.done $0x0  }
0x33c: {  	vm12 =	vgt.s32 v18, $0x0;
	v54 =	vadd.f32 v38, v36;
	v55 =	vadd.f32 v41, v63;
	[sflag:s31] =	ssyncadd.s32 $0xFFFFFFE0  }
0x33d: {  	v52 =	vadd.f32 v50, v48;
	vm9 =	vmand vm4, vm15;
	v56 =	vadd.f32 v11, v6;
	v6 =	vld [tilespmem:$0x7500]  }
0x33e: {  	v59 =	vsel vm5, v7, v8;
	vm5 =	veq.s32 v31, $0x1;
	v58 =	vadd.f32 v55, v54;
	v15 =	vld [tilespmem:$0x7580]  }
0x33f: {  	v60 =	vsel vm9, $0x3F800000, v3;
	v4 =	vsel vm5, v4, v59;
	vm5 =	vgt.s32 v31, $0x0;
	v11 =	vld [tilespmem:$0x7600]  }
0x340: {  	v59 =	vmul.f32 v40, v16;
	v57 =	vadd.f32 v52, v51;
	v24 =	vand.u32 $0x7FFFFF, v58;
	v8 =	vld [tilespmem:$0x7680]  }
0x341: {  	v4 =	vsel vm15, v12, v4;
	vm4 =	vmand vm4, vm5;
	v24 =	vor.u32 $0x3F800000, v24  }
0x342: {  	v49 =	vsel vm4, $0x3F800000, v3;
	v17 =	vsub.f32 v56, v57;
	v61 =	vadd.f32 $-1.000000000e+00, v24  }
0x343: {  	v51 =	vmul.f32 v33, v9;
	v27 =	vadd.f32 v49, v27;
	v54 =	vmul.f32 v39, v5  }
0x344: {  	v62 =	vsub.f32 v56, v4;
	v17 =	vmul.f32 v17, v60;
	v4 =	vmul.f32 $1.024382840e-02, v61  }
0x345: {  	v63 =	vmul.f32 v61, v61;
	v34 =	vmax.f32 v6, v15;
	v35 =	vmax.f32 v11, v8  }
0x346: {  	v32 =	vmul.f32 $3.275117280e-01, v61;
	v4 =	vadd.f32 $-5.326747890e-02, v4;
	v12 =	vmax.f32 v34, v35  }
0x347: {  	v23 =	vadd.f32 v17, v23;
	v36 =	vmul.f32 $1.319896580e-01, v61;
	v13 =	vsub.f32 v6, v12  }
0x348: {  	v10 =	vadd.f32 $-4.993339480e-01, v32;
	v38 =	vmul.f32 v4, v63;
	v4 =	vsub.f32 v15, v12  }
0x349: {  	v7 =	vmul.f32 $9.999702570e-01, v61;
	v17 =	vld [tilespmem:$0x7690];
	v41 =	vsub.f32 v11, v12;
	v13 =	vmul.f32 $1.442695020e+00, v13  }
0x34a: {  	v42 =	vmul.f32 v10, v63;
	v10 =	vld [tilespmem:$0x7590];
	v44 =	vsub.f32 v8, v12;
	v43 =	vmul.f32 $1.442695020e+00, v4  }
0x34b: {  	v21 =	vadd.f32 v53, v51;
	v4 =	vld [tilespmem:$0x7510];
	v45 =	vmul.f32 $1.442695020e+00, v41;
	(erf) = vpow2.f32 v13  }
0x34c: {  	v5 =	vsel vm11, v5, v16;
	v47 =	vmul.f32 $1.442695020e+00, v44;
	v13 =	vld [tilespmem:$0x7610];
	(erf) = vpow2.f32 v43  }
0x34d: {  	v25 =	vadd.f32 $-2.239668970e-01, v36;
	v7 =	vadd.f32 $2.215976450e-07, v7;
	(erf) = vpow2.f32 v45  }
0x34e: {  	v50 =	vshra.s32 v58, $0x17;
	v48 =	vmul.f32 v63, v63;
	(erf) = vpow2.f32 v47  }
0x34f: {  	v25 =	vadd.f32 v38, v25;
	v46 =	vadd.f32 v42, v7;
	v7 =	vadd.s32 $0xFFFFFF81, v50  }
0x350: {  	v24 =	vmul.f32 v62, v49;
	v61 =	vadd.f32 v59, v54;
	v52 =	vcvt.s32.f32 v7  }
0x351: {  	v25 =	vmul.f32 v25, v48;
	v57 =	vmax.f32 v4, v10;
	v58 =	vmax.f32 v13, v17  }
0x352: {  	s0 =	sadd.s32 s0, s21;
	v7 =	vadd.f32 v60, v20;
	v56 =	vmul.f32 $6.931471820e-01, v52;
	v20 =	vmax.f32 v57, v58  }
0x353: {  	v55 =	vadd.f32 v25, v46;
	v41 =	vor.u32 s0, v2;
	v29 =	vsub.f32 v4, v20  }
0x354: {  	vm4 =	vge.u32 v41, v0;
	v63 =	vsub.f32 v10, v20;
	v37 =	vsub.f32 v13, v20;
	v60 =	vpop (erf)  }
0x355: {  	v22 =	vadd.f32 v55, v56;
	v39 =	vsub.f32 v17, v20;
	v29 =	vmul.f32 $1.442695020e+00, v29;
	v62 =	vpop (erf)  }
0x356: {  	vm5 =	vlt.u32 v41, v1;
	v31 =	vmul.f32 $1.442695020e+00, v63;
	v40 =	vmul.f32 $1.442695020e+00, v37;
	v36 =	vpop (erf)  }
0x357: {  	v19 =	vadd.f32 v22, v19;
	v42 =	vmul.f32 $1.442695020e+00, v39;
	(erf) = vpow2.f32 v29;
	v38 =	vpop (erf)  }
0x358: {  	v25 =	vadd.f32 v62, v60;
	(erf) = vpow2.f32 v31;
	v22 =	vadd.f32 v38, v36  }
0x359: {  	v24 =	vadd.f32 v24, v26;
	vm4 =	vmand vm4, vm5;
	v55 =	vld [tilespmem:$0x7900];
	(erf) = vpow2.f32 v40  }
0x35a: {  	vm5 =	vmand vm4, vm10;
	(erf) = vpow2.f32 v42;
	v22 =	vadd.f32 v22, v25  }
0x35b: {  	v21 =	vadd.f32 v61, v21;
	v28 =	vsel vm5, $0x3F800000, v3;
	vm5 =	veq.s32 v18, $0x1  }
0x35c: {  	vm4 =	vmand vm4, vm12;
	v5 =	vsel vm5, v14, v5;
	v25 =	vand.u32 $0x7FFFFF, v22  }
0x35d: {  	v21 =	vsub.f32 v19, v21;
	v5 =	vsel vm10, v9, v5;
	v25 =	vor.u32 $0x3F800000, v25  }
0x35e: {  	v5 =	vsub.f32 v19, v5;
	vm5 =	veq.s32 v55, $0x2;
	v25 =	vadd.f32 $-1.000000000e+00, v25  }
0x35f: {  	v43 =	vmul.f32 v21, v28;
	v57 =	vsel vm4, $0x3F800000, v3;
	vm4 =	veq.s32 v55, $0x1  }
0x360: {  	v32 =	vsel vm5, v11, v8;
	vm5 =	vgt.s32 v55, $0x0;
	v46 =	vpop (erf);
	v44 =	vmul.f32 $1.024382840e-02, v25  }
0x361: {  	v61 =	vadd.f32 v57, v27;
	v14 =	vadd.f32 v43, v23;
	v47 =	vmul.f32 $3.275117280e-01, v25;
	v49 =	vpop (erf)  }
0x362: {  	v45 =	vmul.f32 v25, v25;
	v48 =	vmul.f32 $1.319896580e-01, v25;
	v52 =	vpop (erf);
	v18 =	vadd.f32 $-5.326747890e-02, v44  }
0x363: {  	v41 =	vld [tilespmem:$0x7710];
	v51 =	vmul.f32 $9.999702570e-01, v25;
	v21 =	vadd.f32 v49, v46;
	v23 =	vadd.f32 $-4.993339480e-01, v47;
	v53 =	vpop (erf)  }
0x364: {  	v63 =	vld [tilespmem:$0x7880];
	v26 =	vadd.f32 $-2.239668970e-01, v48;
	v25 =	vadd.f32 v53, v52;
	v18 =	vmul.f32 v18, v45  }
0x365: {  	v62 =	vld [tilespmem:$0x7800];
	v50 =	vshra.s32 v22, $0x17;
	v54 =	vmul.f32 v45, v45;
	v22 =	vadd.f32 $2.215976450e-07, v51  }
0x366: {  	v58 =	vld [tilespmem:$0x7780];
	v16 =	vmul.f32 v23, v45;
	v21 =	vadd.f32 v25, v21;
	v18 =	vadd.f32 v18, v26  }
0x367: {  	v5 =	vmul.f32 v5, v57;
	v27 =	vsel vm4, v15, v32;
	vm4 =	veq.s32 v55, $0x0;
	v43 =	vld [tilespmem:$0x7790]  }
0x368: {  	v16 =	vadd.f32 v16, v22;
	v59 =	vand.u32 $0x7FFFFF, v21;
	v18 =	vmul.f32 v18, v54  }
0x369: {  	vm5 =	vmand vm0, vm5;
	v8 =	vmul.f32 v63, v8;
	v60 =	vor.u32 $0x3F800000, v59  }
0x36a: {  	v11 =	vmul.f32 v62, v11;
	v16 =	vadd.f32 v18, v16;
	v18 =	vadd.f32 $-1.000000000e+00, v60  }
0x36b: {  	v15 =	vmul.f32 v58, v15;
	v9 =	vadd.s32 $0xFFFFFF81, v50;
	v50 =	vmul.f32 v41, v4  }
0x36c: {  	v8 =	vadd.f32 v8, v11;
	v11 =	vmul.f32 v43, v10;
	v33 =	vmul.f32 $1.024382840e-02, v18  }
0x36d: {  	v56 =	vld [tilespmem:$0x7700];
	v5 =	vadd.f32 v5, v24;
	v9 =	vcvt.s32.f32 v9;
	v34 =	vmul.f32 v18, v18  }
0x36e: {  	v35 =	vmul.f32 $3.275117280e-01, v18;
	v36 =	vmul.f32 $1.319896580e-01, v18;
	v29 =	vadd.f32 $-5.326747890e-02, v33  }
0x36f: {  	v9 =	vmul.f32 $6.931471820e-01, v9;
	v48 =	vsel vm5, $0x3F800000, v3;
	v18 =	vmul.f32 $9.999702570e-01, v18  }
0x370: {  	v37 =	vadd.f32 $-4.993339480e-01, v35;
	v38 =	vadd.f32 $-2.239668970e-01, v36;
	v29 =	vmul.f32 v29, v34  }
0x371: {  	v53 =	vadd.f32 v11, v50;
	v39 =	vshra.s32 v21, $0x17;
	v40 =	vmul.f32 v34, v34  }
0x372: {  	v44 =	vld [tilespmem:$0x7910];
	v18 =	vadd.f32 $2.215976450e-07, v18;
	v19 =	vmul.f32 v37, v34;
	v42 =	vadd.f32 v29, v38  }
0x373: {  	v47 =	vld [tilespmem:$0x7890];
	v25 =	vmul.f32 v56, v6;
	v9 =	vadd.f32 v16, v9;
	v16 =	vadd.s32 $0xFFFFFF81, v39  }
0x374: {  	v46 =	vld [tilespmem:$0x7810];
	v16 =	vcvt.s32.f32 v16;
	v18 =	vadd.f32 v19, v18;
	v45 =	vmul.f32 v42, v40  }
0x375: {  	v57 =	vadd.f32 v48, v61;
	v6 =	vsel vm4, v6, v27;
	vm4 =	vmand vm0, vm4  }
0x376: {  	v15 =	vadd.f32 v15, v25;
	v16 =	vmul.f32 $6.931471820e-01, v16;
	v18 =	vadd.f32 v45, v18  }
0x377: {  	vm5 =	veq.s32 v44, $0x0;
	vm13 =	veq.s32 v44, $0x1;
	vm14 =	veq.s32 v44, $0x2  }
0x378: {  	v51 =	vmul.f32 v47, v17;
	v9 =	vadd.f32 v9, v12;
	v16 =	vadd.f32 v18, v16  }
0x379: {  	vm15 =	vgt.s32 v44, $0x0;
	v49 =	vsel vm14, v13, v17;
	v12 =	vmul.f32 v46, v13  }
0x37a: {  	v10 =	vsel vm13, v10, v49;
	v6 =	vsub.f32 v9, v6;
	v52 =	vadd.f32 v16, v20  }
0x37b: {  	v8 =	vadd.f32 v8, v15;
	v4 =	vsel vm5, v4, v10;
	v54 =	vadd.f32 v51, v12  }
0x37c: {  	vm6 =	vmand vm0, vm15;
	v6 =	vmul.f32 v6, v48;
	v4 =	vsub.f32 v52, v4  }
0x37d: {  	v56 =	vsel vm6, $0x3F800000, v3;
	v8 =	vsub.f32 v9, v8;
	v10 =	vadd.f32 v54, v53  }
0x37e: {  	v55 =	vsel vm4, $0x3F800000, v3;
	v5 =	vadd.f32 v6, v5;
	v4 =	vmul.f32 v4, v56  }
0x37f: {  	vm4 =	vmand vm0, vm5;
	v8 =	vmul.f32 v8, v55;
	v58 =	vsub.f32 v52, v10  }
0x380: {  	v7 =	vadd.f32 v28, v7;
	v59 =	vsel vm4, $0x3F800000, v3;
	v4 =	vadd.f32 v4, v5  }
0x381: {  	v6 =	vadd.f32 v56, v57;
	v60 =	vmul.f32 v58, v59;
	v5 =	vadd.f32 v8, v14  }
0x382: {  	(xrf2) =	vadd.scan.msk.f32 $0xffff, v4  }
0x383: {  	v4 =	vadd.f32 v55, v7;
	v5 =	vadd.f32 v60, v5;
	(xrf2) =	vadd.scan.msk.f32 $0xffff, v6;
	_ =	sdelay $0x1  }
0x384: {  	v4 =	vadd.f32 v59, v4;
	(xrf2) =	vadd.scan.msk.f32 $0xffff, v5;
	_ =	sdelay $0x1  }
0x385: {  	(xrf2) =	vadd.scan.msk.f32 $0xffff, v4;
	_ =	sdelay $0x4  }
0x386: {  	v4, _, _ =	vpop (xrf2)  }
0x387: {  	v5, _, _ =	vpop (xrf2)  }
0x388: {  	v4 =	vbroadcast v4, $0xF;
	v5 =	vbroadcast v5, $0xF  }
0x389: {  	vm4 =	vmmov $0x1;
	v61, _, _ =	vpop (xrf2)  }
0x38a: {  	v4 =	vnsel vm4, $0x0, v4;
	v6 =	vbroadcast v61, $0xF;
	v5 =	vnsel vm1, $0x0, v5  }
0x38b: {  	v62, _, _ =	vpop (xrf2);
	v4 =	vadd.f32 v5, v4  }
0x38c: {  	v5 =	vnsel vm2, $0x0, v6;
	v63 =	vbroadcast v62, $0xF  }
0x38d: {  	v4 =	vadd.f32 v5, v4  }
0x38e: {  	v5 =	vnsel vm3, $0x0, v63  }
0x38f: {  	s23 =	sadd.s32 $0x1, s23;
	v4 =	vadd.f32 v5, v4  }
0x390: {  	p0 =	sne.s32 s23, s20  }
.Ltmp6:
0x391: {  	s29 =	simm.s32 $0x7980;
	[tilespmem:$0x7980] =	vst v4;
	(pc) =	sbr.rel @p0 .LBB2_1-.Ltmp6, $4  }
0x392: {  	[hbm4b:s18+s2] =	stream.linear.scatter [tilespmem:s29], [sflag:$0x6], $0x80, $0x38;
	[tilespmem:$0x7A00] =	vst v63  }
0x393: {  	_ =	swait.ge [sflag:s22], $0x80  }
0x394: {  	[sflag:s22] =	ssyncset.done $0x0  }
0x395: {  	[sflag:s22] =	ssyncadd.s32 $0xFFFFFF80  }
0x396: {  	_ =	sfence.sel $0x180000  }
0x397: {  	[bflag:$0x0] =	sbarrier.arrive $0xFFFF  }
0x398: {  	_ =	strace $0x90000047  }
0x399: {  	s0 =	stileid.u32;
	[bflag:$0x2] =	sbarrier.arrive $0xFFFF  }
0x39a: {  	p0 =	sne.s32 s0, $0x0;
	s0 =	rddreg [dreg:$0x4]  }
0x39b: {  	s0 =	sadd.s32 @!p0 $0x100000, s0  }
0x39c: {  	[sflag:s0] =	ssyncadd.tile.s32 @!p0 $0x1;
	_ =	shalt  }
.Lfunc_end2:
_tile_overlayer_lowered:
.L_overlay_start_2:
0x39d: {  	(tag) =	ssettag $0x2  }
0x39e: {  	s0 =	rddreg [dreg:$0x0];
	s2 =	stileid.u32  }
0x39f: {  	s1 =	rddreg [dreg:$0x1];
	p0 =	sne.s32 s2, $0x0  }
0x3a0: {  	s3 =	rddreg [dreg:$0x2];
	[bflag:$0x3] =	sbarrier.arrive $0xFFFF;
	s2 =	simm.s32 @!p0 $0x1C06  }
0x3a1: {  	[timem:s3], [sflag:s2] =	dma.local @!p0 [hbm:s0], s1  }
0x3a2: {  	s0 =	simm.s32 @!p0 $0x6  }
0x3a3: {  	_ =	swait.ge @!p0 [sflag:s0], s1  }
0x3a4: {  	s1 =	ssub.s32 @!p0 $0x0, s1;
	[sflag:s0] =	ssyncset.done @!p0 $0x0  }
0x3a5: {  	[sflag:s0] =	ssyncadd.s32 @!p0 s1  }
0x3a6: {  	[bflag:$0x3] =	sbarrier.arrive $0xFFFF  }
0x3a7: {  	_ =	shalt  }

</sc_bundles>
